<compile_context>
chip_gen: v7x
topology: tpu7x:2x2x1
jax: 0.10.2.dev20260603
libtpu: 0.0.44.dev20260713+nightly
codegen_flags: <defaults>
</compile_context>

<pallas_src>
import functools

import jax
import jax.numpy as jnp
from jax import lax
from jax.experimental import pallas as pl
from jax.experimental.pallas import tpu as pltpu
from jax.experimental.pallas import tpu_sc as plsc

N = 50000
C = 128
K = 9
M_NEW = 65536
OUT_ROWS = M_NEW // 4

NW = 32
NP = 50176
SB = 392
NCH = NP // SB
CH_A = 5
CH_B = 3
NCH_A = 16 * CH_A
ZROW = NP
TAILZ = 512
BX = 512
SB5 = 64
OPW = OUT_ROWS // NW

_MESH = plsc.VectorSubcoreMesh(core_axis_name="c", subcore_axis_name="s")


def _mm_body(relu_input):
    def body(x_ref, w_ref, b_ref, o_ref):
        xb = x_ref[...]
        if relu_input:
            xb = jnp.maximum(xb, 0)
        xb = xb.astype(jnp.bfloat16)
        res = jnp.dot(xb, w_ref[...], preferred_element_type=jnp.float32)
        for k in range(K):
            o_ref[k] = res[:, k * C:(k + 1) * C] + b_ref[...]
    return body


def _mm_call(xin, wc, b9, relu_input):
    return pl.pallas_call(
        _mm_body(relu_input),
        grid=(NP // BX,),
        in_specs=[
            pl.BlockSpec((BX, C), lambda i: (i, 0)),
            pl.BlockSpec((C, K * C), lambda i: (0, 0)),
            pl.BlockSpec((1, C), lambda i: (0, 0)),
        ],
        out_specs=pl.BlockSpec((K, BX, C), lambda i: (0, i, 0)),
        out_shape=jax.ShapeDtypeStruct((K, NP, C), jnp.float32),
    )(xin, wc, b9)


def _make_sc_conv(zero_tail):
    out_rows = NP + (TAILZ if zero_tail else 0)

    @functools.partial(
        pl.kernel,
        mesh=_MESH,
        out_type=jax.ShapeDtypeStruct((out_rows, C), jnp.float32),
        scratch_types=[
            pltpu.VMEM((K * SB,), jnp.int32),
            pltpu.VMEM((SB, C), jnp.float32),
            pltpu.SemaphoreType.DMA,
        ],
    )
    def sc_conv(table, idx3, out, idx_v, acc_v, sem):
        core = lax.axis_index("c")
        sub_ix = lax.axis_index("s")
        cnt = jnp.where(core == 0, CH_A, CH_B)
        chunk0 = jnp.where(core == 0, sub_ix * CH_A, NCH_A + sub_ix * CH_B)
        z = jnp.zeros((16,), jnp.float32)

        def sub(s, carry):
            chunk = chunk0 + s
            row0 = chunk * SB
            pltpu.sync_copy(idx3.at[chunk], idx_v)

            def zrow(r, c2):
                for t in range(C // 16):
                    acc_v[r, pl.ds(t * 16, 16)] = z
                return c2

            lax.fori_loop(0, SB, zrow, 0)
            descs = [
                pltpu.async_copy(
                    table.at[idx_v.at[pl.ds(k * SB, SB)]], acc_v, sem,
                    add=True)
                for k in range(K)
            ]
            for d in descs:
                d.wait()
            pltpu.sync_copy(acc_v, out.at[pl.ds(row0, SB)])
            return carry

        lax.fori_loop(0, cnt, sub, 0)

        if zero_tail:
            wid = sub_ix * 2 + core

            def ztrow(r, c2):
                for t in range(C // 16):
                    acc_v[r, pl.ds(t * 16, 16)] = z
                return c2

            lax.fori_loop(0, 16, ztrow, 0)
            pltpu.sync_copy(acc_v.at[pl.ds(0, 16)],
                            out.at[pl.ds(NP + wid * 16, 16)])

    return sc_conv


_sc_conv_plain = _make_sc_conv(zero_tail=False)
_sc_conv_tail = _make_sc_conv(zero_tail=True)


@functools.partial(
    pl.kernel,
    mesh=_MESH,
    out_type=jax.ShapeDtypeStruct((OUT_ROWS, C), jnp.float32),
    scratch_types=[
        pltpu.VMEM((4 * SB5,), jnp.int32),
        pltpu.VMEM((4 * SB5, C), jnp.float32),
        pltpu.VMEM((SB5, C), jnp.float32),
        pltpu.SemaphoreType.DMA,
    ],
)
def _sc_pool(table, perm_h, out, pidx_v, gbuf_v, obuf_v, sem):
    wid = lax.axis_index("s") * 2 + lax.axis_index("c")
    iota16 = lax.iota(jnp.int32, 16)

    def sub(s, carry):
        ob = wid * OPW + s * SB5
        pltpu.sync_copy(perm_h.at[pl.ds(4 * ob, 4 * SB5)], pidx_v)

        def fix(j, c2):
            sl = pl.ds(j * 16, 16)
            v = pidx_v[sl]
            zr = ZROW + ((j * 16 + iota16) & (TAILZ - 1))
            pidx_v[sl] = jnp.where(v < N, v, zr)
            return c2

        lax.fori_loop(0, (4 * SB5) // 16, fix, 0)
        pltpu.async_copy(table.at[pidx_v], gbuf_v, sem).wait()

        def pool(j, c2):
            for t in range(C // 16):
                sl = pl.ds(t * 16, 16)
                m01 = jnp.maximum(gbuf_v[4 * j, sl], gbuf_v[4 * j + 1, sl])
                m23 = jnp.maximum(gbuf_v[4 * j + 2, sl], gbuf_v[4 * j + 3, sl])
                obuf_v[j, sl] = jnp.maximum(jnp.maximum(m01, m23), 0.0)
            return c2

        lax.fori_loop(0, SB5, pool, 0)
        pltpu.sync_copy(obuf_v, out.at[pl.ds(ob, SB5)])
        return carry

    lax.fori_loop(0, OPW // SB5, sub, 0)


def kernel(x, adj, perm, W1, b1, W2, b2):
    xp = jnp.pad(x, ((0, NP - N), (0, 0)))
    adjp = jnp.pad(adj, ((0, NP - N), (0, 0))).astype(jnp.int32)
    idx3 = (adjp.reshape(NCH, SB, K)
            + (jnp.arange(K, dtype=jnp.int32) * NP)[None, None, :])
    idx3 = idx3.transpose(0, 2, 1).reshape(NCH, K * SB)
    wc1 = W1.reshape(K, C, C).transpose(1, 0, 2).reshape(C, K * C).astype(
        jnp.bfloat16)
    wc2 = W2.reshape(K, C, C).transpose(1, 0, 2).reshape(C, K * C).astype(
        jnp.bfloat16)
    b19 = (b1 / K).reshape(1, C)
    b29 = (b2 / K).reshape(1, C)

    y1 = _mm_call(xp, wc1, b19, relu_input=False).reshape(K * NP, C)
    net1 = _sc_conv_plain(y1, idx3)
    y2 = _mm_call(net1, wc2, b29, relu_input=True).reshape(K * NP, C)
    net2 = _sc_conv_tail(y2, idx3)
    return _sc_pool(net2, perm)

# --- scband reference (transcript-rebuilt; emitter-appended) ---
"""Pipeline reference for scband-block-33363305955432 (READ-ONLY COPY).

The authoritative reference and input builder live on the scoring server;
editing this copy changes nothing except your own understanding.
"""

import jax, jax.numpy as jnp
import numpy as np

N = 50000
C_IN = 128
C_OUT = 128
K = 9
M_NEW = 65536
COARSE = 2


def setup_inputs(seed: int = 0) -> dict:
    key = jax.random.key(seed)
    k1, k2, k3, k4, k5 = jax.random.split(key, 5)
    x = jax.random.normal(k1, (N, C_IN), dtype=jnp.float32)
    adj = jax.random.randint(k2, (N, K), 0, N, dtype=jnp.int32)
    perm = jax.random.randint(k3, (M_NEW,), 0, M_NEW, dtype=jnp.int32)
    # Conv_Mesh parameters: gather K neighbors, flatten, dense projection
    W1 = jax.random.normal(k4, (K * C_IN, C_IN), dtype=jnp.float32) * 0.05
    b1 = jnp.zeros((C_IN,), dtype=jnp.float32)
    W2 = jax.random.normal(k5, (K * C_IN, C_OUT), dtype=jnp.float32) * 0.05
    b2 = jnp.zeros((C_OUT,), dtype=jnp.float32)
    return {"x": x, "adj": adj, "perm": perm, "W1": W1, "b1": b1, "W2": W2, "b2": b2}


def reference(x, adj, perm, W1, b1, W2, b2):
    def conv_mesh(inp, W, b):
        # gather fixed-size K-neighborhood per node: [N, K, C]
        g = jnp.take(inp, adj, axis=0)
        g = g.reshape((g.shape[0], -1))
        return g @ W + b

    net = jax.nn.relu(conv_mesh(x, W1, b1))
    net = jax.nn.relu(conv_mesh(net, W2, b2))
    # perm_data: pad with fake zero nodes to M_NEW, then permute
    fake = jnp.zeros((M_NEW - net.shape[0], net.shape[1]), dtype=jnp.float32)
    sample = jnp.concatenate([net, fake], axis=0)
    net = jnp.take(sample, perm, axis=0)
    # MaxPooling1D(pool_size=2, strides=2) applied coarse_level times over node axis
    for _ in range(COARSE):
        net = net.reshape((net.shape[0] // 2, 2, net.shape[1])).max(axis=1)
    return net

if __name__ == "__main__":
    import jax
    _d = setup_inputs()
    print(jax.jit(kernel)(*tuple(_d.values())))

</pallas_src>

<mosaic_0001>
#map = affine_map<(d0, d1) -> (0, 0)>
module attributes {stable_mosaic.version = 14 : i64} {
  func.func @sc_conv(%arg0: i32, %arg1: i32, %arg2: memref<451584x128xf32, #tpu.memory_space<hbm>>, %arg3: memref<128x3528xi32, #tpu.memory_space<hbm>>, %arg4: memref<50176x128xf32, #tpu.memory_space<hbm>>, %arg5: memref<3528xi32, #tpu.memory_space<vmem>>, %arg6: memref<392x128xf32, #tpu.memory_space<vmem>>, %arg7: memref<!tpu.dma_semaphore, #tpu.memory_space<semaphore_mem>>) attributes {dimension_semantics = [#tpu.dimension_semantics<core_parallel>, #tpu.dimension_semantics<subcore_parallel>], iteration_bounds = array<i64: 2, 16>, scalar_prefetch = 0 : i64, scratch_operands = 3 : i64, tpu.core_type = #tpu.core_type<sc_vector_subcore>, window_params = [{transform_indices = #map}, {transform_indices = #map}, {transform_indices = #map}]} {
    %eq3A = arith.constant 0 : i32
    %eq3A_0 = arith.cmpi eq, %arg0, %eq3A : i32
    %jit3A = arith.constant 5 : i32
    %jit3A_1 = arith.constant 3 : i32
    %select_n3A = arith.select %eq3A_0, %jit3A, %jit3A_1 : i32
    %eq3A_2 = arith.constant 0 : i32
    %eq3A_3 = arith.cmpi eq, %arg0, %eq3A_2 : i32
    %mul3A = arith.constant 5 : i32
    %mul3A_4 = arith.muli %arg1, %mul3A : i32
    %mul3A_5 = arith.constant 3 : i32
    %mul3A_6 = arith.muli %arg1, %mul3A_5 : i32
    %add3A = arith.constant 80 : i32
    %add3A_7 = arith.addi %add3A, %mul3A_6 : i32
    %select_n3A_8 = arith.select %eq3A_3, %mul3A_4, %add3A_7 : i32
    %broadcast_in_dim3A = arith.constant 0.000000e+00 : f32
    %broadcast_in_dim3A_9 = vector.broadcast %broadcast_in_dim3A : f32 to vector<16xf32>
    %while3A = arith.constant 0 : i32
    %while3A_10 = arith.constant 0 : i32
    %while3A_11 = arith.subi %select_n3A, %while3A_10 : i32
    %while3A_12 = arith.addi %while3A_10, %while3A_11 : i32
    %while3A_13 = arith.constant 1 : i32
    %while3A_14 = arith.divsi %while3A_11, %while3A_13 : i32
    %while3A_15 = arith.muli %while3A_14, %while3A_13 : i32
    %while3A_16 = arith.addi %while3A_10, %while3A_15 : i32
    %while3A_17 = arith.constant 1 : i32
    scf.for %while3A_19 = %while3A_10 to %while3A_16 step %while3A_17  : i32 {
      %add3A_20 = arith.addi %select_n3A_8, %while3A_19 : i32
      %mul3A_21 = arith.constant 392 : i32
      %mul3A_22 = arith.muli %add3A_20, %mul3A_21 : i32
      "tpu.region"() ({
        %run_scoped3A = tpu.sem_alloc : memref<!tpu.dma_semaphore, #tpu.memory_space<semaphore_mem>>
        %dma_start3A_116 = arith.constant 0 : i32
        %dma_start3A_117 = tpu.memref_slice %arg3[%add3A_20, %dma_start3A_116] : memref<128x3528xi32, #tpu.memory_space<hbm>> -> memref<1x3528xi32, #tpu.memory_space<hbm>>
        %dma_start3A_118 = tpu.memref_squeeze %dma_start3A_117 : memref<1x3528xi32, #tpu.memory_space<hbm>> -> memref<3528xi32, #tpu.memory_space<hbm>>
        %dma_start3A_119 = arith.constant 0 : i32
        %dma_start3A_120 = tpu.memref_slice %arg3[%add3A_20, %dma_start3A_119] : memref<128x3528xi32, #tpu.memory_space<hbm>> -> memref<1x3528xi32, #tpu.memory_space<hbm>>
        %dma_start3A_121 = tpu.memref_squeeze %dma_start3A_120 : memref<1x3528xi32, #tpu.memory_space<hbm>> -> memref<3528xi32, #tpu.memory_space<hbm>>
        tpu.enqueue_dma source(%dma_start3A_121 : memref<3528xi32, #tpu.memory_space<hbm>>) target(%arg5 : memref<3528xi32, #tpu.memory_space<vmem>>) target_semaphore(%run_scoped3A : memref<!tpu.dma_semaphore, #tpu.memory_space<semaphore_mem>>)
        %dma_wait3A_122 = arith.constant 0 : i32
        %dma_wait3A_123 = tpu.memref_slice %arg3[%add3A_20, %dma_wait3A_122] : memref<128x3528xi32, #tpu.memory_space<hbm>> -> memref<1x3528xi32, #tpu.memory_space<hbm>>
        %dma_wait3A_124 = tpu.memref_squeeze %dma_wait3A_123 : memref<1x3528xi32, #tpu.memory_space<hbm>> -> memref<3528xi32, #tpu.memory_space<hbm>>
        %dma_wait3A_125 = arith.constant 0 : i32
        %dma_wait3A_126 = tpu.memref_slice %arg3[%add3A_20, %dma_wait3A_125] : memref<128x3528xi32, #tpu.memory_space<hbm>> -> memref<1x3528xi32, #tpu.memory_space<hbm>>
        %dma_wait3A_127 = tpu.memref_squeeze %dma_wait3A_126 : memref<1x3528xi32, #tpu.memory_space<hbm>> -> memref<3528xi32, #tpu.memory_space<hbm>>
        tpu.wait_dma2 semaphore(%run_scoped3A : memref<!tpu.dma_semaphore, #tpu.memory_space<semaphore_mem>>) src(%dma_wait3A_127 : memref<3528xi32, #tpu.memory_space<hbm>>) dst(%arg5 : memref<3528xi32, #tpu.memory_space<vmem>>)
        tpu.yield
      }) : () -> ()
      %scan3A = arith.constant 0 : i32
      %scan3A_23 = arith.constant 0 : i32
      %scan3A_24 = arith.constant 392 : i32
      %scan3A_25 = arith.addi %scan3A_23, %scan3A_24 : i32
      %scan3A_26 = arith.constant 1 : i32
      scf.for %scan3A_116 = %scan3A_23 to %scan3A_25 step %scan3A_26  : i32 {
        %swap3A = arith.index_cast %scan3A_116 : i32 to index
        %swap3A_117 = arith.constant 0 : index
        %swap3A_118 = tpu.vector_load %arg6[%swap3A, %swap3A_117] {strides = array<i32>} : memref<392x128xf32, #tpu.memory_space<vmem>>, vector<1x16xf32>,
        %swap3A_119 = vector.shape_cast %swap3A_118 : vector<1x16xf32> to vector<16xf32>
        %swap3A_120 = vector.shape_cast %broadcast_in_dim3A_9 : vector<16xf32> to vector<1x16xf32>
        tpu.vector_store %arg6[%swap3A, %swap3A_117], %swap3A_120 {strides = array<i32>} : memref<392x128xf32, #tpu.memory_space<vmem>>, vector<1x16xf32>,
        %swap3A_121 = arith.index_cast %scan3A_116 : i32 to index
        %swap3A_122 = arith.constant 16 : index
        %swap3A_123 = tpu.vector_load %arg6[%swap3A_121, %swap3A_122] {strides = array<i32>} : memref<392x128xf32, #tpu.memory_space<vmem>>, vector<1x16xf32>,
        %swap3A_124 = vector.shape_cast %swap3A_123 : vector<1x16xf32> to vector<16xf32>
        %swap3A_125 = vector.shape_cast %broadcast_in_dim3A_9 : vector<16xf32> to vector<1x16xf32>
        tpu.vector_store %arg6[%swap3A_121, %swap3A_122], %swap3A_125 {strides = array<i32>} : memref<392x128xf32, #tpu.memory_space<vmem>>, vector<1x16xf32>,
        %swap3A_126 = arith.index_cast %scan3A_116 : i32 to index
        %swap3A_127 = arith.constant 32 : index
        %swap3A_128 = tpu.vector_load %arg6[%swap3A_126, %swap3A_127] {strides = array<i32>} : memref<392x128xf32, #tpu.memory_space<vmem>>, vector<1x16xf32>,
        %swap3A_129 = vector.shape_cast %swap3A_128 : vector<1x16xf32> to vector<16xf32>
        %swap3A_130 = vector.shape_cast %broadcast_in_dim3A_9 : vector<16xf32> to vector<1x16xf32>
        tpu.vector_store %arg6[%swap3A_126, %swap3A_127], %swap3A_130 {strides = array<i32>} : memref<392x128xf32, #tpu.memory_space<vmem>>, vector<1x16xf32>,
        %swap3A_131 = arith.index_cast %scan3A_116 : i32 to index
        %swap3A_132 = arith.constant 48 : index
        %swap3A_133 = tpu.vector_load %arg6[%swap3A_131, %swap3A_132] {strides = array<i32>} : memref<392x128xf32, #tpu.memory_space<vmem>>, vector<1x16xf32>,
        %swap3A_134 = vector.shape_cast %swap3A_133 : vector<1x16xf32> to vector<16xf32>
        %swap3A_135 = vector.shape_cast %broadcast_in_dim3A_9 : vector<16xf32> to vector<1x16xf32>
        tpu.vector_store %arg6[%swap3A_131, %swap3A_132], %swap3A_135 {strides = array<i32>} : memref<392x128xf32, #tpu.memory_space<vmem>>, vector<1x16xf32>,
        %swap3A_136 = arith.index_cast %scan3A_116 : i32 to index
        %swap3A_137 = arith.constant 64 : index
        %swap3A_138 = tpu.vector_load %arg6[%swap3A_136, %swap3A_137] {strides = array<i32>} : memref<392x128xf32, #tpu.memory_space<vmem>>, vector<1x16xf32>,
        %swap3A_139 = vector.shape_cast %swap3A_138 : vector<1x16xf32> to vector<16xf32>
        %swap3A_140 = vector.shape_cast %broadcast_in_dim3A_9 : vector<16xf32> to vector<1x16xf32>
        tpu.vector_store %arg6[%swap3A_136, %swap3A_137], %swap3A_140 {strides = array<i32>} : memref<392x128xf32, #tpu.memory_space<vmem>>, vector<1x16xf32>,
        %swap3A_141 = arith.index_cast %scan3A_116 : i32 to index
        %swap3A_142 = arith.constant 80 : index
        %swap3A_143 = tpu.vector_load %arg6[%swap3A_141, %swap3A_142] {strides = array<i32>} : memref<392x128xf32, #tpu.memory_space<vmem>>, vector<1x16xf32>,
        %swap3A_144 = vector.shape_cast %swap3A_143 : vector<1x16xf32> to vector<16xf32>
        %swap3A_145 = vector.shape_cast %broadcast_in_dim3A_9 : vector<16xf32> to vector<1x16xf32>
        tpu.vector_store %arg6[%swap3A_141, %swap3A_142], %swap3A_145 {strides = array<i32>} : memref<392x128xf32, #tpu.memory_space<vmem>>, vector<1x16xf32>,
        %swap3A_146 = arith.index_cast %scan3A_116 : i32 to index
        %swap3A_147 = arith.constant 96 : index
        %swap3A_148 = tpu.vector_load %arg6[%swap3A_146, %swap3A_147] {strides = array<i32>} : memref<392x128xf32, #tpu.memory_space<vmem>>, vector<1x16xf32>,
        %swap3A_149 = vector.shape_cast %swap3A_148 : vector<1x16xf32> to vector<16xf32>
        %swap3A_150 = vector.shape_cast %broadcast_in_dim3A_9 : vector<16xf32> to vector<1x16xf32>
        tpu.vector_store %arg6[%swap3A_146, %swap3A_147], %swap3A_150 {strides = array<i32>} : memref<392x128xf32, #tpu.memory_space<vmem>>, vector<1x16xf32>,
        %swap3A_151 = arith.index_cast %scan3A_116 : i32 to index
        %swap3A_152 = arith.constant 112 : index
        %swap3A_153 = tpu.vector_load %arg6[%swap3A_151, %swap3A_152] {strides = array<i32>} : memref<392x128xf32, #tpu.memory_space<vmem>>, vector<1x16xf32>,
        %swap3A_154 = vector.shape_cast %swap3A_153 : vector<1x16xf32> to vector<16xf32>
        %swap3A_155 = vector.shape_cast %broadcast_in_dim3A_9 : vector<16xf32> to vector<1x16xf32>
        tpu.vector_store %arg6[%swap3A_151, %swap3A_152], %swap3A_155 {strides = array<i32>} : memref<392x128xf32, #tpu.memory_space<vmem>>, vector<1x16xf32>,
      }
      %scan3A_27 = arith.constant 392 : i32
      %dma_start3A = arith.constant 0 : i32
      %dma_start3A_28 = tpu.memref_slice %arg5[%dma_start3A] : memref<3528xi32, #tpu.memory_space<vmem>> -> memref<392xi32, #tpu.memory_space<vmem>>
      %dma_start3A_29 = arith.constant 0 : i32
      %dma_start3A_30 = arith.constant 0 : i32
      %dma_start3A_31 = tpu.memref_slice %arg2[%dma_start3A_29, %dma_start3A_30] : memref<451584x128xf32, #tpu.memory_space<hbm>> -> memref<451584x128xf32, #tpu.memory_space<hbm>>
      tpu.enqueue_indirect_dma source(%dma_start3A_31 : memref<451584x128xf32, #tpu.memory_space<hbm>>) target(%arg6 : memref<392x128xf32, #tpu.memory_space<vmem>>) offsets(%dma_start3A_28 : memref<392xi32, #tpu.memory_space<vmem>>) semaphore(%arg7 : memref<!tpu.dma_semaphore, #tpu.memory_space<semaphore_mem>>) {add = true}
      %dma_start3A_32 = arith.constant 392 : i32
      %dma_start3A_33 = tpu.memref_slice %arg5[%dma_start3A_32] : memref<3528xi32, #tpu.memory_space<vmem>> -> memref<392xi32, #tpu.memory_space<vmem>>
      %dma_start3A_34 = arith.constant 0 : i32
      %dma_start3A_35 = arith.constant 0 : i32
      %dma_start3A_36 = tpu.memref_slice %arg2[%dma_start3A_34, %dma_start3A_35] : memref<451584x128xf32, #tpu.memory_space<hbm>> -> memref<451584x128xf32, #tpu.memory_space<hbm>>
      tpu.enqueue_indirect_dma source(%dma_start3A_36 : memref<451584x128xf32, #tpu.memory_space<hbm>>) target(%arg6 : memref<392x128xf32, #tpu.memory_space<vmem>>) offsets(%dma_start3A_33 : memref<392xi32, #tpu.memory_space<vmem>>) semaphore(%arg7 : memref<!tpu.dma_semaphore, #tpu.memory_space<semaphore_mem>>) {add = true}
      %dma_start3A_37 = arith.constant 784 : i32
      %dma_start3A_38 = tpu.memref_slice %arg5[%dma_start3A_37] : memref<3528xi32, #tpu.memory_space<vmem>> -> memref<392xi32, #tpu.memory_space<vmem>>
      %dma_start3A_39 = arith.constant 0 : i32
      %dma_start3A_40 = arith.constant 0 : i32
      %dma_start3A_41 = tpu.memref_slice %arg2[%dma_start3A_39, %dma_start3A_40] : memref<451584x128xf32, #tpu.memory_space<hbm>> -> memref<451584x128xf32, #tpu.memory_space<hbm>>
      tpu.enqueue_indirect_dma source(%dma_start3A_41 : memref<451584x128xf32, #tpu.memory_space<hbm>>) target(%arg6 : memref<392x128xf32, #tpu.memory_space<vmem>>) offsets(%dma_start3A_38 : memref<392xi32, #tpu.memory_space<vmem>>) semaphore(%arg7 : memref<!tpu.dma_semaphore, #tpu.memory_space<semaphore_mem>>) {add = true}
      %dma_start3A_42 = arith.constant 1176 : i32
      %dma_start3A_43 = tpu.memref_slice %arg5[%dma_start3A_42] : memref<3528xi32, #tpu.memory_space<vmem>> -> memref<392xi32, #tpu.memory_space<vmem>>
      %dma_start3A_44 = arith.constant 0 : i32
      %dma_start3A_45 = arith.constant 0 : i32
      %dma_start3A_46 = tpu.memref_slice %arg2[%dma_start3A_44, %dma_start3A_45] : memref<451584x128xf32, #tpu.memory_space<hbm>> -> memref<451584x128xf32, #tpu.memory_space<hbm>>
      tpu.enqueue_indirect_dma source(%dma_start3A_46 : memref<451584x128xf32, #tpu.memory_space<hbm>>) target(%arg6 : memref<392x128xf32, #tpu.memory_space<vmem>>) offsets(%dma_start3A_43 : memref<392xi32, #tpu.memory_space<vmem>>) semaphore(%arg7 : memref<!tpu.dma_semaphore, #tpu.memory_space<semaphore_mem>>) {add = true}
      %dma_start3A_47 = arith.constant 1568 : i32
      %dma_start3A_48 = tpu.memref_slice %arg5[%dma_start3A_47] : memref<3528xi32, #tpu.memory_space<vmem>> -> memref<392xi32, #tpu.memory_space<vmem>>
      %dma_start3A_49 = arith.constant 0 : i32
      %dma_start3A_50 = arith.constant 0 : i32
      %dma_start3A_51 = tpu.memref_slice %arg2[%dma_start3A_49, %dma_start3A_50] : memref<451584x128xf32, #tpu.memory_space<hbm>> -> memref<451584x128xf32, #tpu.memory_space<hbm>>
      tpu.enqueue_indirect_dma source(%dma_start3A_51 : memref<451584x128xf32, #tpu.memory_space<hbm>>) target(%arg6 : memref<392x128xf32, #tpu.memory_space<vmem>>) offsets(%dma_start3A_48 : memref<392xi32, #tpu.memory_space<vmem>>) semaphore(%arg7 : memref<!tpu.dma_semaphore, #tpu.memory_space<semaphore_mem>>) {add = true}
      %dma_start3A_52 = arith.constant 1960 : i32
      %dma_start3A_53 = tpu.memref_slice %arg5[%dma_start3A_52] : memref<3528xi32, #tpu.memory_space<vmem>> -> memref<392xi32, #tpu.memory_space<vmem>>
      %dma_start3A_54 = arith.constant 0 : i32
      %dma_start3A_55 = arith.constant 0 : i32
      %dma_start3A_56 = tpu.memref_slice %arg2[%dma_start3A_54, %dma_start3A_55] : memref<451584x128xf32, #tpu.memory_space<hbm>> -> memref<451584x128xf32, #tpu.memory_space<hbm>>
      tpu.enqueue_indirect_dma source(%dma_start3A_56 : memref<451584x128xf32, #tpu.memory_space<hbm>>) target(%arg6 : memref<392x128xf32, #tpu.memory_space<vmem>>) offsets(%dma_start3A_53 : memref<392xi32, #tpu.memory_space<vmem>>) semaphore(%arg7 : memref<!tpu.dma_semaphore, #tpu.memory_space<semaphore_mem>>) {add = true}
      %dma_start3A_57 = arith.constant 2352 : i32
      %dma_start3A_58 = tpu.memref_slice %arg5[%dma_start3A_57] : memref<3528xi32, #tpu.memory_space<vmem>> -> memref<392xi32, #tpu.memory_space<vmem>>
      %dma_start3A_59 = arith.constant 0 : i32
      %dma_start3A_60 = arith.constant 0 : i32
      %dma_start3A_61 = tpu.memref_slice %arg2[%dma_start3A_59, %dma_start3A_60] : memref<451584x128xf32, #tpu.memory_space<hbm>> -> memref<451584x128xf32, #tpu.memory_space<hbm>>
      tpu.enqueue_indirect_dma source(%dma_start3A_61 : memref<451584x128xf32, #tpu.memory_space<hbm>>) target(%arg6 : memref<392x128xf32, #tpu.memory_space<vmem>>) offsets(%dma_start3A_58 : memref<392xi32, #tpu.memory_space<vmem>>) semaphore(%arg7 : memref<!tpu.dma_semaphore, #tpu.memory_space<semaphore_mem>>) {add = true}
      %dma_start3A_62 = arith.constant 2744 : i32
      %dma_start3A_63 = tpu.memref_slice %arg5[%dma_start3A_62] : memref<3528xi32, #tpu.memory_space<vmem>> -> memref<392xi32, #tpu.memory_space<vmem>>
      %dma_start3A_64 = arith.constant 0 : i32
      %dma_start3A_65 = arith.constant 0 : i32
      %dma_start3A_66 = tpu.memref_slice %arg2[%dma_start3A_64, %dma_start3A_65] : memref<451584x128xf32, #tpu.memory_space<hbm>> -> memref<451584x128xf32, #tpu.memory_space<hbm>>
      tpu.enqueue_indirect_dma source(%dma_start3A_66 : memref<451584x128xf32, #tpu.memory_space<hbm>>) target(%arg6 : memref<392x128xf32, #tpu.memory_space<vmem>>) offsets(%dma_start3A_63 : memref<392xi32, #tpu.memory_space<vmem>>) semaphore(%arg7 : memref<!tpu.dma_semaphore, #tpu.memory_space<semaphore_mem>>) {add = true}
      %dma_start3A_67 = arith.constant 3136 : i32
      %dma_start3A_68 = tpu.memref_slice %arg5[%dma_start3A_67] : memref<3528xi32, #tpu.memory_space<vmem>> -> memref<392xi32, #tpu.memory_space<vmem>>
      %dma_start3A_69 = arith.constant 0 : i32
      %dma_start3A_70 = arith.constant 0 : i32
      %dma_start3A_71 = tpu.memref_slice %arg2[%dma_start3A_69, %dma_start3A_70] : memref<451584x128xf32, #tpu.memory_space<hbm>> -> memref<451584x128xf32, #tpu.memory_space<hbm>>
      tpu.enqueue_indirect_dma source(%dma_start3A_71 : memref<451584x128xf32, #tpu.memory_space<hbm>>) target(%arg6 : memref<392x128xf32, #tpu.memory_space<vmem>>) offsets(%dma_start3A_68 : memref<392xi32, #tpu.memory_space<vmem>>) semaphore(%arg7 : memref<!tpu.dma_semaphore, #tpu.memory_space<semaphore_mem>>) {add = true}
      %dma_wait3A = arith.constant 0 : i32
      %dma_wait3A_72 = tpu.memref_slice %arg5[%dma_wait3A] : memref<3528xi32, #tpu.memory_space<vmem>> -> memref<392xi32, #tpu.memory_space<vmem>>
      %dma_wait3A_73 = arith.constant 0 : i32
      %dma_wait3A_74 = arith.constant 0 : i32
      %dma_wait3A_75 = tpu.memref_slice %arg2[%dma_wait3A_73, %dma_wait3A_74] : memref<451584x128xf32, #tpu.memory_space<hbm>> -> memref<451584x128xf32, #tpu.memory_space<hbm>>
      tpu.wait_indirect_dma semaphore(%arg7 : memref<!tpu.dma_semaphore, #tpu.memory_space<semaphore_mem>>) src(%dma_wait3A_75 : memref<451584x128xf32, #tpu.memory_space<hbm>>) dst(%arg6 : memref<392x128xf32, #tpu.memory_space<vmem>>)
      %dma_wait3A_76 = arith.constant 392 : i32
      %dma_wait3A_77 = tpu.memref_slice %arg5[%dma_wait3A_76] : memref<3528xi32, #tpu.memory_space<vmem>> -> memref<392xi32, #tpu.memory_space<vmem>>
      %dma_wait3A_78 = arith.constant 0 : i32
      %dma_wait3A_79 = arith.constant 0 : i32
      %dma_wait3A_80 = tpu.memref_slice %arg2[%dma_wait3A_78, %dma_wait3A_79] : memref<451584x128xf32, #tpu.memory_space<hbm>> -> memref<451584x128xf32, #tpu.memory_space<hbm>>
      tpu.wait_indirect_dma semaphore(%arg7 : memref<!tpu.dma_semaphore, #tpu.memory_space<semaphore_mem>>) src(%dma_wait3A_80 : memref<451584x128xf32, #tpu.memory_space<hbm>>) dst(%arg6 : memref<392x128xf32, #tpu.memory_space<vmem>>)
      %dma_wait3A_81 = arith.constant 784 : i32
      %dma_wait3A_82 = tpu.memref_slice %arg5[%dma_wait3A_81] : memref<3528xi32, #tpu.memory_space<vmem>> -> memref<392xi32, #tpu.memory_space<vmem>>
      %dma_wait3A_83 = arith.constant 0 : i32
      %dma_wait3A_84 = arith.constant 0 : i32
      %dma_wait3A_85 = tpu.memref_slice %arg2[%dma_wait3A_83, %dma_wait3A_84] : memref<451584x128xf32, #tpu.memory_space<hbm>> -> memref<451584x128xf32, #tpu.memory_space<hbm>>
      tpu.wait_indirect_dma semaphore(%arg7 : memref<!tpu.dma_semaphore, #tpu.memory_space<semaphore_mem>>) src(%dma_wait3A_85 : memref<451584x128xf32, #tpu.memory_space<hbm>>) dst(%arg6 : memref<392x128xf32, #tpu.memory_space<vmem>>)
      %dma_wait3A_86 = arith.constant 1176 : i32
      %dma_wait3A_87 = tpu.memref_slice %arg5[%dma_wait3A_86] : memref<3528xi32, #tpu.memory_space<vmem>> -> memref<392xi32, #tpu.memory_space<vmem>>
      %dma_wait3A_88 = arith.constant 0 : i32
      %dma_wait3A_89 = arith.constant 0 : i32
      %dma_wait3A_90 = tpu.memref_slice %arg2[%dma_wait3A_88, %dma_wait3A_89] : memref<451584x128xf32, #tpu.memory_space<hbm>> -> memref<451584x128xf32, #tpu.memory_space<hbm>>
      tpu.wait_indirect_dma semaphore(%arg7 : memref<!tpu.dma_semaphore, #tpu.memory_space<semaphore_mem>>) src(%dma_wait3A_90 : memref<451584x128xf32, #tpu.memory_space<hbm>>) dst(%arg6 : memref<392x128xf32, #tpu.memory_space<vmem>>)
      %dma_wait3A_91 = arith.constant 1568 : i32
      %dma_wait3A_92 = tpu.memref_slice %arg5[%dma_wait3A_91] : memref<3528xi32, #tpu.memory_space<vmem>> -> memref<392xi32, #tpu.memory_space<vmem>>
      %dma_wait3A_93 = arith.constant 0 : i32
      %dma_wait3A_94 = arith.constant 0 : i32
      %dma_wait3A_95 = tpu.memref_slice %arg2[%dma_wait3A_93, %dma_wait3A_94] : memref<451584x128xf32, #tpu.memory_space<hbm>> -> memref<451584x128xf32, #tpu.memory_space<hbm>>
      tpu.wait_indirect_dma semaphore(%arg7 : memref<!tpu.dma_semaphore, #tpu.memory_space<semaphore_mem>>) src(%dma_wait3A_95 : memref<451584x128xf32, #tpu.memory_space<hbm>>) dst(%arg6 : memref<392x128xf32, #tpu.memory_space<vmem>>)
      %dma_wait3A_96 = arith.constant 1960 : i32
      %dma_wait3A_97 = tpu.memref_slice %arg5[%dma_wait3A_96] : memref<3528xi32, #tpu.memory_space<vmem>> -> memref<392xi32, #tpu.memory_space<vmem>>
      %dma_wait3A_98 = arith.constant 0 : i32
      %dma_wait3A_99 = arith.constant 0 : i32
      %dma_wait3A_100 = tpu.memref_slice %arg2[%dma_wait3A_98, %dma_wait3A_99] : memref<451584x128xf32, #tpu.memory_space<hbm>> -> memref<451584x128xf32, #tpu.memory_space<hbm>>
      tpu.wait_indirect_dma semaphore(%arg7 : memref<!tpu.dma_semaphore, #tpu.memory_space<semaphore_mem>>) src(%dma_wait3A_100 : memref<451584x128xf32, #tpu.memory_space<hbm>>) dst(%arg6 : memref<392x128xf32, #tpu.memory_space<vmem>>)
      %dma_wait3A_101 = arith.constant 2352 : i32
      %dma_wait3A_102 = tpu.memref_slice %arg5[%dma_wait3A_101] : memref<3528xi32, #tpu.memory_space<vmem>> -> memref<392xi32, #tpu.memory_space<vmem>>
      %dma_wait3A_103 = arith.constant 0 : i32
      %dma_wait3A_104 = arith.constant 0 : i32
      %dma_wait3A_105 = tpu.memref_slice %arg2[%dma_wait3A_103, %dma_wait3A_104] : memref<451584x128xf32, #tpu.memory_space<hbm>> -> memref<451584x128xf32, #tpu.memory_space<hbm>>
      tpu.wait_indirect_dma semaphore(%arg7 : memref<!tpu.dma_semaphore, #tpu.memory_space<semaphore_mem>>) src(%dma_wait3A_105 : memref<451584x128xf32, #tpu.memory_space<hbm>>) dst(%arg6 : memref<392x128xf32, #tpu.memory_space<vmem>>)
      %dma_wait3A_106 = arith.constant 2744 : i32
      %dma_wait3A_107 = tpu.memref_slice %arg5[%dma_wait3A_106] : memref<3528xi32, #tpu.memory_space<vmem>> -> memref<392xi32, #tpu.memory_space<vmem>>
      %dma_wait3A_108 = arith.constant 0 : i32
      %dma_wait3A_109 = arith.constant 0 : i32
      %dma_wait3A_110 = tpu.memref_slice %arg2[%dma_wait3A_108, %dma_wait3A_109] : memref<451584x128xf32, #tpu.memory_space<hbm>> -> memref<451584x128xf32, #tpu.memory_space<hbm>>
      tpu.wait_indirect_dma semaphore(%arg7 : memref<!tpu.dma_semaphore, #tpu.memory_space<semaphore_mem>>) src(%dma_wait3A_110 : memref<451584x128xf32, #tpu.memory_space<hbm>>) dst(%arg6 : memref<392x128xf32, #tpu.memory_space<vmem>>)
      %dma_wait3A_111 = arith.constant 3136 : i32
      %dma_wait3A_112 = tpu.memref_slice %arg5[%dma_wait3A_111] : memref<3528xi32, #tpu.memory_space<vmem>> -> memref<392xi32, #tpu.memory_space<vmem>>
      %dma_wait3A_113 = arith.constant 0 : i32
      %dma_wait3A_114 = arith.constant 0 : i32
      %dma_wait3A_115 = tpu.memref_slice %arg2[%dma_wait3A_113, %dma_wait3A_114] : memref<451584x128xf32, #tpu.memory_space<hbm>> -> memref<451584x128xf32, #tpu.memory_space<hbm>>
      tpu.wait_indirect_dma semaphore(%arg7 : memref<!tpu.dma_semaphore, #tpu.memory_space<semaphore_mem>>) src(%dma_wait3A_115 : memref<451584x128xf32, #tpu.memory_space<hbm>>) dst(%arg6 : memref<392x128xf32, #tpu.memory_space<vmem>>)
      "tpu.region"() ({
        %run_scoped3A = tpu.sem_alloc : memref<!tpu.dma_semaphore, #tpu.memory_space<semaphore_mem>>
        %dma_start3A_116 = arith.constant 0 : i32
        %dma_start3A_117 = tpu.memref_slice %arg4[%mul3A_22, %dma_start3A_116] : memref<50176x128xf32, #tpu.memory_space<hbm>> -> memref<392x128xf32, #tpu.memory_space<hbm>>
        %dma_start3A_118 = arith.constant 0 : i32
        %dma_start3A_119 = tpu.memref_slice %arg4[%mul3A_22, %dma_start3A_118] : memref<50176x128xf32, #tpu.memory_space<hbm>> -> memref<392x128xf32, #tpu.memory_space<hbm>>
        tpu.enqueue_dma source(%arg6 : memref<392x128xf32, #tpu.memory_space<vmem>>) target(%dma_start3A_119 : memref<392x128xf32, #tpu.memory_space<hbm>>) target_semaphore(%run_scoped3A : memref<!tpu.dma_semaphore, #tpu.memory_space<semaphore_mem>>)
        %dma_wait3A_120 = arith.constant 0 : i32
        %dma_wait3A_121 = tpu.memref_slice %arg4[%mul3A_22, %dma_wait3A_120] : memref<50176x128xf32, #tpu.memory_space<hbm>> -> memref<392x128xf32, #tpu.memory_space<hbm>>
        %dma_wait3A_122 = arith.constant 0 : i32
        %dma_wait3A_123 = tpu.memref_slice %arg4[%mul3A_22, %dma_wait3A_122] : memref<50176x128xf32, #tpu.memory_space<hbm>> -> memref<392x128xf32, #tpu.memory_space<hbm>>
        tpu.wait_dma2 semaphore(%run_scoped3A : memref<!tpu.dma_semaphore, #tpu.memory_space<semaphore_mem>>) src(%arg6 : memref<392x128xf32, #tpu.memory_space<vmem>>) dst(%dma_wait3A_123 : memref<392x128xf32, #tpu.memory_space<hbm>>)
        tpu.yield
      }) : () -> ()
    }
    %while3A_18 = arith.constant 1 : i32
    scf.for %while3A_19 = %while3A_16 to %while3A_12 step %while3A_18  : i32 {
      %add3A_20 = arith.addi %select_n3A_8, %while3A_19 : i32
      %mul3A_21 = arith.constant 392 : i32
      %mul3A_22 = arith.muli %add3A_20, %mul3A_21 : i32
      "tpu.region"() ({
        %run_scoped3A = tpu.sem_alloc : memref<!tpu.dma_semaphore, #tpu.memory_space<semaphore_mem>>
        %dma_start3A_116 = arith.constant 0 : i32
        %dma_start3A_117 = tpu.memref_slice %arg3[%add3A_20, %dma_start3A_116] : memref<128x3528xi32, #tpu.memory_space<hbm>> -> memref<1x3528xi32, #tpu.memory_space<hbm>>
        %dma_start3A_118 = tpu.memref_squeeze %dma_start3A_117 : memref<1x3528xi32, #tpu.memory_space<hbm>> -> memref<3528xi32, #tpu.memory_space<hbm>>
        %dma_start3A_119 = arith.constant 0 : i32
        %dma_start3A_120 = tpu.memref_slice %arg3[%add3A_20, %dma_start3A_119] : memref<128x3528xi32, #tpu.memory_space<hbm>> -> memref<1x3528xi32, #tpu.memory_space<hbm>>
        %dma_start3A_121 = tpu.memref_squeeze %dma_start3A_120 : memref<1x3528xi32, #tpu.memory_space<hbm>> -> memref<3528xi32, #tpu.memory_space<hbm>>
        tpu.enqueue_dma source(%dma_start3A_121 : memref<3528xi32, #tpu.memory_space<hbm>>) target(%arg5 : memref<3528xi32, #tpu.memory_space<vmem>>) target_semaphore(%run_scoped3A : memref<!tpu.dma_semaphore, #tpu.memory_space<semaphore_mem>>)
        %dma_wait3A_122 = arith.constant 0 : i32
        %dma_wait3A_123 = tpu.memref_slice %arg3[%add3A_20, %dma_wait3A_122] : memref<128x3528xi32, #tpu.memory_space<hbm>> -> memref<1x3528xi32, #tpu.memory_space<hbm>>
        %dma_wait3A_124 = tpu.memref_squeeze %dma_wait3A_123 : memref<1x3528xi32, #tpu.memory_space<hbm>> -> memref<3528xi32, #tpu.memory_space<hbm>>
        %dma_wait3A_125 = arith.constant 0 : i32
        %dma_wait3A_126 = tpu.memref_slice %arg3[%add3A_20, %dma_wait3A_125] : memref<128x3528xi32, #tpu.memory_space<hbm>> -> memref<1x3528xi32, #tpu.memory_space<hbm>>
        %dma_wait3A_127 = tpu.memref_squeeze %dma_wait3A_126 : memref<1x3528xi32, #tpu.memory_space<hbm>> -> memref<3528xi32, #tpu.memory_space<hbm>>
        tpu.wait_dma2 semaphore(%run_scoped3A : memref<!tpu.dma_semaphore, #tpu.memory_space<semaphore_mem>>) src(%dma_wait3A_127 : memref<3528xi32, #tpu.memory_space<hbm>>) dst(%arg5 : memref<3528xi32, #tpu.memory_space<vmem>>)
        tpu.yield
      }) : () -> ()
      %scan3A = arith.constant 0 : i32
      %scan3A_23 = arith.constant 0 : i32
      %scan3A_24 = arith.constant 392 : i32
      %scan3A_25 = arith.addi %scan3A_23, %scan3A_24 : i32
      %scan3A_26 = arith.constant 1 : i32
      scf.for %scan3A_116 = %scan3A_23 to %scan3A_25 step %scan3A_26  : i32 {
        %swap3A = arith.index_cast %scan3A_116 : i32 to index
        %swap3A_117 = arith.constant 0 : index
        %swap3A_118 = tpu.vector_load %arg6[%swap3A, %swap3A_117] {strides = array<i32>} : memref<392x128xf32, #tpu.memory_space<vmem>>, vector<1x16xf32>,
        %swap3A_119 = vector.shape_cast %swap3A_118 : vector<1x16xf32> to vector<16xf32>
        %swap3A_120 = vector.shape_cast %broadcast_in_dim3A_9 : vector<16xf32> to vector<1x16xf32>
        tpu.vector_store %arg6[%swap3A, %swap3A_117], %swap3A_120 {strides = array<i32>} : memref<392x128xf32, #tpu.memory_space<vmem>>, vector<1x16xf32>,
        %swap3A_121 = arith.index_cast %scan3A_116 : i32 to index
        %swap3A_122 = arith.constant 16 : index
        %swap3A_123 = tpu.vector_load %arg6[%swap3A_121, %swap3A_122] {strides = array<i32>} : memref<392x128xf32, #tpu.memory_space<vmem>>, vector<1x16xf32>,
        %swap3A_124 = vector.shape_cast %swap3A_123 : vector<1x16xf32> to vector<16xf32>
        %swap3A_125 = vector.shape_cast %broadcast_in_dim3A_9 : vector<16xf32> to vector<1x16xf32>
        tpu.vector_store %arg6[%swap3A_121, %swap3A_122], %swap3A_125 {strides = array<i32>} : memref<392x128xf32, #tpu.memory_space<vmem>>, vector<1x16xf32>,
        %swap3A_126 = arith.index_cast %scan3A_116 : i32 to index
        %swap3A_127 = arith.constant 32 : index
        %swap3A_128 = tpu.vector_load %arg6[%swap3A_126, %swap3A_127] {strides = array<i32>} : memref<392x128xf32, #tpu.memory_space<vmem>>, vector<1x16xf32>,
        %swap3A_129 = vector.shape_cast %swap3A_128 : vector<1x16xf32> to vector<16xf32>
        %swap3A_130 = vector.shape_cast %broadcast_in_dim3A_9 : vector<16xf32> to vector<1x16xf32>
        tpu.vector_store %arg6[%swap3A_126, %swap3A_127], %swap3A_130 {strides = array<i32>} : memref<392x128xf32, #tpu.memory_space<vmem>>, vector<1x16xf32>,
        %swap3A_131 = arith.index_cast %scan3A_116 : i32 to index
        %swap3A_132 = arith.constant 48 : index
        %swap3A_133 = tpu.vector_load %arg6[%swap3A_131, %swap3A_132] {strides = array<i32>} : memref<392x128xf32, #tpu.memory_space<vmem>>, vector<1x16xf32>,
        %swap3A_134 = vector.shape_cast %swap3A_133 : vector<1x16xf32> to vector<16xf32>
        %swap3A_135 = vector.shape_cast %broadcast_in_dim3A_9 : vector<16xf32> to vector<1x16xf32>
        tpu.vector_store %arg6[%swap3A_131, %swap3A_132], %swap3A_135 {strides = array<i32>} : memref<392x128xf32, #tpu.memory_space<vmem>>, vector<1x16xf32>,
        %swap3A_136 = arith.index_cast %scan3A_116 : i32 to index
        %swap3A_137 = arith.constant 64 : index
        %swap3A_138 = tpu.vector_load %arg6[%swap3A_136, %swap3A_137] {strides = array<i32>} : memref<392x128xf32, #tpu.memory_space<vmem>>, vector<1x16xf32>,
        %swap3A_139 = vector.shape_cast %swap3A_138 : vector<1x16xf32> to vector<16xf32>
        %swap3A_140 = vector.shape_cast %broadcast_in_dim3A_9 : vector<16xf32> to vector<1x16xf32>
        tpu.vector_store %arg6[%swap3A_136, %swap3A_137], %swap3A_140 {strides = array<i32>} : memref<392x128xf32, #tpu.memory_space<vmem>>, vector<1x16xf32>,
        %swap3A_141 = arith.index_cast %scan3A_116 : i32 to index
        %swap3A_142 = arith.constant 80 : index
        %swap3A_143 = tpu.vector_load %arg6[%swap3A_141, %swap3A_142] {strides = array<i32>} : memref<392x128xf32, #tpu.memory_space<vmem>>, vector<1x16xf32>,
        %swap3A_144 = vector.shape_cast %swap3A_143 : vector<1x16xf32> to vector<16xf32>
        %swap3A_145 = vector.shape_cast %broadcast_in_dim3A_9 : vector<16xf32> to vector<1x16xf32>
        tpu.vector_store %arg6[%swap3A_141, %swap3A_142], %swap3A_145 {strides = array<i32>} : memref<392x128xf32, #tpu.memory_space<vmem>>, vector<1x16xf32>,
        %swap3A_146 = arith.index_cast %scan3A_116 : i32 to index
        %swap3A_147 = arith.constant 96 : index
        %swap3A_148 = tpu.vector_load %arg6[%swap3A_146, %swap3A_147] {strides = array<i32>} : memref<392x128xf32, #tpu.memory_space<vmem>>, vector<1x16xf32>,
        %swap3A_149 = vector.shape_cast %swap3A_148 : vector<1x16xf32> to vector<16xf32>
        %swap3A_150 = vector.shape_cast %broadcast_in_dim3A_9 : vector<16xf32> to vector<1x16xf32>
        tpu.vector_store %arg6[%swap3A_146, %swap3A_147], %swap3A_150 {strides = array<i32>} : memref<392x128xf32, #tpu.memory_space<vmem>>, vector<1x16xf32>,
        %swap3A_151 = arith.index_cast %scan3A_116 : i32 to index
        %swap3A_152 = arith.constant 112 : index
        %swap3A_153 = tpu.vector_load %arg6[%swap3A_151, %swap3A_152] {strides = array<i32>} : memref<392x128xf32, #tpu.memory_space<vmem>>, vector<1x16xf32>,
        %swap3A_154 = vector.shape_cast %swap3A_153 : vector<1x16xf32> to vector<16xf32>
        %swap3A_155 = vector.shape_cast %broadcast_in_dim3A_9 : vector<16xf32> to vector<1x16xf32>
        tpu.vector_store %arg6[%swap3A_151, %swap3A_152], %swap3A_155 {strides = array<i32>} : memref<392x128xf32, #tpu.memory_space<vmem>>, vector<1x16xf32>,
      }
      %scan3A_27 = arith.constant 392 : i32
      %dma_start3A = arith.constant 0 : i32
      %dma_start3A_28 = tpu.memref_slice %arg5[%dma_start3A] : memref<3528xi32, #tpu.memory_space<vmem>> -> memref<392xi32, #tpu.memory_space<vmem>>
      %dma_start3A_29 = arith.constant 0 : i32
      %dma_start3A_30 = arith.constant 0 : i32
      %dma_start3A_31 = tpu.memref_slice %arg2[%dma_start3A_29, %dma_start3A_30] : memref<451584x128xf32, #tpu.memory_space<hbm>> -> memref<451584x128xf32, #tpu.memory_space<hbm>>
      tpu.enqueue_indirect_dma source(%dma_start3A_31 : memref<451584x128xf32, #tpu.memory_space<hbm>>) target(%arg6 : memref<392x128xf32, #tpu.memory_space<vmem>>) offsets(%dma_start3A_28 : memref<392xi32, #tpu.memory_space<vmem>>) semaphore(%arg7 : memref<!tpu.dma_semaphore, #tpu.memory_space<semaphore_mem>>) {add = true}
      %dma_start3A_32 = arith.constant 392 : i32
      %dma_start3A_33 = tpu.memref_slice %arg5[%dma_start3A_32] : memref<3528xi32, #tpu.memory_space<vmem>> -> memref<392xi32, #tpu.memory_space<vmem>>
      %dma_start3A_34 = arith.constant 0 : i32
      %dma_start3A_35 = arith.constant 0 : i32
      %dma_start3A_36 = tpu.memref_slice %arg2[%dma_start3A_34, %dma_start3A_35] : memref<451584x128xf32, #tpu.memory_space<hbm>> -> memref<451584x128xf32, #tpu.memory_space<hbm>>
      tpu.enqueue_indirect_dma source(%dma_start3A_36 : memref<451584x128xf32, #tpu.memory_space<hbm>>) target(%arg6 : memref<392x128xf32, #tpu.memory_space<vmem>>) offsets(%dma_start3A_33 : memref<392xi32, #tpu.memory_space<vmem>>) semaphore(%arg7 : memref<!tpu.dma_semaphore, #tpu.memory_space<semaphore_mem>>) {add = true}
      %dma_start3A_37 = arith.constant 784 : i32
      %dma_start3A_38 = tpu.memref_slice %arg5[%dma_start3A_37] : memref<3528xi32, #tpu.memory_space<vmem>> -> memref<392xi32, #tpu.memory_space<vmem>>
      %dma_start3A_39 = arith.constant 0 : i32
      %dma_start3A_40 = arith.constant 0 : i32
      %dma_start3A_41 = tpu.memref_slice %arg2[%dma_start3A_39, %dma_start3A_40] : memref<451584x128xf32, #tpu.memory_space<hbm>> -> memref<451584x128xf32, #tpu.memory_space<hbm>>
      tpu.enqueue_indirect_dma source(%dma_start3A_41 : memref<451584x128xf32, #tpu.memory_space<hbm>>) target(%arg6 : memref<392x128xf32, #tpu.memory_space<vmem>>) offsets(%dma_start3A_38 : memref<392xi32, #tpu.memory_space<vmem>>) semaphore(%arg7 : memref<!tpu.dma_semaphore, #tpu.memory_space<semaphore_mem>>) {add = true}
      %dma_start3A_42 = arith.constant 1176 : i32
      %dma_start3A_43 = tpu.memref_slice %arg5[%dma_start3A_42] : memref<3528xi32, #tpu.memory_space<vmem>> -> memref<392xi32, #tpu.memory_space<vmem>>
      %dma_start3A_44 = arith.constant 0 : i32
      %dma_start3A_45 = arith.constant 0 : i32
      %dma_start3A_46 = tpu.memref_slice %arg2[%dma_start3A_44, %dma_start3A_45] : memref<451584x128xf32, #tpu.memory_space<hbm>> -> memref<451584x128xf32, #tpu.memory_space<hbm>>
      tpu.enqueue_indirect_dma source(%dma_start3A_46 : memref<451584x128xf32, #tpu.memory_space<hbm>>) target(%arg6 : memref<392x128xf32, #tpu.memory_space<vmem>>) offsets(%dma_start3A_43 : memref<392xi32, #tpu.memory_space<vmem>>) semaphore(%arg7 : memref<!tpu.dma_semaphore, #tpu.memory_space<semaphore_mem>>) {add = true}
      %dma_start3A_47 = arith.constant 1568 : i32
      %dma_start3A_48 = tpu.memref_slice %arg5[%dma_start3A_47] : memref<3528xi32, #tpu.memory_space<vmem>> -> memref<392xi32, #tpu.memory_space<vmem>>
      %dma_start3A_49 = arith.constant 0 : i32
      %dma_start3A_50 = arith.constant 0 : i32
      %dma_start3A_51 = tpu.memref_slice %arg2[%dma_start3A_49, %dma_start3A_50] : memref<451584x128xf32, #tpu.memory_space<hbm>> -> memref<451584x128xf32, #tpu.memory_space<hbm>>
      tpu.enqueue_indirect_dma source(%dma_start3A_51 : memref<451584x128xf32, #tpu.memory_space<hbm>>) target(%arg6 : memref<392x128xf32, #tpu.memory_space<vmem>>) offsets(%dma_start3A_48 : memref<392xi32, #tpu.memory_space<vmem>>) semaphore(%arg7 : memref<!tpu.dma_semaphore, #tpu.memory_space<semaphore_mem>>) {add = true}
      %dma_start3A_52 = arith.constant 1960 : i32
      %dma_start3A_53 = tpu.memref_slice %arg5[%dma_start3A_52] : memref<3528xi32, #tpu.memory_space<vmem>> -> memref<392xi32, #tpu.memory_space<vmem>>
      %dma_start3A_54 = arith.constant 0 : i32
      %dma_start3A_55 = arith.constant 0 : i32
      %dma_start3A_56 = tpu.memref_slice %arg2[%dma_start3A_54, %dma_start3A_55] : memref<451584x128xf32, #tpu.memory_space<hbm>> -> memref<451584x128xf32, #tpu.memory_space<hbm>>
      tpu.enqueue_indirect_dma source(%dma_start3A_56 : memref<451584x128xf32, #tpu.memory_space<hbm>>) target(%arg6 : memref<392x128xf32, #tpu.memory_space<vmem>>) offsets(%dma_start3A_53 : memref<392xi32, #tpu.memory_space<vmem>>) semaphore(%arg7 : memref<!tpu.dma_semaphore, #tpu.memory_space<semaphore_mem>>) {add = true}
      %dma_start3A_57 = arith.constant 2352 : i32
      %dma_start3A_58 = tpu.memref_slice %arg5[%dma_start3A_57] : memref<3528xi32, #tpu.memory_space<vmem>> -> memref<392xi32, #tpu.memory_space<vmem>>
      %dma_start3A_59 = arith.constant 0 : i32
      %dma_start3A_60 = arith.constant 0 : i32
      %dma_start3A_61 = tpu.memref_slice %arg2[%dma_start3A_59, %dma_start3A_60] : memref<451584x128xf32, #tpu.memory_space<hbm>> -> memref<451584x128xf32, #tpu.memory_space<hbm>>
      tpu.enqueue_indirect_dma source(%dma_start3A_61 : memref<451584x128xf32, #tpu.memory_space<hbm>>) target(%arg6 : memref<392x128xf32, #tpu.memory_space<vmem>>) offsets(%dma_start3A_58 : memref<392xi32, #tpu.memory_space<vmem>>) semaphore(%arg7 : memref<!tpu.dma_semaphore, #tpu.memory_space<semaphore_mem>>) {add = true}
      %dma_start3A_62 = arith.constant 2744 : i32
      %dma_start3A_63 = tpu.memref_slice %arg5[%dma_start3A_62] : memref<3528xi32, #tpu.memory_space<vmem>> -> memref<392xi32, #tpu.memory_space<vmem>>
      %dma_start3A_64 = arith.constant 0 : i32
      %dma_start3A_65 = arith.constant 0 : i32
      %dma_start3A_66 = tpu.memref_slice %arg2[%dma_start3A_64, %dma_start3A_65] : memref<451584x128xf32, #tpu.memory_space<hbm>> -> memref<451584x128xf32, #tpu.memory_space<hbm>>
      tpu.enqueue_indirect_dma source(%dma_start3A_66 : memref<451584x128xf32, #tpu.memory_space<hbm>>) target(%arg6 : memref<392x128xf32, #tpu.memory_space<vmem>>) offsets(%dma_start3A_63 : memref<392xi32, #tpu.memory_space<vmem>>) semaphore(%arg7 : memref<!tpu.dma_semaphore, #tpu.memory_space<semaphore_mem>>) {add = true}
      %dma_start3A_67 = arith.constant 3136 : i32
      %dma_start3A_68 = tpu.memref_slice %arg5[%dma_start3A_67] : memref<3528xi32, #tpu.memory_space<vmem>> -> memref<392xi32, #tpu.memory_space<vmem>>
      %dma_start3A_69 = arith.constant 0 : i32
      %dma_start3A_70 = arith.constant 0 : i32
      %dma_start3A_71 = tpu.memref_slice %arg2[%dma_start3A_69, %dma_start3A_70] : memref<451584x128xf32, #tpu.memory_space<hbm>> -> memref<451584x128xf32, #tpu.memory_space<hbm>>
      tpu.enqueue_indirect_dma source(%dma_start3A_71 : memref<451584x128xf32, #tpu.memory_space<hbm>>) target(%arg6 : memref<392x128xf32, #tpu.memory_space<vmem>>) offsets(%dma_start3A_68 : memref<392xi32, #tpu.memory_space<vmem>>) semaphore(%arg7 : memref<!tpu.dma_semaphore, #tpu.memory_space<semaphore_mem>>) {add = true}
      %dma_wait3A = arith.constant 0 : i32
      %dma_wait3A_72 = tpu.memref_slice %arg5[%dma_wait3A] : memref<3528xi32, #tpu.memory_space<vmem>> -> memref<392xi32, #tpu.memory_space<vmem>>
      %dma_wait3A_73 = arith.constant 0 : i32
      %dma_wait3A_74 = arith.constant 0 : i32
      %dma_wait3A_75 = tpu.memref_slice %arg2[%dma_wait3A_73, %dma_wait3A_74] : memref<451584x128xf32, #tpu.memory_space<hbm>> -> memref<451584x128xf32, #tpu.memory_space<hbm>>
      tpu.wait_indirect_dma semaphore(%arg7 : memref<!tpu.dma_semaphore, #tpu.memory_space<semaphore_mem>>) src(%dma_wait3A_75 : memref<451584x128xf32, #tpu.memory_space<hbm>>) dst(%arg6 : memref<392x128xf32, #tpu.memory_space<vmem>>)
      %dma_wait3A_76 = arith.constant 392 : i32
      %dma_wait3A_77 = tpu.memref_slice %arg5[%dma_wait3A_76] : memref<3528xi32, #tpu.memory_space<vmem>> -> memref<392xi32, #tpu.memory_space<vmem>>
      %dma_wait3A_78 = arith.constant 0 : i32
      %dma_wait3A_79 = arith.constant 0 : i32
      %dma_wait3A_80 = tpu.memref_slice %arg2[%dma_wait3A_78, %dma_wait3A_79] : memref<451584x128xf32, #tpu.memory_space<hbm>> -> memref<451584x128xf32, #tpu.memory_space<hbm>>
      tpu.wait_indirect_dma semaphore(%arg7 : memref<!tpu.dma_semaphore, #tpu.memory_space<semaphore_mem>>) src(%dma_wait3A_80 : memref<451584x128xf32, #tpu.memory_space<hbm>>) dst(%arg6 : memref<392x128xf32, #tpu.memory_space<vmem>>)
      %dma_wait3A_81 = arith.constant 784 : i32
      %dma_wait3A_82 = tpu.memref_slice %arg5[%dma_wait3A_81] : memref<3528xi32, #tpu.memory_space<vmem>> -> memref<392xi32, #tpu.memory_space<vmem>>
      %dma_wait3A_83 = arith.constant 0 : i32
      %dma_wait3A_84 = arith.constant 0 : i32
      %dma_wait3A_85 = tpu.memref_slice %arg2[%dma_wait3A_83, %dma_wait3A_84] : memref<451584x128xf32, #tpu.memory_space<hbm>> -> memref<451584x128xf32, #tpu.memory_space<hbm>>
      tpu.wait_indirect_dma semaphore(%arg7 : memref<!tpu.dma_semaphore, #tpu.memory_space<semaphore_mem>>) src(%dma_wait3A_85 : memref<451584x128xf32, #tpu.memory_space<hbm>>) dst(%arg6 : memref<392x128xf32, #tpu.memory_space<vmem>>)
      %dma_wait3A_86 = arith.constant 1176 : i32
      %dma_wait3A_87 = tpu.memref_slice %arg5[%dma_wait3A_86] : memref<3528xi32, #tpu.memory_space<vmem>> -> memref<392xi32, #tpu.memory_space<vmem>>
      %dma_wait3A_88 = arith.constant 0 : i32
      %dma_wait3A_89 = arith.constant 0 : i32
      %dma_wait3A_90 = tpu.memref_slice %arg2[%dma_wait3A_88, %dma_wait3A_89] : memref<451584x128xf32, #tpu.memory_space<hbm>> -> memref<451584x128xf32, #tpu.memory_space<hbm>>
      tpu.wait_indirect_dma semaphore(%arg7 : memref<!tpu.dma_semaphore, #tpu.memory_space<semaphore_mem>>) src(%dma_wait3A_90 : memref<451584x128xf32, #tpu.memory_space<hbm>>) dst(%arg6 : memref<392x128xf32, #tpu.memory_space<vmem>>)
      %dma_wait3A_91 = arith.constant 1568 : i32
      %dma_wait3A_92 = tpu.memref_slice %arg5[%dma_wait3A_91] : memref<3528xi32, #tpu.memory_space<vmem>> -> memref<392xi32, #tpu.memory_space<vmem>>
      %dma_wait3A_93 = arith.constant 0 : i32
      %dma_wait3A_94 = arith.constant 0 : i32
      %dma_wait3A_95 = tpu.memref_slice %arg2[%dma_wait3A_93, %dma_wait3A_94] : memref<451584x128xf32, #tpu.memory_space<hbm>> -> memref<451584x128xf32, #tpu.memory_space<hbm>>
      tpu.wait_indirect_dma semaphore(%arg7 : memref<!tpu.dma_semaphore, #tpu.memory_space<semaphore_mem>>) src(%dma_wait3A_95 : memref<451584x128xf32, #tpu.memory_space<hbm>>) dst(%arg6 : memref<392x128xf32, #tpu.memory_space<vmem>>)
      %dma_wait3A_96 = arith.constant 1960 : i32
      %dma_wait3A_97 = tpu.memref_slice %arg5[%dma_wait3A_96] : memref<3528xi32, #tpu.memory_space<vmem>> -> memref<392xi32, #tpu.memory_space<vmem>>
      %dma_wait3A_98 = arith.constant 0 : i32
      %dma_wait3A_99 = arith.constant 0 : i32
      %dma_wait3A_100 = tpu.memref_slice %arg2[%dma_wait3A_98, %dma_wait3A_99] : memref<451584x128xf32, #tpu.memory_space<hbm>> -> memref<451584x128xf32, #tpu.memory_space<hbm>>
      tpu.wait_indirect_dma semaphore(%arg7 : memref<!tpu.dma_semaphore, #tpu.memory_space<semaphore_mem>>) src(%dma_wait3A_100 : memref<451584x128xf32, #tpu.memory_space<hbm>>) dst(%arg6 : memref<392x128xf32, #tpu.memory_space<vmem>>)
      %dma_wait3A_101 = arith.constant 2352 : i32
      %dma_wait3A_102 = tpu.memref_slice %arg5[%dma_wait3A_101] : memref<3528xi32, #tpu.memory_space<vmem>> -> memref<392xi32, #tpu.memory_space<vmem>>
      %dma_wait3A_103 = arith.constant 0 : i32
      %dma_wait3A_104 = arith.constant 0 : i32
      %dma_wait3A_105 = tpu.memref_slice %arg2[%dma_wait3A_103, %dma_wait3A_104] : memref<451584x128xf32, #tpu.memory_space<hbm>> -> memref<451584x128xf32, #tpu.memory_space<hbm>>
      tpu.wait_indirect_dma semaphore(%arg7 : memref<!tpu.dma_semaphore, #tpu.memory_space<semaphore_mem>>) src(%dma_wait3A_105 : memref<451584x128xf32, #tpu.memory_space<hbm>>) dst(%arg6 : memref<392x128xf32, #tpu.memory_space<vmem>>)
      %dma_wait3A_106 = arith.constant 2744 : i32
      %dma_wait3A_107 = tpu.memref_slice %arg5[%dma_wait3A_106] : memref<3528xi32, #tpu.memory_space<vmem>> -> memref<392xi32, #tpu.memory_space<vmem>>
      %dma_wait3A_108 = arith.constant 0 : i32
      %dma_wait3A_109 = arith.constant 0 : i32
      %dma_wait3A_110 = tpu.memref_slice %arg2[%dma_wait3A_108, %dma_wait3A_109] : memref<451584x128xf32, #tpu.memory_space<hbm>> -> memref<451584x128xf32, #tpu.memory_space<hbm>>
      tpu.wait_indirect_dma semaphore(%arg7 : memref<!tpu.dma_semaphore, #tpu.memory_space<semaphore_mem>>) src(%dma_wait3A_110 : memref<451584x128xf32, #tpu.memory_space<hbm>>) dst(%arg6 : memref<392x128xf32, #tpu.memory_space<vmem>>)
      %dma_wait3A_111 = arith.constant 3136 : i32
      %dma_wait3A_112 = tpu.memref_slice %arg5[%dma_wait3A_111] : memref<3528xi32, #tpu.memory_space<vmem>> -> memref<392xi32, #tpu.memory_space<vmem>>
      %dma_wait3A_113 = arith.constant 0 : i32
      %dma_wait3A_114 = arith.constant 0 : i32
      %dma_wait3A_115 = tpu.memref_slice %arg2[%dma_wait3A_113, %dma_wait3A_114] : memref<451584x128xf32, #tpu.memory_space<hbm>> -> memref<451584x128xf32, #tpu.memory_space<hbm>>
      tpu.wait_indirect_dma semaphore(%arg7 : memref<!tpu.dma_semaphore, #tpu.memory_space<semaphore_mem>>) src(%dma_wait3A_115 : memref<451584x128xf32, #tpu.memory_space<hbm>>) dst(%arg6 : memref<392x128xf32, #tpu.memory_space<vmem>>)
      "tpu.region"() ({
        %run_scoped3A = tpu.sem_alloc : memref<!tpu.dma_semaphore, #tpu.memory_space<semaphore_mem>>
        %dma_start3A_116 = arith.constant 0 : i32
        %dma_start3A_117 = tpu.memref_slice %arg4[%mul3A_22, %dma_start3A_116] : memref<50176x128xf32, #tpu.memory_space<hbm>> -> memref<392x128xf32, #tpu.memory_space<hbm>>
        %dma_start3A_118 = arith.constant 0 : i32
        %dma_start3A_119 = tpu.memref_slice %arg4[%mul3A_22, %dma_start3A_118] : memref<50176x128xf32, #tpu.memory_space<hbm>> -> memref<392x128xf32, #tpu.memory_space<hbm>>
        tpu.enqueue_dma source(%arg6 : memref<392x128xf32, #tpu.memory_space<vmem>>) target(%dma_start3A_119 : memref<392x128xf32, #tpu.memory_space<hbm>>) target_semaphore(%run_scoped3A : memref<!tpu.dma_semaphore, #tpu.memory_space<semaphore_mem>>)
        %dma_wait3A_120 = arith.constant 0 : i32
        %dma_wait3A_121 = tpu.memref_slice %arg4[%mul3A_22, %dma_wait3A_120] : memref<50176x128xf32, #tpu.memory_space<hbm>> -> memref<392x128xf32, #tpu.memory_space<hbm>>
        %dma_wait3A_122 = arith.constant 0 : i32
        %dma_wait3A_123 = tpu.memref_slice %arg4[%mul3A_22, %dma_wait3A_122] : memref<50176x128xf32, #tpu.memory_space<hbm>> -> memref<392x128xf32, #tpu.memory_space<hbm>>
        tpu.wait_dma2 semaphore(%run_scoped3A : memref<!tpu.dma_semaphore, #tpu.memory_space<semaphore_mem>>) src(%arg6 : memref<392x128xf32, #tpu.memory_space<vmem>>) dst(%dma_wait3A_123 : memref<392x128xf32, #tpu.memory_space<hbm>>)
        tpu.yield
      }) : () -> ()
    }
    return
  }
}

#map = affine_map<(d0, d1) -> (0, 0)>
module attributes {stable_mosaic.version = 14 : i64} {
  func.func @sc_conv(%arg0: i32, %arg1: i32, %arg2: memref<451584x128xf32, #tpu.memory_space<hbm>>, %arg3: memref<128x3528xi32, #tpu.memory_space<hbm>>, %arg4: memref<50688x128xf32, #tpu.memory_space<hbm>>, %arg5: memref<3528xi32, #tpu.memory_space<vmem>>, %arg6: memref<392x128xf32, #tpu.memory_space<vmem>>, %arg7: memref<!tpu.dma_semaphore, #tpu.memory_space<semaphore_mem>>) attributes {dimension_semantics = [#tpu.dimension_semantics<core_parallel>, #tpu.dimension_semantics<subcore_parallel>], iteration_bounds = array<i64: 2, 16>, scalar_prefetch = 0 : i64, scratch_operands = 3 : i64, tpu.core_type = #tpu.core_type<sc_vector_subcore>, window_params = [{transform_indices = #map}, {transform_indices = #map}, {transform_indices = #map}]} {
    %eq3A = arith.constant 0 : i32
    %eq3A_0 = arith.cmpi eq, %arg0, %eq3A : i32
    %jit3A = arith.constant 5 : i32
    %jit3A_1 = arith.constant 3 : i32
    %select_n3A = arith.select %eq3A_0, %jit3A, %jit3A_1 : i32
    %eq3A_2 = arith.constant 0 : i32
    %eq3A_3 = arith.cmpi eq, %arg0, %eq3A_2 : i32
    %mul3A = arith.constant 5 : i32
    %mul3A_4 = arith.muli %arg1, %mul3A : i32
    %mul3A_5 = arith.constant 3 : i32
    %mul3A_6 = arith.muli %arg1, %mul3A_5 : i32
    %add3A = arith.constant 80 : i32
    %add3A_7 = arith.addi %add3A, %mul3A_6 : i32
    %select_n3A_8 = arith.select %eq3A_3, %mul3A_4, %add3A_7 : i32
    %broadcast_in_dim3A = arith.constant 0.000000e+00 : f32
    %broadcast_in_dim3A_9 = vector.broadcast %broadcast_in_dim3A : f32 to vector<16xf32>
    %while3A = arith.constant 0 : i32
    %while3A_10 = arith.constant 0 : i32
    %while3A_11 = arith.subi %select_n3A, %while3A_10 : i32
    %while3A_12 = arith.addi %while3A_10, %while3A_11 : i32
    %while3A_13 = arith.constant 1 : i32
    %while3A_14 = arith.divsi %while3A_11, %while3A_13 : i32
    %while3A_15 = arith.muli %while3A_14, %while3A_13 : i32
    %while3A_16 = arith.addi %while3A_10, %while3A_15 : i32
    %while3A_17 = arith.constant 1 : i32
    scf.for %while3A_31 = %while3A_10 to %while3A_16 step %while3A_17  : i32 {
      %add3A_32 = arith.addi %select_n3A_8, %while3A_31 : i32
      %mul3A_33 = arith.constant 392 : i32
      %mul3A_34 = arith.muli %add3A_32, %mul3A_33 : i32
      "tpu.region"() ({
        %run_scoped3A = tpu.sem_alloc : memref<!tpu.dma_semaphore, #tpu.memory_space<semaphore_mem>>
        %dma_start3A_129 = arith.constant 0 : i32
        %dma_start3A_130 = tpu.memref_slice %arg3[%add3A_32, %dma_start3A_129] : memref<128x3528xi32, #tpu.memory_space<hbm>> -> memref<1x3528xi32, #tpu.memory_space<hbm>>
        %dma_start3A_131 = tpu.memref_squeeze %dma_start3A_130 : memref<1x3528xi32, #tpu.memory_space<hbm>> -> memref<3528xi32, #tpu.memory_space<hbm>>
        %dma_start3A_132 = arith.constant 0 : i32
        %dma_start3A_133 = tpu.memref_slice %arg3[%add3A_32, %dma_start3A_132] : memref<128x3528xi32, #tpu.memory_space<hbm>> -> memref<1x3528xi32, #tpu.memory_space<hbm>>
        %dma_start3A_134 = tpu.memref_squeeze %dma_start3A_133 : memref<1x3528xi32, #tpu.memory_space<hbm>> -> memref<3528xi32, #tpu.memory_space<hbm>>
        tpu.enqueue_dma source(%dma_start3A_134 : memref<3528xi32, #tpu.memory_space<hbm>>) target(%arg5 : memref<3528xi32, #tpu.memory_space<vmem>>) target_semaphore(%run_scoped3A : memref<!tpu.dma_semaphore, #tpu.memory_space<semaphore_mem>>)
        %dma_wait3A_135 = arith.constant 0 : i32
        %dma_wait3A_136 = tpu.memref_slice %arg3[%add3A_32, %dma_wait3A_135] : memref<128x3528xi32, #tpu.memory_space<hbm>> -> memref<1x3528xi32, #tpu.memory_space<hbm>>
        %dma_wait3A_137 = tpu.memref_squeeze %dma_wait3A_136 : memref<1x3528xi32, #tpu.memory_space<hbm>> -> memref<3528xi32, #tpu.memory_space<hbm>>
        %dma_wait3A_138 = arith.constant 0 : i32
        %dma_wait3A_139 = tpu.memref_slice %arg3[%add3A_32, %dma_wait3A_138] : memref<128x3528xi32, #tpu.memory_space<hbm>> -> memref<1x3528xi32, #tpu.memory_space<hbm>>
        %dma_wait3A_140 = tpu.memref_squeeze %dma_wait3A_139 : memref<1x3528xi32, #tpu.memory_space<hbm>> -> memref<3528xi32, #tpu.memory_space<hbm>>
        tpu.wait_dma2 semaphore(%run_scoped3A : memref<!tpu.dma_semaphore, #tpu.memory_space<semaphore_mem>>) src(%dma_wait3A_140 : memref<3528xi32, #tpu.memory_space<hbm>>) dst(%arg5 : memref<3528xi32, #tpu.memory_space<vmem>>)
        tpu.yield
      }) : () -> ()
      %scan3A_35 = arith.constant 0 : i32
      %scan3A_36 = arith.constant 0 : i32
      %scan3A_37 = arith.constant 392 : i32
      %scan3A_38 = arith.addi %scan3A_36, %scan3A_37 : i32
      %scan3A_39 = arith.constant 1 : i32
      scf.for %scan3A_129 = %scan3A_36 to %scan3A_38 step %scan3A_39  : i32 {
        %swap3A = arith.index_cast %scan3A_129 : i32 to index
        %swap3A_130 = arith.constant 0 : index
        %swap3A_131 = tpu.vector_load %arg6[%swap3A, %swap3A_130] {strides = array<i32>} : memref<392x128xf32, #tpu.memory_space<vmem>>, vector<1x16xf32>,
        %swap3A_132 = vector.shape_cast %swap3A_131 : vector<1x16xf32> to vector<16xf32>
        %swap3A_133 = vector.shape_cast %broadcast_in_dim3A_9 : vector<16xf32> to vector<1x16xf32>
        tpu.vector_store %arg6[%swap3A, %swap3A_130], %swap3A_133 {strides = array<i32>} : memref<392x128xf32, #tpu.memory_space<vmem>>, vector<1x16xf32>,
        %swap3A_134 = arith.index_cast %scan3A_129 : i32 to index
        %swap3A_135 = arith.constant 16 : index
        %swap3A_136 = tpu.vector_load %arg6[%swap3A_134, %swap3A_135] {strides = array<i32>} : memref<392x128xf32, #tpu.memory_space<vmem>>, vector<1x16xf32>,
        %swap3A_137 = vector.shape_cast %swap3A_136 : vector<1x16xf32> to vector<16xf32>
        %swap3A_138 = vector.shape_cast %broadcast_in_dim3A_9 : vector<16xf32> to vector<1x16xf32>
        tpu.vector_store %arg6[%swap3A_134, %swap3A_135], %swap3A_138 {strides = array<i32>} : memref<392x128xf32, #tpu.memory_space<vmem>>, vector<1x16xf32>,
        %swap3A_139 = arith.index_cast %scan3A_129 : i32 to index
        %swap3A_140 = arith.constant 32 : index
        %swap3A_141 = tpu.vector_load %arg6[%swap3A_139, %swap3A_140] {strides = array<i32>} : memref<392x128xf32, #tpu.memory_space<vmem>>, vector<1x16xf32>,
        %swap3A_142 = vector.shape_cast %swap3A_141 : vector<1x16xf32> to vector<16xf32>
        %swap3A_143 = vector.shape_cast %broadcast_in_dim3A_9 : vector<16xf32> to vector<1x16xf32>
        tpu.vector_store %arg6[%swap3A_139, %swap3A_140], %swap3A_143 {strides = array<i32>} : memref<392x128xf32, #tpu.memory_space<vmem>>, vector<1x16xf32>,
        %swap3A_144 = arith.index_cast %scan3A_129 : i32 to index
        %swap3A_145 = arith.constant 48 : index
        %swap3A_146 = tpu.vector_load %arg6[%swap3A_144, %swap3A_145] {strides = array<i32>} : memref<392x128xf32, #tpu.memory_space<vmem>>, vector<1x16xf32>,
        %swap3A_147 = vector.shape_cast %swap3A_146 : vector<1x16xf32> to vector<16xf32>
        %swap3A_148 = vector.shape_cast %broadcast_in_dim3A_9 : vector<16xf32> to vector<1x16xf32>
        tpu.vector_store %arg6[%swap3A_144, %swap3A_145], %swap3A_148 {strides = array<i32>} : memref<392x128xf32, #tpu.memory_space<vmem>>, vector<1x16xf32>,
        %swap3A_149 = arith.index_cast %scan3A_129 : i32 to index
        %swap3A_150 = arith.constant 64 : index
        %swap3A_151 = tpu.vector_load %arg6[%swap3A_149, %swap3A_150] {strides = array<i32>} : memref<392x128xf32, #tpu.memory_space<vmem>>, vector<1x16xf32>,
        %swap3A_152 = vector.shape_cast %swap3A_151 : vector<1x16xf32> to vector<16xf32>
        %swap3A_153 = vector.shape_cast %broadcast_in_dim3A_9 : vector<16xf32> to vector<1x16xf32>
        tpu.vector_store %arg6[%swap3A_149, %swap3A_150], %swap3A_153 {strides = array<i32>} : memref<392x128xf32, #tpu.memory_space<vmem>>, vector<1x16xf32>,
        %swap3A_154 = arith.index_cast %scan3A_129 : i32 to index
        %swap3A_155 = arith.constant 80 : index
        %swap3A_156 = tpu.vector_load %arg6[%swap3A_154, %swap3A_155] {strides = array<i32>} : memref<392x128xf32, #tpu.memory_space<vmem>>, vector<1x16xf32>,
        %swap3A_157 = vector.shape_cast %swap3A_156 : vector<1x16xf32> to vector<16xf32>
        %swap3A_158 = vector.shape_cast %broadcast_in_dim3A_9 : vector<16xf32> to vector<1x16xf32>
        tpu.vector_store %arg6[%swap3A_154, %swap3A_155], %swap3A_158 {strides = array<i32>} : memref<392x128xf32, #tpu.memory_space<vmem>>, vector<1x16xf32>,
        %swap3A_159 = arith.index_cast %scan3A_129 : i32 to index
        %swap3A_160 = arith.constant 96 : index
        %swap3A_161 = tpu.vector_load %arg6[%swap3A_159, %swap3A_160] {strides = array<i32>} : memref<392x128xf32, #tpu.memory_space<vmem>>, vector<1x16xf32>,
        %swap3A_162 = vector.shape_cast %swap3A_161 : vector<1x16xf32> to vector<16xf32>
        %swap3A_163 = vector.shape_cast %broadcast_in_dim3A_9 : vector<16xf32> to vector<1x16xf32>
        tpu.vector_store %arg6[%swap3A_159, %swap3A_160], %swap3A_163 {strides = array<i32>} : memref<392x128xf32, #tpu.memory_space<vmem>>, vector<1x16xf32>,
        %swap3A_164 = arith.index_cast %scan3A_129 : i32 to index
        %swap3A_165 = arith.constant 112 : index
        %swap3A_166 = tpu.vector_load %arg6[%swap3A_164, %swap3A_165] {strides = array<i32>} : memref<392x128xf32, #tpu.memory_space<vmem>>, vector<1x16xf32>,
        %swap3A_167 = vector.shape_cast %swap3A_166 : vector<1x16xf32> to vector<16xf32>
        %swap3A_168 = vector.shape_cast %broadcast_in_dim3A_9 : vector<16xf32> to vector<1x16xf32>
        tpu.vector_store %arg6[%swap3A_164, %swap3A_165], %swap3A_168 {strides = array<i32>} : memref<392x128xf32, #tpu.memory_space<vmem>>, vector<1x16xf32>,
      }
      %scan3A_40 = arith.constant 392 : i32
      %dma_start3A = arith.constant 0 : i32
      %dma_start3A_41 = tpu.memref_slice %arg5[%dma_start3A] : memref<3528xi32, #tpu.memory_space<vmem>> -> memref<392xi32, #tpu.memory_space<vmem>>
      %dma_start3A_42 = arith.constant 0 : i32
      %dma_start3A_43 = arith.constant 0 : i32
      %dma_start3A_44 = tpu.memref_slice %arg2[%dma_start3A_42, %dma_start3A_43] : memref<451584x128xf32, #tpu.memory_space<hbm>> -> memref<451584x128xf32, #tpu.memory_space<hbm>>
      tpu.enqueue_indirect_dma source(%dma_start3A_44 : memref<451584x128xf32, #tpu.memory_space<hbm>>) target(%arg6 : memref<392x128xf32, #tpu.memory_space<vmem>>) offsets(%dma_start3A_41 : memref<392xi32, #tpu.memory_space<vmem>>) semaphore(%arg7 : memref<!tpu.dma_semaphore, #tpu.memory_space<semaphore_mem>>) {add = true}
      %dma_start3A_45 = arith.constant 392 : i32
      %dma_start3A_46 = tpu.memref_slice %arg5[%dma_start3A_45] : memref<3528xi32, #tpu.memory_space<vmem>> -> memref<392xi32, #tpu.memory_space<vmem>>
      %dma_start3A_47 = arith.constant 0 : i32
      %dma_start3A_48 = arith.constant 0 : i32
      %dma_start3A_49 = tpu.memref_slice %arg2[%dma_start3A_47, %dma_start3A_48] : memref<451584x128xf32, #tpu.memory_space<hbm>> -> memref<451584x128xf32, #tpu.memory_space<hbm>>
      tpu.enqueue_indirect_dma source(%dma_start3A_49 : memref<451584x128xf32, #tpu.memory_space<hbm>>) target(%arg6 : memref<392x128xf32, #tpu.memory_space<vmem>>) offsets(%dma_start3A_46 : memref<392xi32, #tpu.memory_space<vmem>>) semaphore(%arg7 : memref<!tpu.dma_semaphore, #tpu.memory_space<semaphore_mem>>) {add = true}
      %dma_start3A_50 = arith.constant 784 : i32
      %dma_start3A_51 = tpu.memref_slice %arg5[%dma_start3A_50] : memref<3528xi32, #tpu.memory_space<vmem>> -> memref<392xi32, #tpu.memory_space<vmem>>
      %dma_start3A_52 = arith.constant 0 : i32
      %dma_start3A_53 = arith.constant 0 : i32
      %dma_start3A_54 = tpu.memref_slice %arg2[%dma_start3A_52, %dma_start3A_53] : memref<451584x128xf32, #tpu.memory_space<hbm>> -> memref<451584x128xf32, #tpu.memory_space<hbm>>
      tpu.enqueue_indirect_dma source(%dma_start3A_54 : memref<451584x128xf32, #tpu.memory_space<hbm>>) target(%arg6 : memref<392x128xf32, #tpu.memory_space<vmem>>) offsets(%dma_start3A_51 : memref<392xi32, #tpu.memory_space<vmem>>) semaphore(%arg7 : memref<!tpu.dma_semaphore, #tpu.memory_space<semaphore_mem>>) {add = true}
      %dma_start3A_55 = arith.constant 1176 : i32
      %dma_start3A_56 = tpu.memref_slice %arg5[%dma_start3A_55] : memref<3528xi32, #tpu.memory_space<vmem>> -> memref<392xi32, #tpu.memory_space<vmem>>
      %dma_start3A_57 = arith.constant 0 : i32
      %dma_start3A_58 = arith.constant 0 : i32
      %dma_start3A_59 = tpu.memref_slice %arg2[%dma_start3A_57, %dma_start3A_58] : memref<451584x128xf32, #tpu.memory_space<hbm>> -> memref<451584x128xf32, #tpu.memory_space<hbm>>
      tpu.enqueue_indirect_dma source(%dma_start3A_59 : memref<451584x128xf32, #tpu.memory_space<hbm>>) target(%arg6 : memref<392x128xf32, #tpu.memory_space<vmem>>) offsets(%dma_start3A_56 : memref<392xi32, #tpu.memory_space<vmem>>) semaphore(%arg7 : memref<!tpu.dma_semaphore, #tpu.memory_space<semaphore_mem>>) {add = true}
      %dma_start3A_60 = arith.constant 1568 : i32
      %dma_start3A_61 = tpu.memref_slice %arg5[%dma_start3A_60] : memref<3528xi32, #tpu.memory_space<vmem>> -> memref<392xi32, #tpu.memory_space<vmem>>
      %dma_start3A_62 = arith.constant 0 : i32
      %dma_start3A_63 = arith.constant 0 : i32
      %dma_start3A_64 = tpu.memref_slice %arg2[%dma_start3A_62, %dma_start3A_63] : memref<451584x128xf32, #tpu.memory_space<hbm>> -> memref<451584x128xf32, #tpu.memory_space<hbm>>
      tpu.enqueue_indirect_dma source(%dma_start3A_64 : memref<451584x128xf32, #tpu.memory_space<hbm>>) target(%arg6 : memref<392x128xf32, #tpu.memory_space<vmem>>) offsets(%dma_start3A_61 : memref<392xi32, #tpu.memory_space<vmem>>) semaphore(%arg7 : memref<!tpu.dma_semaphore, #tpu.memory_space<semaphore_mem>>) {add = true}
      %dma_start3A_65 = arith.constant 1960 : i32
      %dma_start3A_66 = tpu.memref_slice %arg5[%dma_start3A_65] : memref<3528xi32, #tpu.memory_space<vmem>> -> memref<392xi32, #tpu.memory_space<vmem>>
      %dma_start3A_67 = arith.constant 0 : i32
      %dma_start3A_68 = arith.constant 0 : i32
      %dma_start3A_69 = tpu.memref_slice %arg2[%dma_start3A_67, %dma_start3A_68] : memref<451584x128xf32, #tpu.memory_space<hbm>> -> memref<451584x128xf32, #tpu.memory_space<hbm>>
      tpu.enqueue_indirect_dma source(%dma_start3A_69 : memref<451584x128xf32, #tpu.memory_space<hbm>>) target(%arg6 : memref<392x128xf32, #tpu.memory_space<vmem>>) offsets(%dma_start3A_66 : memref<392xi32, #tpu.memory_space<vmem>>) semaphore(%arg7 : memref<!tpu.dma_semaphore, #tpu.memory_space<semaphore_mem>>) {add = true}
      %dma_start3A_70 = arith.constant 2352 : i32
      %dma_start3A_71 = tpu.memref_slice %arg5[%dma_start3A_70] : memref<3528xi32, #tpu.memory_space<vmem>> -> memref<392xi32, #tpu.memory_space<vmem>>
      %dma_start3A_72 = arith.constant 0 : i32
      %dma_start3A_73 = arith.constant 0 : i32
      %dma_start3A_74 = tpu.memref_slice %arg2[%dma_start3A_72, %dma_start3A_73] : memref<451584x128xf32, #tpu.memory_space<hbm>> -> memref<451584x128xf32, #tpu.memory_space<hbm>>
      tpu.enqueue_indirect_dma source(%dma_start3A_74 : memref<451584x128xf32, #tpu.memory_space<hbm>>) target(%arg6 : memref<392x128xf32, #tpu.memory_space<vmem>>) offsets(%dma_start3A_71 : memref<392xi32, #tpu.memory_space<vmem>>) semaphore(%arg7 : memref<!tpu.dma_semaphore, #tpu.memory_space<semaphore_mem>>) {add = true}
      %dma_start3A_75 = arith.constant 2744 : i32
      %dma_start3A_76 = tpu.memref_slice %arg5[%dma_start3A_75] : memref<3528xi32, #tpu.memory_space<vmem>> -> memref<392xi32, #tpu.memory_space<vmem>>
      %dma_start3A_77 = arith.constant 0 : i32
      %dma_start3A_78 = arith.constant 0 : i32
      %dma_start3A_79 = tpu.memref_slice %arg2[%dma_start3A_77, %dma_start3A_78] : memref<451584x128xf32, #tpu.memory_space<hbm>> -> memref<451584x128xf32, #tpu.memory_space<hbm>>
      tpu.enqueue_indirect_dma source(%dma_start3A_79 : memref<451584x128xf32, #tpu.memory_space<hbm>>) target(%arg6 : memref<392x128xf32, #tpu.memory_space<vmem>>) offsets(%dma_start3A_76 : memref<392xi32, #tpu.memory_space<vmem>>) semaphore(%arg7 : memref<!tpu.dma_semaphore, #tpu.memory_space<semaphore_mem>>) {add = true}
      %dma_start3A_80 = arith.constant 3136 : i32
      %dma_start3A_81 = tpu.memref_slice %arg5[%dma_start3A_80] : memref<3528xi32, #tpu.memory_space<vmem>> -> memref<392xi32, #tpu.memory_space<vmem>>
      %dma_start3A_82 = arith.constant 0 : i32
      %dma_start3A_83 = arith.constant 0 : i32
      %dma_start3A_84 = tpu.memref_slice %arg2[%dma_start3A_82, %dma_start3A_83] : memref<451584x128xf32, #tpu.memory_space<hbm>> -> memref<451584x128xf32, #tpu.memory_space<hbm>>
      tpu.enqueue_indirect_dma source(%dma_start3A_84 : memref<451584x128xf32, #tpu.memory_space<hbm>>) target(%arg6 : memref<392x128xf32, #tpu.memory_space<vmem>>) offsets(%dma_start3A_81 : memref<392xi32, #tpu.memory_space<vmem>>) semaphore(%arg7 : memref<!tpu.dma_semaphore, #tpu.memory_space<semaphore_mem>>) {add = true}
      %dma_wait3A = arith.constant 0 : i32
      %dma_wait3A_85 = tpu.memref_slice %arg5[%dma_wait3A] : memref<3528xi32, #tpu.memory_space<vmem>> -> memref<392xi32, #tpu.memory_space<vmem>>
      %dma_wait3A_86 = arith.constant 0 : i32
      %dma_wait3A_87 = arith.constant 0 : i32
      %dma_wait3A_88 = tpu.memref_slice %arg2[%dma_wait3A_86, %dma_wait3A_87] : memref<451584x128xf32, #tpu.memory_space<hbm>> -> memref<451584x128xf32, #tpu.memory_space<hbm>>
      tpu.wait_indirect_dma semaphore(%arg7 : memref<!tpu.dma_semaphore, #tpu.memory_space<semaphore_mem>>) src(%dma_wait3A_88 : memref<451584x128xf32, #tpu.memory_space<hbm>>) dst(%arg6 : memref<392x128xf32, #tpu.memory_space<vmem>>)
      %dma_wait3A_89 = arith.constant 392 : i32
      %dma_wait3A_90 = tpu.memref_slice %arg5[%dma_wait3A_89] : memref<3528xi32, #tpu.memory_space<vmem>> -> memref<392xi32, #tpu.memory_space<vmem>>
      %dma_wait3A_91 = arith.constant 0 : i32
      %dma_wait3A_92 = arith.constant 0 : i32
      %dma_wait3A_93 = tpu.memref_slice %arg2[%dma_wait3A_91, %dma_wait3A_92] : memref<451584x128xf32, #tpu.memory_space<hbm>> -> memref<451584x128xf32, #tpu.memory_space<hbm>>
      tpu.wait_indirect_dma semaphore(%arg7 : memref<!tpu.dma_semaphore, #tpu.memory_space<semaphore_mem>>) src(%dma_wait3A_93 : memref<451584x128xf32, #tpu.memory_space<hbm>>) dst(%arg6 : memref<392x128xf32, #tpu.memory_space<vmem>>)
      %dma_wait3A_94 = arith.constant 784 : i32
      %dma_wait3A_95 = tpu.memref_slice %arg5[%dma_wait3A_94] : memref<3528xi32, #tpu.memory_space<vmem>> -> memref<392xi32, #tpu.memory_space<vmem>>
      %dma_wait3A_96 = arith.constant 0 : i32
      %dma_wait3A_97 = arith.constant 0 : i32
      %dma_wait3A_98 = tpu.memref_slice %arg2[%dma_wait3A_96, %dma_wait3A_97] : memref<451584x128xf32, #tpu.memory_space<hbm>> -> memref<451584x128xf32, #tpu.memory_space<hbm>>
      tpu.wait_indirect_dma semaphore(%arg7 : memref<!tpu.dma_semaphore, #tpu.memory_space<semaphore_mem>>) src(%dma_wait3A_98 : memref<451584x128xf32, #tpu.memory_space<hbm>>) dst(%arg6 : memref<392x128xf32, #tpu.memory_space<vmem>>)
      %dma_wait3A_99 = arith.constant 1176 : i32
      %dma_wait3A_100 = tpu.memref_slice %arg5[%dma_wait3A_99] : memref<3528xi32, #tpu.memory_space<vmem>> -> memref<392xi32, #tpu.memory_space<vmem>>
      %dma_wait3A_101 = arith.constant 0 : i32
      %dma_wait3A_102 = arith.constant 0 : i32
      %dma_wait3A_103 = tpu.memref_slice %arg2[%dma_wait3A_101, %dma_wait3A_102] : memref<451584x128xf32, #tpu.memory_space<hbm>> -> memref<451584x128xf32, #tpu.memory_space<hbm>>
      tpu.wait_indirect_dma semaphore(%arg7 : memref<!tpu.dma_semaphore, #tpu.memory_space<semaphore_mem>>) src(%dma_wait3A_103 : memref<451584x128xf32, #tpu.memory_space<hbm>>) dst(%arg6 : memref<392x128xf32, #tpu.memory_space<vmem>>)
      %dma_wait3A_104 = arith.constant 1568 : i32
      %dma_wait3A_105 = tpu.memref_slice %arg5[%dma_wait3A_104] : memref<3528xi32, #tpu.memory_space<vmem>> -> memref<392xi32, #tpu.memory_space<vmem>>
      %dma_wait3A_106 = arith.constant 0 : i32
      %dma_wait3A_107 = arith.constant 0 : i32
      %dma_wait3A_108 = tpu.memref_slice %arg2[%dma_wait3A_106, %dma_wait3A_107] : memref<451584x128xf32, #tpu.memory_space<hbm>> -> memref<451584x128xf32, #tpu.memory_space<hbm>>
      tpu.wait_indirect_dma semaphore(%arg7 : memref<!tpu.dma_semaphore, #tpu.memory_space<semaphore_mem>>) src(%dma_wait3A_108 : memref<451584x128xf32, #tpu.memory_space<hbm>>) dst(%arg6 : memref<392x128xf32, #tpu.memory_space<vmem>>)
      %dma_wait3A_109 = arith.constant 1960 : i32
      %dma_wait3A_110 = tpu.memref_slice %arg5[%dma_wait3A_109] : memref<3528xi32, #tpu.memory_space<vmem>> -> memref<392xi32, #tpu.memory_space<vmem>>
      %dma_wait3A_111 = arith.constant 0 : i32
      %dma_wait3A_112 = arith.constant 0 : i32
      %dma_wait3A_113 = tpu.memref_slice %arg2[%dma_wait3A_111, %dma_wait3A_112] : memref<451584x128xf32, #tpu.memory_space<hbm>> -> memref<451584x128xf32, #tpu.memory_space<hbm>>
      tpu.wait_indirect_dma semaphore(%arg7 : memref<!tpu.dma_semaphore, #tpu.memory_space<semaphore_mem>>) src(%dma_wait3A_113 : memref<451584x128xf32, #tpu.memory_space<hbm>>) dst(%arg6 : memref<392x128xf32, #tpu.memory_space<vmem>>)
      %dma_wait3A_114 = arith.constant 2352 : i32
      %dma_wait3A_115 = tpu.memref_slice %arg5[%dma_wait3A_114] : memref<3528xi32, #tpu.memory_space<vmem>> -> memref<392xi32, #tpu.memory_space<vmem>>
      %dma_wait3A_116 = arith.constant 0 : i32
      %dma_wait3A_117 = arith.constant 0 : i32
      %dma_wait3A_118 = tpu.memref_slice %arg2[%dma_wait3A_116, %dma_wait3A_117] : memref<451584x128xf32, #tpu.memory_space<hbm>> -> memref<451584x128xf32, #tpu.memory_space<hbm>>
      tpu.wait_indirect_dma semaphore(%arg7 : memref<!tpu.dma_semaphore, #tpu.memory_space<semaphore_mem>>) src(%dma_wait3A_118 : memref<451584x128xf32, #tpu.memory_space<hbm>>) dst(%arg6 : memref<392x128xf32, #tpu.memory_space<vmem>>)
      %dma_wait3A_119 = arith.constant 2744 : i32
      %dma_wait3A_120 = tpu.memref_slice %arg5[%dma_wait3A_119] : memref<3528xi32, #tpu.memory_space<vmem>> -> memref<392xi32, #tpu.memory_space<vmem>>
      %dma_wait3A_121 = arith.constant 0 : i32
      %dma_wait3A_122 = arith.constant 0 : i32
      %dma_wait3A_123 = tpu.memref_slice %arg2[%dma_wait3A_121, %dma_wait3A_122] : memref<451584x128xf32, #tpu.memory_space<hbm>> -> memref<451584x128xf32, #tpu.memory_space<hbm>>
      tpu.wait_indirect_dma semaphore(%arg7 : memref<!tpu.dma_semaphore, #tpu.memory_space<semaphore_mem>>) src(%dma_wait3A_123 : memref<451584x128xf32, #tpu.memory_space<hbm>>) dst(%arg6 : memref<392x128xf32, #tpu.memory_space<vmem>>)
      %dma_wait3A_124 = arith.constant 3136 : i32
      %dma_wait3A_125 = tpu.memref_slice %arg5[%dma_wait3A_124] : memref<3528xi32, #tpu.memory_space<vmem>> -> memref<392xi32, #tpu.memory_space<vmem>>
      %dma_wait3A_126 = arith.constant 0 : i32
      %dma_wait3A_127 = arith.constant 0 : i32
      %dma_wait3A_128 = tpu.memref_slice %arg2[%dma_wait3A_126, %dma_wait3A_127] : memref<451584x128xf32, #tpu.memory_space<hbm>> -> memref<451584x128xf32, #tpu.memory_space<hbm>>
      tpu.wait_indirect_dma semaphore(%arg7 : memref<!tpu.dma_semaphore, #tpu.memory_space<semaphore_mem>>) src(%dma_wait3A_128 : memref<451584x128xf32, #tpu.memory_space<hbm>>) dst(%arg6 : memref<392x128xf32, #tpu.memory_space<vmem>>)
      "tpu.region"() ({
        %run_scoped3A = tpu.sem_alloc : memref<!tpu.dma_semaphore, #tpu.memory_space<semaphore_mem>>
        %dma_start3A_129 = arith.constant 0 : i32
        %dma_start3A_130 = tpu.memref_slice %arg4[%mul3A_34, %dma_start3A_129] : memref<50688x128xf32, #tpu.memory_space<hbm>> -> memref<392x128xf32, #tpu.memory_space<hbm>>
        %dma_start3A_131 = arith.constant 0 : i32
        %dma_start3A_132 = tpu.memref_slice %arg4[%mul3A_34, %dma_start3A_131] : memref<50688x128xf32, #tpu.memory_space<hbm>> -> memref<392x128xf32, #tpu.memory_space<hbm>>
        tpu.enqueue_dma source(%arg6 : memref<392x128xf32, #tpu.memory_space<vmem>>) target(%dma_start3A_132 : memref<392x128xf32, #tpu.memory_space<hbm>>) target_semaphore(%run_scoped3A : memref<!tpu.dma_semaphore, #tpu.memory_space<semaphore_mem>>)
        %dma_wait3A_133 = arith.constant 0 : i32
        %dma_wait3A_134 = tpu.memref_slice %arg4[%mul3A_34, %dma_wait3A_133] : memref<50688x128xf32, #tpu.memory_space<hbm>> -> memref<392x128xf32, #tpu.memory_space<hbm>>
        %dma_wait3A_135 = arith.constant 0 : i32
        %dma_wait3A_136 = tpu.memref_slice %arg4[%mul3A_34, %dma_wait3A_135] : memref<50688x128xf32, #tpu.memory_space<hbm>> -> memref<392x128xf32, #tpu.memory_space<hbm>>
        tpu.wait_dma2 semaphore(%run_scoped3A : memref<!tpu.dma_semaphore, #tpu.memory_space<semaphore_mem>>) src(%arg6 : memref<392x128xf32, #tpu.memory_space<vmem>>) dst(%dma_wait3A_136 : memref<392x128xf32, #tpu.memory_space<hbm>>)
        tpu.yield
      }) : () -> ()
    }
    %while3A_18 = arith.constant 1 : i32
    scf.for %while3A_31 = %while3A_16 to %while3A_12 step %while3A_18  : i32 {
      %add3A_32 = arith.addi %select_n3A_8, %while3A_31 : i32
      %mul3A_33 = arith.constant 392 : i32
      %mul3A_34 = arith.muli %add3A_32, %mul3A_33 : i32
      "tpu.region"() ({
        %run_scoped3A = tpu.sem_alloc : memref<!tpu.dma_semaphore, #tpu.memory_space<semaphore_mem>>
        %dma_start3A_129 = arith.constant 0 : i32
        %dma_start3A_130 = tpu.memref_slice %arg3[%add3A_32, %dma_start3A_129] : memref<128x3528xi32, #tpu.memory_space<hbm>> -> memref<1x3528xi32, #tpu.memory_space<hbm>>
        %dma_start3A_131 = tpu.memref_squeeze %dma_start3A_130 : memref<1x3528xi32, #tpu.memory_space<hbm>> -> memref<3528xi32, #tpu.memory_space<hbm>>
        %dma_start3A_132 = arith.constant 0 : i32
        %dma_start3A_133 = tpu.memref_slice %arg3[%add3A_32, %dma_start3A_132] : memref<128x3528xi32, #tpu.memory_space<hbm>> -> memref<1x3528xi32, #tpu.memory_space<hbm>>
        %dma_start3A_134 = tpu.memref_squeeze %dma_start3A_133 : memref<1x3528xi32, #tpu.memory_space<hbm>> -> memref<3528xi32, #tpu.memory_space<hbm>>
        tpu.enqueue_dma source(%dma_start3A_134 : memref<3528xi32, #tpu.memory_space<hbm>>) target(%arg5 : memref<3528xi32, #tpu.memory_space<vmem>>) target_semaphore(%run_scoped3A : memref<!tpu.dma_semaphore, #tpu.memory_space<semaphore_mem>>)
        %dma_wait3A_135 = arith.constant 0 : i32
        %dma_wait3A_136 = tpu.memref_slice %arg3[%add3A_32, %dma_wait3A_135] : memref<128x3528xi32, #tpu.memory_space<hbm>> -> memref<1x3528xi32, #tpu.memory_space<hbm>>
        %dma_wait3A_137 = tpu.memref_squeeze %dma_wait3A_136 : memref<1x3528xi32, #tpu.memory_space<hbm>> -> memref<3528xi32, #tpu.memory_space<hbm>>
        %dma_wait3A_138 = arith.constant 0 : i32
        %dma_wait3A_139 = tpu.memref_slice %arg3[%add3A_32, %dma_wait3A_138] : memref<128x3528xi32, #tpu.memory_space<hbm>> -> memref<1x3528xi32, #tpu.memory_space<hbm>>
        %dma_wait3A_140 = tpu.memref_squeeze %dma_wait3A_139 : memref<1x3528xi32, #tpu.memory_space<hbm>> -> memref<3528xi32, #tpu.memory_space<hbm>>
        tpu.wait_dma2 semaphore(%run_scoped3A : memref<!tpu.dma_semaphore, #tpu.memory_space<semaphore_mem>>) src(%dma_wait3A_140 : memref<3528xi32, #tpu.memory_space<hbm>>) dst(%arg5 : memref<3528xi32, #tpu.memory_space<vmem>>)
        tpu.yield
      }) : () -> ()
      %scan3A_35 = arith.constant 0 : i32
      %scan3A_36 = arith.constant 0 : i32
      %scan3A_37 = arith.constant 392 : i32
      %scan3A_38 = arith.addi %scan3A_36, %scan3A_37 : i32
      %scan3A_39 = arith.constant 1 : i32
      scf.for %scan3A_129 = %scan3A_36 to %scan3A_38 step %scan3A_39  : i32 {
        %swap3A = arith.index_cast %scan3A_129 : i32 to index
        %swap3A_130 = arith.constant 0 : index
        %swap3A_131 = tpu.vector_load %arg6[%swap3A, %swap3A_130] {strides = array<i32>} : memref<392x128xf32, #tpu.memory_space<vmem>>, vector<1x16xf32>,
        %swap3A_132 = vector.shape_cast %swap3A_131 : vector<1x16xf32> to vector<16xf32>
        %swap3A_133 = vector.shape_cast %broadcast_in_dim3A_9 : vector<16xf32> to vector<1x16xf32>
        tpu.vector_store %arg6[%swap3A, %swap3A_130], %swap3A_133 {strides = array<i32>} : memref<392x128xf32, #tpu.memory_space<vmem>>, vector<1x16xf32>,
        %swap3A_134 = arith.index_cast %scan3A_129 : i32 to index
        %swap3A_135 = arith.constant 16 : index
        %swap3A_136 = tpu.vector_load %arg6[%swap3A_134, %swap3A_135] {strides = array<i32>} : memref<392x128xf32, #tpu.memory_space<vmem>>, vector<1x16xf32>,
        %swap3A_137 = vector.shape_cast %swap3A_136 : vector<1x16xf32> to vector<16xf32>
        %swap3A_138 = vector.shape_cast %broadcast_in_dim3A_9 : vector<16xf32> to vector<1x16xf32>
        tpu.vector_store %arg6[%swap3A_134, %swap3A_135], %swap3A_138 {strides = array<i32>} : memref<392x128xf32, #tpu.memory_space<vmem>>, vector<1x16xf32>,
        %swap3A_139 = arith.index_cast %scan3A_129 : i32 to index
        %swap3A_140 = arith.constant 32 : index
        %swap3A_141 = tpu.vector_load %arg6[%swap3A_139, %swap3A_140] {strides = array<i32>} : memref<392x128xf32, #tpu.memory_space<vmem>>, vector<1x16xf32>,
        %swap3A_142 = vector.shape_cast %swap3A_141 : vector<1x16xf32> to vector<16xf32>
        %swap3A_143 = vector.shape_cast %broadcast_in_dim3A_9 : vector<16xf32> to vector<1x16xf32>
        tpu.vector_store %arg6[%swap3A_139, %swap3A_140], %swap3A_143 {strides = array<i32>} : memref<392x128xf32, #tpu.memory_space<vmem>>, vector<1x16xf32>,
        %swap3A_144 = arith.index_cast %scan3A_129 : i32 to index
        %swap3A_145 = arith.constant 48 : index
        %swap3A_146 = tpu.vector_load %arg6[%swap3A_144, %swap3A_145] {strides = array<i32>} : memref<392x128xf32, #tpu.memory_space<vmem>>, vector<1x16xf32>,
        %swap3A_147 = vector.shape_cast %swap3A_146 : vector<1x16xf32> to vector<16xf32>
        %swap3A_148 = vector.shape_cast %broadcast_in_dim3A_9 : vector<16xf32> to vector<1x16xf32>
        tpu.vector_store %arg6[%swap3A_144, %swap3A_145], %swap3A_148 {strides = array<i32>} : memref<392x128xf32, #tpu.memory_space<vmem>>, vector<1x16xf32>,
        %swap3A_149 = arith.index_cast %scan3A_129 : i32 to index
        %swap3A_150 = arith.constant 64 : index
        %swap3A_151 = tpu.vector_load %arg6[%swap3A_149, %swap3A_150] {strides = array<i32>} : memref<392x128xf32, #tpu.memory_space<vmem>>, vector<1x16xf32>,
        %swap3A_152 = vector.shape_cast %swap3A_151 : vector<1x16xf32> to vector<16xf32>
        %swap3A_153 = vector.shape_cast %broadcast_in_dim3A_9 : vector<16xf32> to vector<1x16xf32>
        tpu.vector_store %arg6[%swap3A_149, %swap3A_150], %swap3A_153 {strides = array<i32>} : memref<392x128xf32, #tpu.memory_space<vmem>>, vector<1x16xf32>,
        %swap3A_154 = arith.index_cast %scan3A_129 : i32 to index
        %swap3A_155 = arith.constant 80 : index
        %swap3A_156 = tpu.vector_load %arg6[%swap3A_154, %swap3A_155] {strides = array<i32>} : memref<392x128xf32, #tpu.memory_space<vmem>>, vector<1x16xf32>,
        %swap3A_157 = vector.shape_cast %swap3A_156 : vector<1x16xf32> to vector<16xf32>
        %swap3A_158 = vector.shape_cast %broadcast_in_dim3A_9 : vector<16xf32> to vector<1x16xf32>
        tpu.vector_store %arg6[%swap3A_154, %swap3A_155], %swap3A_158 {strides = array<i32>} : memref<392x128xf32, #tpu.memory_space<vmem>>, vector<1x16xf32>,
        %swap3A_159 = arith.index_cast %scan3A_129 : i32 to index
        %swap3A_160 = arith.constant 96 : index
        %swap3A_161 = tpu.vector_load %arg6[%swap3A_159, %swap3A_160] {strides = array<i32>} : memref<392x128xf32, #tpu.memory_space<vmem>>, vector<1x16xf32>,
        %swap3A_162 = vector.shape_cast %swap3A_161 : vector<1x16xf32> to vector<16xf32>
        %swap3A_163 = vector.shape_cast %broadcast_in_dim3A_9 : vector<16xf32> to vector<1x16xf32>
        tpu.vector_store %arg6[%swap3A_159, %swap3A_160], %swap3A_163 {strides = array<i32>} : memref<392x128xf32, #tpu.memory_space<vmem>>, vector<1x16xf32>,
        %swap3A_164 = arith.index_cast %scan3A_129 : i32 to index
        %swap3A_165 = arith.constant 112 : index
        %swap3A_166 = tpu.vector_load %arg6[%swap3A_164, %swap3A_165] {strides = array<i32>} : memref<392x128xf32, #tpu.memory_space<vmem>>, vector<1x16xf32>,
        %swap3A_167 = vector.shape_cast %swap3A_166 : vector<1x16xf32> to vector<16xf32>
        %swap3A_168 = vector.shape_cast %broadcast_in_dim3A_9 : vector<16xf32> to vector<1x16xf32>
        tpu.vector_store %arg6[%swap3A_164, %swap3A_165], %swap3A_168 {strides = array<i32>} : memref<392x128xf32, #tpu.memory_space<vmem>>, vector<1x16xf32>,
      }
      %scan3A_40 = arith.constant 392 : i32
      %dma_start3A = arith.constant 0 : i32
      %dma_start3A_41 = tpu.memref_slice %arg5[%dma_start3A] : memref<3528xi32, #tpu.memory_space<vmem>> -> memref<392xi32, #tpu.memory_space<vmem>>
      %dma_start3A_42 = arith.constant 0 : i32
      %dma_start3A_43 = arith.constant 0 : i32
      %dma_start3A_44 = tpu.memref_slice %arg2[%dma_start3A_42, %dma_start3A_43] : memref<451584x128xf32, #tpu.memory_space<hbm>> -> memref<451584x128xf32, #tpu.memory_space<hbm>>
      tpu.enqueue_indirect_dma source(%dma_start3A_44 : memref<451584x128xf32, #tpu.memory_space<hbm>>) target(%arg6 : memref<392x128xf32, #tpu.memory_space<vmem>>) offsets(%dma_start3A_41 : memref<392xi32, #tpu.memory_space<vmem>>) semaphore(%arg7 : memref<!tpu.dma_semaphore, #tpu.memory_space<semaphore_mem>>) {add = true}
      %dma_start3A_45 = arith.constant 392 : i32
      %dma_start3A_46 = tpu.memref_slice %arg5[%dma_start3A_45] : memref<3528xi32, #tpu.memory_space<vmem>> -> memref<392xi32, #tpu.memory_space<vmem>>
      %dma_start3A_47 = arith.constant 0 : i32
      %dma_start3A_48 = arith.constant 0 : i32
      %dma_start3A_49 = tpu.memref_slice %arg2[%dma_start3A_47, %dma_start3A_48] : memref<451584x128xf32, #tpu.memory_space<hbm>> -> memref<451584x128xf32, #tpu.memory_space<hbm>>
      tpu.enqueue_indirect_dma source(%dma_start3A_49 : memref<451584x128xf32, #tpu.memory_space<hbm>>) target(%arg6 : memref<392x128xf32, #tpu.memory_space<vmem>>) offsets(%dma_start3A_46 : memref<392xi32, #tpu.memory_space<vmem>>) semaphore(%arg7 : memref<!tpu.dma_semaphore, #tpu.memory_space<semaphore_mem>>) {add = true}
      %dma_start3A_50 = arith.constant 784 : i32
      %dma_start3A_51 = tpu.memref_slice %arg5[%dma_start3A_50] : memref<3528xi32, #tpu.memory_space<vmem>> -> memref<392xi32, #tpu.memory_space<vmem>>
      %dma_start3A_52 = arith.constant 0 : i32
      %dma_start3A_53 = arith.constant 0 : i32
      %dma_start3A_54 = tpu.memref_slice %arg2[%dma_start3A_52, %dma_start3A_53] : memref<451584x128xf32, #tpu.memory_space<hbm>> -> memref<451584x128xf32, #tpu.memory_space<hbm>>
      tpu.enqueue_indirect_dma source(%dma_start3A_54 : memref<451584x128xf32, #tpu.memory_space<hbm>>) target(%arg6 : memref<392x128xf32, #tpu.memory_space<vmem>>) offsets(%dma_start3A_51 : memref<392xi32, #tpu.memory_space<vmem>>) semaphore(%arg7 : memref<!tpu.dma_semaphore, #tpu.memory_space<semaphore_mem>>) {add = true}
      %dma_start3A_55 = arith.constant 1176 : i32
      %dma_start3A_56 = tpu.memref_slice %arg5[%dma_start3A_55] : memref<3528xi32, #tpu.memory_space<vmem>> -> memref<392xi32, #tpu.memory_space<vmem>>
      %dma_start3A_57 = arith.constant 0 : i32
      %dma_start3A_58 = arith.constant 0 : i32
      %dma_start3A_59 = tpu.memref_slice %arg2[%dma_start3A_57, %dma_start3A_58] : memref<451584x128xf32, #tpu.memory_space<hbm>> -> memref<451584x128xf32, #tpu.memory_space<hbm>>
      tpu.enqueue_indirect_dma source(%dma_start3A_59 : memref<451584x128xf32, #tpu.memory_space<hbm>>) target(%arg6 : memref<392x128xf32, #tpu.memory_space<vmem>>) offsets(%dma_start3A_56 : memref<392xi32, #tpu.memory_space<vmem>>) semaphore(%arg7 : memref<!tpu.dma_semaphore, #tpu.memory_space<semaphore_mem>>) {add = true}
      %dma_start3A_60 = arith.constant 1568 : i32
      %dma_start3A_61 = tpu.memref_slice %arg5[%dma_start3A_60] : memref<3528xi32, #tpu.memory_space<vmem>> -> memref<392xi32, #tpu.memory_space<vmem>>
      %dma_start3A_62 = arith.constant 0 : i32
      %dma_start3A_63 = arith.constant 0 : i32
      %dma_start3A_64 = tpu.memref_slice %arg2[%dma_start3A_62, %dma_start3A_63] : memref<451584x128xf32, #tpu.memory_space<hbm>> -> memref<451584x128xf32, #tpu.memory_space<hbm>>
      tpu.enqueue_indirect_dma source(%dma_start3A_64 : memref<451584x128xf32, #tpu.memory_space<hbm>>) target(%arg6 : memref<392x128xf32, #tpu.memory_space<vmem>>) offsets(%dma_start3A_61 : memref<392xi32, #tpu.memory_space<vmem>>) semaphore(%arg7 : memref<!tpu.dma_semaphore, #tpu.memory_space<semaphore_mem>>) {add = true}
      %dma_start3A_65 = arith.constant 1960 : i32
      %dma_start3A_66 = tpu.memref_slice %arg5[%dma_start3A_65] : memref<3528xi32, #tpu.memory_space<vmem>> -> memref<392xi32, #tpu.memory_space<vmem>>
      %dma_start3A_67 = arith.constant 0 : i32
      %dma_start3A_68 = arith.constant 0 : i32
      %dma_start3A_69 = tpu.memref_slice %arg2[%dma_start3A_67, %dma_start3A_68] : memref<451584x128xf32, #tpu.memory_space<hbm>> -> memref<451584x128xf32, #tpu.memory_space<hbm>>
      tpu.enqueue_indirect_dma source(%dma_start3A_69 : memref<451584x128xf32, #tpu.memory_space<hbm>>) target(%arg6 : memref<392x128xf32, #tpu.memory_space<vmem>>) offsets(%dma_start3A_66 : memref<392xi32, #tpu.memory_space<vmem>>) semaphore(%arg7 : memref<!tpu.dma_semaphore, #tpu.memory_space<semaphore_mem>>) {add = true}
      %dma_start3A_70 = arith.constant 2352 : i32
      %dma_start3A_71 = tpu.memref_slice %arg5[%dma_start3A_70] : memref<3528xi32, #tpu.memory_space<vmem>> -> memref<392xi32, #tpu.memory_space<vmem>>
      %dma_start3A_72 = arith.constant 0 : i32
      %dma_start3A_73 = arith.constant 0 : i32
      %dma_start3A_74 = tpu.memref_slice %arg2[%dma_start3A_72, %dma_start3A_73] : memref<451584x128xf32, #tpu.memory_space<hbm>> -> memref<451584x128xf32, #tpu.memory_space<hbm>>
      tpu.enqueue_indirect_dma source(%dma_start3A_74 : memref<451584x128xf32, #tpu.memory_space<hbm>>) target(%arg6 : memref<392x128xf32, #tpu.memory_space<vmem>>) offsets(%dma_start3A_71 : memref<392xi32, #tpu.memory_space<vmem>>) semaphore(%arg7 : memref<!tpu.dma_semaphore, #tpu.memory_space<semaphore_mem>>) {add = true}
      %dma_start3A_75 = arith.constant 2744 : i32
      %dma_start3A_76 = tpu.memref_slice %arg5[%dma_start3A_75] : memref<3528xi32, #tpu.memory_space<vmem>> -> memref<392xi32, #tpu.memory_space<vmem>>
      %dma_start3A_77 = arith.constant 0 : i32
      %dma_start3A_78 = arith.constant 0 : i32
      %dma_start3A_79 = tpu.memref_slice %arg2[%dma_start3A_77, %dma_start3A_78] : memref<451584x128xf32, #tpu.memory_space<hbm>> -> memref<451584x128xf32, #tpu.memory_space<hbm>>
      tpu.enqueue_indirect_dma source(%dma_start3A_79 : memref<451584x128xf32, #tpu.memory_space<hbm>>) target(%arg6 : memref<392x128xf32, #tpu.memory_space<vmem>>) offsets(%dma_start3A_76 : memref<392xi32, #tpu.memory_space<vmem>>) semaphore(%arg7 : memref<!tpu.dma_semaphore, #tpu.memory_space<semaphore_mem>>) {add = true}
      %dma_start3A_80 = arith.constant 3136 : i32
      %dma_start3A_81 = tpu.memref_slice %arg5[%dma_start3A_80] : memref<3528xi32, #tpu.memory_space<vmem>> -> memref<392xi32, #tpu.memory_space<vmem>>
      %dma_start3A_82 = arith.constant 0 : i32
      %dma_start3A_83 = arith.constant 0 : i32
      %dma_start3A_84 = tpu.memref_slice %arg2[%dma_start3A_82, %dma_start3A_83] : memref<451584x128xf32, #tpu.memory_space<hbm>> -> memref<451584x128xf32, #tpu.memory_space<hbm>>
      tpu.enqueue_indirect_dma source(%dma_start3A_84 : memref<451584x128xf32, #tpu.memory_space<hbm>>) target(%arg6 : memref<392x128xf32, #tpu.memory_space<vmem>>) offsets(%dma_start3A_81 : memref<392xi32, #tpu.memory_space<vmem>>) semaphore(%arg7 : memref<!tpu.dma_semaphore, #tpu.memory_space<semaphore_mem>>) {add = true}
      %dma_wait3A = arith.constant 0 : i32
      %dma_wait3A_85 = tpu.memref_slice %arg5[%dma_wait3A] : memref<3528xi32, #tpu.memory_space<vmem>> -> memref<392xi32, #tpu.memory_space<vmem>>
      %dma_wait3A_86 = arith.constant 0 : i32
      %dma_wait3A_87 = arith.constant 0 : i32
      %dma_wait3A_88 = tpu.memref_slice %arg2[%dma_wait3A_86, %dma_wait3A_87] : memref<451584x128xf32, #tpu.memory_space<hbm>> -> memref<451584x128xf32, #tpu.memory_space<hbm>>
      tpu.wait_indirect_dma semaphore(%arg7 : memref<!tpu.dma_semaphore, #tpu.memory_space<semaphore_mem>>) src(%dma_wait3A_88 : memref<451584x128xf32, #tpu.memory_space<hbm>>) dst(%arg6 : memref<392x128xf32, #tpu.memory_space<vmem>>)
      %dma_wait3A_89 = arith.constant 392 : i32
      %dma_wait3A_90 = tpu.memref_slice %arg5[%dma_wait3A_89] : memref<3528xi32, #tpu.memory_space<vmem>> -> memref<392xi32, #tpu.memory_space<vmem>>
      %dma_wait3A_91 = arith.constant 0 : i32
      %dma_wait3A_92 = arith.constant 0 : i32
      %dma_wait3A_93 = tpu.memref_slice %arg2[%dma_wait3A_91, %dma_wait3A_92] : memref<451584x128xf32, #tpu.memory_space<hbm>> -> memref<451584x128xf32, #tpu.memory_space<hbm>>
      tpu.wait_indirect_dma semaphore(%arg7 : memref<!tpu.dma_semaphore, #tpu.memory_space<semaphore_mem>>) src(%dma_wait3A_93 : memref<451584x128xf32, #tpu.memory_space<hbm>>) dst(%arg6 : memref<392x128xf32, #tpu.memory_space<vmem>>)
      %dma_wait3A_94 = arith.constant 784 : i32
      %dma_wait3A_95 = tpu.memref_slice %arg5[%dma_wait3A_94] : memref<3528xi32, #tpu.memory_space<vmem>> -> memref<392xi32, #tpu.memory_space<vmem>>
      %dma_wait3A_96 = arith.constant 0 : i32
      %dma_wait3A_97 = arith.constant 0 : i32
      %dma_wait3A_98 = tpu.memref_slice %arg2[%dma_wait3A_96, %dma_wait3A_97] : memref<451584x128xf32, #tpu.memory_space<hbm>> -> memref<451584x128xf32, #tpu.memory_space<hbm>>
      tpu.wait_indirect_dma semaphore(%arg7 : memref<!tpu.dma_semaphore, #tpu.memory_space<semaphore_mem>>) src(%dma_wait3A_98 : memref<451584x128xf32, #tpu.memory_space<hbm>>) dst(%arg6 : memref<392x128xf32, #tpu.memory_space<vmem>>)
      %dma_wait3A_99 = arith.constant 1176 : i32
      %dma_wait3A_100 = tpu.memref_slice %arg5[%dma_wait3A_99] : memref<3528xi32, #tpu.memory_space<vmem>> -> memref<392xi32, #tpu.memory_space<vmem>>
      %dma_wait3A_101 = arith.constant 0 : i32
      %dma_wait3A_102 = arith.constant 0 : i32
      %dma_wait3A_103 = tpu.memref_slice %arg2[%dma_wait3A_101, %dma_wait3A_102] : memref<451584x128xf32, #tpu.memory_space<hbm>> -> memref<451584x128xf32, #tpu.memory_space<hbm>>
      tpu.wait_indirect_dma semaphore(%arg7 : memref<!tpu.dma_semaphore, #tpu.memory_space<semaphore_mem>>) src(%dma_wait3A_103 : memref<451584x128xf32, #tpu.memory_space<hbm>>) dst(%arg6 : memref<392x128xf32, #tpu.memory_space<vmem>>)
      %dma_wait3A_104 = arith.constant 1568 : i32
      %dma_wait3A_105 = tpu.memref_slice %arg5[%dma_wait3A_104] : memref<3528xi32, #tpu.memory_space<vmem>> -> memref<392xi32, #tpu.memory_space<vmem>>
      %dma_wait3A_106 = arith.constant 0 : i32
      %dma_wait3A_107 = arith.constant 0 : i32
      %dma_wait3A_108 = tpu.memref_slice %arg2[%dma_wait3A_106, %dma_wait3A_107] : memref<451584x128xf32, #tpu.memory_space<hbm>> -> memref<451584x128xf32, #tpu.memory_space<hbm>>
      tpu.wait_indirect_dma semaphore(%arg7 : memref<!tpu.dma_semaphore, #tpu.memory_space<semaphore_mem>>) src(%dma_wait3A_108 : memref<451584x128xf32, #tpu.memory_space<hbm>>) dst(%arg6 : memref<392x128xf32, #tpu.memory_space<vmem>>)
      %dma_wait3A_109 = arith.constant 1960 : i32
      %dma_wait3A_110 = tpu.memref_slice %arg5[%dma_wait3A_109] : memref<3528xi32, #tpu.memory_space<vmem>> -> memref<392xi32, #tpu.memory_space<vmem>>
      %dma_wait3A_111 = arith.constant 0 : i32
      %dma_wait3A_112 = arith.constant 0 : i32
      %dma_wait3A_113 = tpu.memref_slice %arg2[%dma_wait3A_111, %dma_wait3A_112] : memref<451584x128xf32, #tpu.memory_space<hbm>> -> memref<451584x128xf32, #tpu.memory_space<hbm>>
      tpu.wait_indirect_dma semaphore(%arg7 : memref<!tpu.dma_semaphore, #tpu.memory_space<semaphore_mem>>) src(%dma_wait3A_113 : memref<451584x128xf32, #tpu.memory_space<hbm>>) dst(%arg6 : memref<392x128xf32, #tpu.memory_space<vmem>>)
      %dma_wait3A_114 = arith.constant 2352 : i32
      %dma_wait3A_115 = tpu.memref_slice %arg5[%dma_wait3A_114] : memref<3528xi32, #tpu.memory_space<vmem>> -> memref<392xi32, #tpu.memory_space<vmem>>
      %dma_wait3A_116 = arith.constant 0 : i32
      %dma_wait3A_117 = arith.constant 0 : i32
      %dma_wait3A_118 = tpu.memref_slice %arg2[%dma_wait3A_116, %dma_wait3A_117] : memref<451584x128xf32, #tpu.memory_space<hbm>> -> memref<451584x128xf32, #tpu.memory_space<hbm>>
      tpu.wait_indirect_dma semaphore(%arg7 : memref<!tpu.dma_semaphore, #tpu.memory_space<semaphore_mem>>) src(%dma_wait3A_118 : memref<451584x128xf32, #tpu.memory_space<hbm>>) dst(%arg6 : memref<392x128xf32, #tpu.memory_space<vmem>>)
      %dma_wait3A_119 = arith.constant 2744 : i32
      %dma_wait3A_120 = tpu.memref_slice %arg5[%dma_wait3A_119] : memref<3528xi32, #tpu.memory_space<vmem>> -> memref<392xi32, #tpu.memory_space<vmem>>
      %dma_wait3A_121 = arith.constant 0 : i32
      %dma_wait3A_122 = arith.constant 0 : i32
      %dma_wait3A_123 = tpu.memref_slice %arg2[%dma_wait3A_121, %dma_wait3A_122] : memref<451584x128xf32, #tpu.memory_space<hbm>> -> memref<451584x128xf32, #tpu.memory_space<hbm>>
      tpu.wait_indirect_dma semaphore(%arg7 : memref<!tpu.dma_semaphore, #tpu.memory_space<semaphore_mem>>) src(%dma_wait3A_123 : memref<451584x128xf32, #tpu.memory_space<hbm>>) dst(%arg6 : memref<392x128xf32, #tpu.memory_space<vmem>>)
      %dma_wait3A_124 = arith.constant 3136 : i32
      %dma_wait3A_125 = tpu.memref_slice %arg5[%dma_wait3A_124] : memref<3528xi32, #tpu.memory_space<vmem>> -> memref<392xi32, #tpu.memory_space<vmem>>
      %dma_wait3A_126 = arith.constant 0 : i32
      %dma_wait3A_127 = arith.constant 0 : i32
      %dma_wait3A_128 = tpu.memref_slice %arg2[%dma_wait3A_126, %dma_wait3A_127] : memref<451584x128xf32, #tpu.memory_space<hbm>> -> memref<451584x128xf32, #tpu.memory_space<hbm>>
      tpu.wait_indirect_dma semaphore(%arg7 : memref<!tpu.dma_semaphore, #tpu.memory_space<semaphore_mem>>) src(%dma_wait3A_128 : memref<451584x128xf32, #tpu.memory_space<hbm>>) dst(%arg6 : memref<392x128xf32, #tpu.memory_space<vmem>>)
      "tpu.region"() ({
        %run_scoped3A = tpu.sem_alloc : memref<!tpu.dma_semaphore, #tpu.memory_space<semaphore_mem>>
        %dma_start3A_129 = arith.constant 0 : i32
        %dma_start3A_130 = tpu.memref_slice %arg4[%mul3A_34, %dma_start3A_129] : memref<50688x128xf32, #tpu.memory_space<hbm>> -> memref<392x128xf32, #tpu.memory_space<hbm>>
        %dma_start3A_131 = arith.constant 0 : i32
        %dma_start3A_132 = tpu.memref_slice %arg4[%mul3A_34, %dma_start3A_131] : memref<50688x128xf32, #tpu.memory_space<hbm>> -> memref<392x128xf32, #tpu.memory_space<hbm>>
        tpu.enqueue_dma source(%arg6 : memref<392x128xf32, #tpu.memory_space<vmem>>) target(%dma_start3A_132 : memref<392x128xf32, #tpu.memory_space<hbm>>) target_semaphore(%run_scoped3A : memref<!tpu.dma_semaphore, #tpu.memory_space<semaphore_mem>>)
        %dma_wait3A_133 = arith.constant 0 : i32
        %dma_wait3A_134 = tpu.memref_slice %arg4[%mul3A_34, %dma_wait3A_133] : memref<50688x128xf32, #tpu.memory_space<hbm>> -> memref<392x128xf32, #tpu.memory_space<hbm>>
        %dma_wait3A_135 = arith.constant 0 : i32
        %dma_wait3A_136 = tpu.memref_slice %arg4[%mul3A_34, %dma_wait3A_135] : memref<50688x128xf32, #tpu.memory_space<hbm>> -> memref<392x128xf32, #tpu.memory_space<hbm>>
        tpu.wait_dma2 semaphore(%run_scoped3A : memref<!tpu.dma_semaphore, #tpu.memory_space<semaphore_mem>>) src(%arg6 : memref<392x128xf32, #tpu.memory_space<vmem>>) dst(%dma_wait3A_136 : memref<392x128xf32, #tpu.memory_space<hbm>>)
        tpu.yield
      }) : () -> ()
    }
    %mul3A_19 = arith.constant 2 : i32
    %mul3A_20 = arith.muli %arg1, %mul3A_19 : i32
    %add3A_21 = arith.addi %mul3A_20, %arg0 : i32
    %scan3A = arith.constant 0 : i32
    %scan3A_22 = arith.constant 0 : i32
    %scan3A_23 = arith.constant 16 : i32
    %scan3A_24 = arith.addi %scan3A_22, %scan3A_23 : i32
    %scan3A_25 = arith.constant 1 : i32
    scf.for %scan3A_31 = %scan3A_22 to %scan3A_24 step %scan3A_25  : i32 {
      %swap3A = arith.index_cast %scan3A_31 : i32 to index
      %swap3A_32 = arith.constant 0 : index
      %swap3A_33 = tpu.vector_load %arg6[%swap3A, %swap3A_32] {strides = array<i32>} : memref<392x128xf32, #tpu.memory_space<vmem>>, vector<1x16xf32>,
      %swap3A_34 = vector.shape_cast %swap3A_33 : vector<1x16xf32> to vector<16xf32>
      %swap3A_35 = vector.shape_cast %broadcast_in_dim3A_9 : vector<16xf32> to vector<1x16xf32>
      tpu.vector_store %arg6[%swap3A, %swap3A_32], %swap3A_35 {strides = array<i32>} : memref<392x128xf32, #tpu.memory_space<vmem>>, vector<1x16xf32>,
      %swap3A_36 = arith.index_cast %scan3A_31 : i32 to index
      %swap3A_37 = arith.constant 16 : index
      %swap3A_38 = tpu.vector_load %arg6[%swap3A_36, %swap3A_37] {strides = array<i32>} : memref<392x128xf32, #tpu.memory_space<vmem>>, vector<1x16xf32>,
      %swap3A_39 = vector.shape_cast %swap3A_38 : vector<1x16xf32> to vector<16xf32>
      %swap3A_40 = vector.shape_cast %broadcast_in_dim3A_9 : vector<16xf32> to vector<1x16xf32>
      tpu.vector_store %arg6[%swap3A_36, %swap3A_37], %swap3A_40 {strides = array<i32>} : memref<392x128xf32, #tpu.memory_space<vmem>>, vector<1x16xf32>,
      %swap3A_41 = arith.index_cast %scan3A_31 : i32 to index
      %swap3A_42 = arith.constant 32 : index
      %swap3A_43 = tpu.vector_load %arg6[%swap3A_41, %swap3A_42] {strides = array<i32>} : memref<392x128xf32, #tpu.memory_space<vmem>>, vector<1x16xf32>,
      %swap3A_44 = vector.shape_cast %swap3A_43 : vector<1x16xf32> to vector<16xf32>
      %swap3A_45 = vector.shape_cast %broadcast_in_dim3A_9 : vector<16xf32> to vector<1x16xf32>
      tpu.vector_store %arg6[%swap3A_41, %swap3A_42], %swap3A_45 {strides = array<i32>} : memref<392x128xf32, #tpu.memory_space<vmem>>, vector<1x16xf32>,
      %swap3A_46 = arith.index_cast %scan3A_31 : i32 to index
      %swap3A_47 = arith.constant 48 : index
      %swap3A_48 = tpu.vector_load %arg6[%swap3A_46, %swap3A_47] {strides = array<i32>} : memref<392x128xf32, #tpu.memory_space<vmem>>, vector<1x16xf32>,
      %swap3A_49 = vector.shape_cast %swap3A_48 : vector<1x16xf32> to vector<16xf32>
      %swap3A_50 = vector.shape_cast %broadcast_in_dim3A_9 : vector<16xf32> to vector<1x16xf32>
      tpu.vector_store %arg6[%swap3A_46, %swap3A_47], %swap3A_50 {strides = array<i32>} : memref<392x128xf32, #tpu.memory_space<vmem>>, vector<1x16xf32>,
      %swap3A_51 = arith.index_cast %scan3A_31 : i32 to index
      %swap3A_52 = arith.constant 64 : index
      %swap3A_53 = tpu.vector_load %arg6[%swap3A_51, %swap3A_52] {strides = array<i32>} : memref<392x128xf32, #tpu.memory_space<vmem>>, vector<1x16xf32>,
      %swap3A_54 = vector.shape_cast %swap3A_53 : vector<1x16xf32> to vector<16xf32>
      %swap3A_55 = vector.shape_cast %broadcast_in_dim3A_9 : vector<16xf32> to vector<1x16xf32>
      tpu.vector_store %arg6[%swap3A_51, %swap3A_52], %swap3A_55 {strides = array<i32>} : memref<392x128xf32, #tpu.memory_space<vmem>>, vector<1x16xf32>,
      %swap3A_56 = arith.index_cast %scan3A_31 : i32 to index
      %swap3A_57 = arith.constant 80 : index
      %swap3A_58 = tpu.vector_load %arg6[%swap3A_56, %swap3A_57] {strides = array<i32>} : memref<392x128xf32, #tpu.memory_space<vmem>>, vector<1x16xf32>,
      %swap3A_59 = vector.shape_cast %swap3A_58 : vector<1x16xf32> to vector<16xf32>
      %swap3A_60 = vector.shape_cast %broadcast_in_dim3A_9 : vector<16xf32> to vector<1x16xf32>
      tpu.vector_store %arg6[%swap3A_56, %swap3A_57], %swap3A_60 {strides = array<i32>} : memref<392x128xf32, #tpu.memory_space<vmem>>, vector<1x16xf32>,
      %swap3A_61 = arith.index_cast %scan3A_31 : i32 to index
      %swap3A_62 = arith.constant 96 : index
      %swap3A_63 = tpu.vector_load %arg6[%swap3A_61, %swap3A_62] {strides = array<i32>} : memref<392x128xf32, #tpu.memory_space<vmem>>, vector<1x16xf32>,
      %swap3A_64 = vector.shape_cast %swap3A_63 : vector<1x16xf32> to vector<16xf32>
      %swap3A_65 = vector.shape_cast %broadcast_in_dim3A_9 : vector<16xf32> to vector<1x16xf32>
      tpu.vector_store %arg6[%swap3A_61, %swap3A_62], %swap3A_65 {strides = array<i32>} : memref<392x128xf32, #tpu.memory_space<vmem>>, vector<1x16xf32>,
      %swap3A_66 = arith.index_cast %scan3A_31 : i32 to index
      %swap3A_67 = arith.constant 112 : index
      %swap3A_68 = tpu.vector_load %arg6[%swap3A_66, %swap3A_67] {strides = array<i32>} : memref<392x128xf32, #tpu.memory_space<vmem>>, vector<1x16xf32>,
      %swap3A_69 = vector.shape_cast %swap3A_68 : vector<1x16xf32> to vector<16xf32>
      %swap3A_70 = vector.shape_cast %broadcast_in_dim3A_9 : vector<16xf32> to vector<1x16xf32>
      tpu.vector_store %arg6[%swap3A_66, %swap3A_67], %swap3A_70 {strides = array<i32>} : memref<392x128xf32, #tpu.memory_space<vmem>>, vector<1x16xf32>,
    }
    %scan3A_26 = arith.constant 16 : i32
    %mul3A_27 = arith.constant 16 : i32
    %mul3A_28 = arith.muli %add3A_21, %mul3A_27 : i32
    %add3A_29 = arith.constant 50176 : i32
    %add3A_30 = arith.addi %add3A_29, %mul3A_28 : i32
    "tpu.region"() ({
      %run_scoped3A = tpu.sem_alloc : memref<!tpu.dma_semaphore, #tpu.memory_space<semaphore_mem>>
      %dma_start3A = arith.constant 0 : i32
      %dma_start3A_31 = arith.constant 0 : i32
      %dma_start3A_32 = tpu.memref_slice %arg6[%dma_start3A, %dma_start3A_31] : memref<392x128xf32, #tpu.memory_space<vmem>> -> memref<16x128xf32, #tpu.memory_space<vmem>>
      %dma_start3A_33 = arith.constant 0 : i32
      %dma_start3A_34 = tpu.memref_slice %arg4[%add3A_30, %dma_start3A_33] : memref<50688x128xf32, #tpu.memory_space<hbm>> -> memref<16x128xf32, #tpu.memory_space<hbm>>
      %dma_start3A_35 = arith.constant 0 : i32
      %dma_start3A_36 = tpu.memref_slice %arg4[%add3A_30, %dma_start3A_35] : memref<50688x128xf32, #tpu.memory_space<hbm>> -> memref<16x128xf32, #tpu.memory_space<hbm>>
      %dma_start3A_37 = arith.constant 0 : i32
      %dma_start3A_38 = arith.constant 0 : i32
      %dma_start3A_39 = tpu.memref_slice %arg6[%dma_start3A_37, %dma_start3A_38] : memref<392x128xf32, #tpu.memory_space<vmem>> -> memref<16x128xf32, #tpu.memory_space<vmem>>
      tpu.enqueue_dma source(%dma_start3A_39 : memref<16x128xf32, #tpu.memory_space<vmem>>) target(%dma_start3A_36 : memref<16x128xf32, #tpu.memory_space<hbm>>) target_semaphore(%run_scoped3A : memref<!tpu.dma_semaphore, #tpu.memory_space<semaphore_mem>>)
      %dma_wait3A = arith.constant 0 : i32
      %dma_wait3A_40 = arith.constant 0 : i32
      %dma_wait3A_41 = tpu.memref_slice %arg6[%dma_wait3A, %dma_wait3A_40] : memref<392x128xf32, #tpu.memory_space<vmem>> -> memref<16x128xf32, #tpu.memory_space<vmem>>
      %dma_wait3A_42 = arith.constant 0 : i32
      %dma_wait3A_43 = tpu.memref_slice %arg4[%add3A_30, %dma_wait3A_42] : memref<50688x128xf32, #tpu.memory_space<hbm>> -> memref<16x128xf32, #tpu.memory_space<hbm>>
      %dma_wait3A_44 = arith.constant 0 : i32
      %dma_wait3A_45 = tpu.memref_slice %arg4[%add3A_30, %dma_wait3A_44] : memref<50688x128xf32, #tpu.memory_space<hbm>> -> memref<16x128xf32, #tpu.memory_space<hbm>>
      %dma_wait3A_46 = arith.constant 0 : i32
      %dma_wait3A_47 = arith.constant 0 : i32
      %dma_wait3A_48 = tpu.memref_slice %arg6[%dma_wait3A_46, %dma_wait3A_47] : memref<392x128xf32, #tpu.memory_space<vmem>> -> memref<16x128xf32, #tpu.memory_space<vmem>>
      tpu.wait_dma2 semaphore(%run_scoped3A : memref<!tpu.dma_semaphore, #tpu.memory_space<semaphore_mem>>) src(%dma_wait3A_48 : memref<16x128xf32, #tpu.memory_space<vmem>>) dst(%dma_wait3A_45 : memref<16x128xf32, #tpu.memory_space<hbm>>)
      tpu.yield
    }) : () -> ()
    return
  }
}

#map = affine_map<(d0, d1) -> (0, 0)>
#map1 = affine_map<(d0, d1) -> (0)>
module attributes {stable_mosaic.version = 14 : i64} {
  func.func @_sc_pool(%arg0: i32, %arg1: i32, %arg2: memref<50688x128xf32, #tpu.memory_space<hbm>>, %arg3: memref<65536xi32, #tpu.memory_space<hbm>>, %arg4: memref<16384x128xf32, #tpu.memory_space<hbm>>, %arg5: memref<256xi32, #tpu.memory_space<vmem>>, %arg6: memref<256x128xf32, #tpu.memory_space<vmem>>, %arg7: memref<64x128xf32, #tpu.memory_space<vmem>>, %arg8: memref<!tpu.dma_semaphore, #tpu.memory_space<semaphore_mem>>) attributes {dimension_semantics = [#tpu.dimension_semantics<core_parallel>, #tpu.dimension_semantics<subcore_parallel>], iteration_bounds = array<i64: 2, 16>, scalar_prefetch = 0 : i64, scratch_operands = 4 : i64, tpu.core_type = #tpu.core_type<sc_vector_subcore>, window_params = [{transform_indices = #map}, {transform_indices = #map1}, {transform_indices = #map}]} {
    %mul3A = arith.constant 2 : i32
    %mul3A_0 = arith.muli %arg1, %mul3A : i32
    %add3A = arith.addi %mul3A_0, %arg0 : i32
    %iota3A = tpu.iota {dimensions = array<i32: 0>} : vector<16xi32>
    %scan3A = arith.constant 0 : i32
    %scan3A_1 = arith.constant 0 : i32
    %scan3A_2 = arith.constant 8 : i32
    %scan3A_3 = arith.addi %scan3A_1, %scan3A_2 : i32
    %scan3A_4 = arith.constant 1 : i32
    scf.for %scan3A_6 = %scan3A_1 to %scan3A_3 step %scan3A_4  : i32 {
      %mul3A_7 = arith.constant 512 : i32
      %mul3A_8 = arith.muli %add3A, %mul3A_7 : i32
      %mul3A_9 = arith.constant 64 : i32
      %mul3A_10 = arith.muli %scan3A_6, %mul3A_9 : i32
      %add3A_11 = arith.addi %mul3A_8, %mul3A_10 : i32
      %mul3A_12 = arith.constant 4 : i32
      %mul3A_13 = arith.muli %mul3A_12, %add3A_11 : i32
      "tpu.region"() ({
        %run_scoped3A = tpu.sem_alloc : memref<!tpu.dma_semaphore, #tpu.memory_space<semaphore_mem>>
        %dma_start3A_30 = tpu.memref_slice %arg3[%mul3A_13] : memref<65536xi32, #tpu.memory_space<hbm>> -> memref<256xi32, #tpu.memory_space<hbm>>
        %dma_start3A_31 = tpu.memref_slice %arg3[%mul3A_13] : memref<65536xi32, #tpu.memory_space<hbm>> -> memref<256xi32, #tpu.memory_space<hbm>>
        tpu.enqueue_dma source(%dma_start3A_31 : memref<256xi32, #tpu.memory_space<hbm>>) target(%arg5 : memref<256xi32, #tpu.memory_space<vmem>>) target_semaphore(%run_scoped3A : memref<!tpu.dma_semaphore, #tpu.memory_space<semaphore_mem>>)
        %dma_wait3A_32 = tpu.memref_slice %arg3[%mul3A_13] : memref<65536xi32, #tpu.memory_space<hbm>> -> memref<256xi32, #tpu.memory_space<hbm>>
        %dma_wait3A_33 = tpu.memref_slice %arg3[%mul3A_13] : memref<65536xi32, #tpu.memory_space<hbm>> -> memref<256xi32, #tpu.memory_space<hbm>>
        tpu.wait_dma2 semaphore(%run_scoped3A : memref<!tpu.dma_semaphore, #tpu.memory_space<semaphore_mem>>) src(%dma_wait3A_33 : memref<256xi32, #tpu.memory_space<hbm>>) dst(%arg5 : memref<256xi32, #tpu.memory_space<vmem>>)
        tpu.yield
      }) : () -> ()
      %scan3A_14 = arith.constant 0 : i32
      %scan3A_15 = arith.constant 0 : i32
      %scan3A_16 = arith.constant 16 : i32
      %scan3A_17 = arith.addi %scan3A_15, %scan3A_16 : i32
      %scan3A_18 = arith.constant 1 : i32
      scf.for %scan3A_30 = %scan3A_15 to %scan3A_17 step %scan3A_18  : i32 {
        %mul3A_31 = arith.constant 16 : i32
        %mul3A_32 = arith.muli %scan3A_30, %mul3A_31 : i32
        %get3A = arith.index_cast %mul3A_32 : i32 to index
        %get3A_33 = tpu.vector_load %arg5[%get3A] {strides = array<i32>} : memref<256xi32, #tpu.memory_space<vmem>>, vector<16xi32>,
        %get3A_34 = vector.shape_cast %get3A_33 : vector<16xi32> to vector<16xi32>
        %mul3A_35 = arith.constant 16 : i32
        %mul3A_36 = arith.muli %scan3A_30, %mul3A_35 : i32
        %add3A_37 = vector.broadcast %mul3A_36 : i32 to vector<16xi32>
        %add3A_38 = arith.addi %add3A_37, %iota3A : vector<16xi32>
        %and3A = arith.constant 511 : i32
        %and3A_39 = vector.broadcast %and3A : i32 to vector<16xi32>
        %and3A_40 = arith.andi %add3A_38, %and3A_39 : vector<16xi32>
        %add3A_41 = arith.constant 50176 : i32
        %add3A_42 = vector.broadcast %add3A_41 : i32 to vector<16xi32>
        %add3A_43 = arith.addi %add3A_42, %and3A_40 : vector<16xi32>
        %lt3A = arith.constant 50000 : i32
        %lt3A_44 = vector.broadcast %lt3A : i32 to vector<16xi32>
        %lt3A_45 = arith.cmpi slt, %get3A_34, %lt3A_44 : vector<16xi32>
        %select_n3A = arith.select %lt3A_45, %get3A_34, %add3A_43 : vector<16xi1>, vector<16xi32>
        %swap3A = arith.index_cast %mul3A_32 : i32 to index
        %swap3A_46 = tpu.vector_load %arg5[%swap3A] {strides = array<i32>} : memref<256xi32, #tpu.memory_space<vmem>>, vector<16xi32>,
        %swap3A_47 = vector.shape_cast %swap3A_46 : vector<16xi32> to vector<16xi32>
        %swap3A_48 = vector.shape_cast %select_n3A : vector<16xi32> to vector<16xi32>
        tpu.vector_store %arg5[%swap3A], %swap3A_48 {strides = array<i32>} : memref<256xi32, #tpu.memory_space<vmem>>, vector<16xi32>,
      }
      %scan3A_19 = arith.constant 16 : i32
      %dma_start3A = arith.constant 0 : i32
      %dma_start3A_20 = arith.constant 0 : i32
      %dma_start3A_21 = tpu.memref_slice %arg2[%dma_start3A, %dma_start3A_20] : memref<50688x128xf32, #tpu.memory_space<hbm>> -> memref<50688x128xf32, #tpu.memory_space<hbm>>
      tpu.enqueue_indirect_dma source(%dma_start3A_21 : memref<50688x128xf32, #tpu.memory_space<hbm>>) target(%arg6 : memref<256x128xf32, #tpu.memory_space<vmem>>) offsets(%arg5 : memref<256xi32, #tpu.memory_space<vmem>>) semaphore(%arg8 : memref<!tpu.dma_semaphore, #tpu.memory_space<semaphore_mem>>)
      %dma_wait3A = arith.constant 0 : i32
      %dma_wait3A_22 = arith.constant 0 : i32
      %dma_wait3A_23 = tpu.memref_slice %arg2[%dma_wait3A, %dma_wait3A_22] : memref<50688x128xf32, #tpu.memory_space<hbm>> -> memref<50688x128xf32, #tpu.memory_space<hbm>>
      tpu.wait_indirect_dma semaphore(%arg8 : memref<!tpu.dma_semaphore, #tpu.memory_space<semaphore_mem>>) src(%dma_wait3A_23 : memref<50688x128xf32, #tpu.memory_space<hbm>>) dst(%arg6 : memref<256x128xf32, #tpu.memory_space<vmem>>)
      %scan3A_24 = arith.constant 0 : i32
      %scan3A_25 = arith.constant 0 : i32
      %scan3A_26 = arith.constant 64 : i32
      %scan3A_27 = arith.addi %scan3A_25, %scan3A_26 : i32
      %scan3A_28 = arith.constant 1 : i32
      scf.for %scan3A_30 = %scan3A_25 to %scan3A_27 step %scan3A_28  : i32 {
        %mul3A_31 = arith.constant 4 : i32
        %mul3A_32 = arith.muli %mul3A_31, %scan3A_30 : i32
        %get3A = arith.index_cast %mul3A_32 : i32 to index
        %get3A_33 = arith.constant 0 : index
        %get3A_34 = tpu.vector_load %arg6[%get3A, %get3A_33] {strides = array<i32>} : memref<256x128xf32, #tpu.memory_space<vmem>>, vector<1x16xf32>,
        %get3A_35 = vector.shape_cast %get3A_34 : vector<1x16xf32> to vector<16xf32>
        %mul3A_36 = arith.constant 4 : i32
        %mul3A_37 = arith.muli %mul3A_36, %scan3A_30 : i32
        %add3A_38 = arith.constant 1 : i32
        %add3A_39 = arith.addi %mul3A_37, %add3A_38 : i32
        %get3A_40 = arith.index_cast %add3A_39 : i32 to index
        %get3A_41 = arith.constant 0 : index
        %get3A_42 = tpu.vector_load %arg6[%get3A_40, %get3A_41] {strides = array<i32>} : memref<256x128xf32, #tpu.memory_space<vmem>>, vector<1x16xf32>,
        %get3A_43 = vector.shape_cast %get3A_42 : vector<1x16xf32> to vector<16xf32>
        %max3A = arith.maximumf %get3A_35, %get3A_43 : vector<16xf32>
        %mul3A_44 = arith.constant 4 : i32
        %mul3A_45 = arith.muli %mul3A_44, %scan3A_30 : i32
        %add3A_46 = arith.constant 2 : i32
        %add3A_47 = arith.addi %mul3A_45, %add3A_46 : i32
        %get3A_48 = arith.index_cast %add3A_47 : i32 to index
        %get3A_49 = arith.constant 0 : index
        %get3A_50 = tpu.vector_load %arg6[%get3A_48, %get3A_49] {strides = array<i32>} : memref<256x128xf32, #tpu.memory_space<vmem>>, vector<1x16xf32>,
        %get3A_51 = vector.shape_cast %get3A_50 : vector<1x16xf32> to vector<16xf32>
        %mul3A_52 = arith.constant 4 : i32
        %mul3A_53 = arith.muli %mul3A_52, %scan3A_30 : i32
        %add3A_54 = arith.constant 3 : i32
        %add3A_55 = arith.addi %mul3A_53, %add3A_54 : i32
        %get3A_56 = arith.index_cast %add3A_55 : i32 to index
        %get3A_57 = arith.constant 0 : index
        %get3A_58 = tpu.vector_load %arg6[%get3A_56, %get3A_57] {strides = array<i32>} : memref<256x128xf32, #tpu.memory_space<vmem>>, vector<1x16xf32>,
        %get3A_59 = vector.shape_cast %get3A_58 : vector<1x16xf32> to vector<16xf32>
        %max3A_60 = arith.maximumf %get3A_51, %get3A_59 : vector<16xf32>
        %max3A_61 = arith.maximumf %max3A, %max3A_60 : vector<16xf32>
        %max3A_62 = arith.constant 0.000000e+00 : f32
        %max3A_63 = vector.broadcast %max3A_62 : f32 to vector<16xf32>
        %max3A_64 = arith.maximumf %max3A_61, %max3A_63 : vector<16xf32>
        %swap3A = arith.index_cast %scan3A_30 : i32 to index
        %swap3A_65 = arith.constant 0 : index
        %swap3A_66 = tpu.vector_load %arg7[%swap3A, %swap3A_65] {strides = array<i32>} : memref<64x128xf32, #tpu.memory_space<vmem>>, vector<1x16xf32>,
        %swap3A_67 = vector.shape_cast %swap3A_66 : vector<1x16xf32> to vector<16xf32>
        %swap3A_68 = vector.shape_cast %max3A_64 : vector<16xf32> to vector<1x16xf32>
        tpu.vector_store %arg7[%swap3A, %swap3A_65], %swap3A_68 {strides = array<i32>} : memref<64x128xf32, #tpu.memory_space<vmem>>, vector<1x16xf32>,
        %mul3A_69 = arith.constant 4 : i32
        %mul3A_70 = arith.muli %mul3A_69, %scan3A_30 : i32
        %get3A_71 = arith.index_cast %mul3A_70 : i32 to index
        %get3A_72 = arith.constant 16 : index
        %get3A_73 = tpu.vector_load %arg6[%get3A_71, %get3A_72] {strides = array<i32>} : memref<256x128xf32, #tpu.memory_space<vmem>>, vector<1x16xf32>,
        %get3A_74 = vector.shape_cast %get3A_73 : vector<1x16xf32> to vector<16xf32>
        %mul3A_75 = arith.constant 4 : i32
        %mul3A_76 = arith.muli %mul3A_75, %scan3A_30 : i32
        %add3A_77 = arith.constant 1 : i32
        %add3A_78 = arith.addi %mul3A_76, %add3A_77 : i32
        %get3A_79 = arith.index_cast %add3A_78 : i32 to index
        %get3A_80 = arith.constant 16 : index
        %get3A_81 = tpu.vector_load %arg6[%get3A_79, %get3A_80] {strides = array<i32>} : memref<256x128xf32, #tpu.memory_space<vmem>>, vector<1x16xf32>,
        %get3A_82 = vector.shape_cast %get3A_81 : vector<1x16xf32> to vector<16xf32>
        %max3A_83 = arith.maximumf %get3A_74, %get3A_82 : vector<16xf32>
        %mul3A_84 = arith.constant 4 : i32
        %mul3A_85 = arith.muli %mul3A_84, %scan3A_30 : i32
        %add3A_86 = arith.constant 2 : i32
        %add3A_87 = arith.addi %mul3A_85, %add3A_86 : i32
        %get3A_88 = arith.index_cast %add3A_87 : i32 to index
        %get3A_89 = arith.constant 16 : index
        %get3A_90 = tpu.vector_load %arg6[%get3A_88, %get3A_89] {strides = array<i32>} : memref<256x128xf32, #tpu.memory_space<vmem>>, vector<1x16xf32>,
        %get3A_91 = vector.shape_cast %get3A_90 : vector<1x16xf32> to vector<16xf32>
        %mul3A_92 = arith.constant 4 : i32
        %mul3A_93 = arith.muli %mul3A_92, %scan3A_30 : i32
        %add3A_94 = arith.constant 3 : i32
        %add3A_95 = arith.addi %mul3A_93, %add3A_94 : i32
        %get3A_96 = arith.index_cast %add3A_95 : i32 to index
        %get3A_97 = arith.constant 16 : index
        %get3A_98 = tpu.vector_load %arg6[%get3A_96, %get3A_97] {strides = array<i32>} : memref<256x128xf32, #tpu.memory_space<vmem>>, vector<1x16xf32>,
        %get3A_99 = vector.shape_cast %get3A_98 : vector<1x16xf32> to vector<16xf32>
        %max3A_100 = arith.maximumf %get3A_91, %get3A_99 : vector<16xf32>
        %max3A_101 = arith.maximumf %max3A_83, %max3A_100 : vector<16xf32>
        %max3A_102 = arith.constant 0.000000e+00 : f32
        %max3A_103 = vector.broadcast %max3A_102 : f32 to vector<16xf32>
        %max3A_104 = arith.maximumf %max3A_101, %max3A_103 : vector<16xf32>
        %swap3A_105 = arith.index_cast %scan3A_30 : i32 to index
        %swap3A_106 = arith.constant 16 : index
        %swap3A_107 = tpu.vector_load %arg7[%swap3A_105, %swap3A_106] {strides = array<i32>} : memref<64x128xf32, #tpu.memory_space<vmem>>, vector<1x16xf32>,
        %swap3A_108 = vector.shape_cast %swap3A_107 : vector<1x16xf32> to vector<16xf32>
        %swap3A_109 = vector.shape_cast %max3A_104 : vector<16xf32> to vector<1x16xf32>
        tpu.vector_store %arg7[%swap3A_105, %swap3A_106], %swap3A_109 {strides = array<i32>} : memref<64x128xf32, #tpu.memory_space<vmem>>, vector<1x16xf32>,
        %mul3A_110 = arith.constant 4 : i32
        %mul3A_111 = arith.muli %mul3A_110, %scan3A_30 : i32
        %get3A_112 = arith.index_cast %mul3A_111 : i32 to index
        %get3A_113 = arith.constant 32 : index
        %get3A_114 = tpu.vector_load %arg6[%get3A_112, %get3A_113] {strides = array<i32>} : memref<256x128xf32, #tpu.memory_space<vmem>>, vector<1x16xf32>,
        %get3A_115 = vector.shape_cast %get3A_114 : vector<1x16xf32> to vector<16xf32>
        %mul3A_116 = arith.constant 4 : i32
        %mul3A_117 = arith.muli %mul3A_116, %scan3A_30 : i32
        %add3A_118 = arith.constant 1 : i32
        %add3A_119 = arith.addi %mul3A_117, %add3A_118 : i32
        %get3A_120 = arith.index_cast %add3A_119 : i32 to index
        %get3A_121 = arith.constant 32 : index
        %get3A_122 = tpu.vector_load %arg6[%get3A_120, %get3A_121] {strides = array<i32>} : memref<256x128xf32, #tpu.memory_space<vmem>>, vector<1x16xf32>,
        %get3A_123 = vector.shape_cast %get3A_122 : vector<1x16xf32> to vector<16xf32>
        %max3A_124 = arith.maximumf %get3A_115, %get3A_123 : vector<16xf32>
        %mul3A_125 = arith.constant 4 : i32
        %mul3A_126 = arith.muli %mul3A_125, %scan3A_30 : i32
        %add3A_127 = arith.constant 2 : i32
        %add3A_128 = arith.addi %mul3A_126, %add3A_127 : i32
        %get3A_129 = arith.index_cast %add3A_128 : i32 to index
        %get3A_130 = arith.constant 32 : index
        %get3A_131 = tpu.vector_load %arg6[%get3A_129, %get3A_130] {strides = array<i32>} : memref<256x128xf32, #tpu.memory_space<vmem>>, vector<1x16xf32>,
        %get3A_132 = vector.shape_cast %get3A_131 : vector<1x16xf32> to vector<16xf32>
        %mul3A_133 = arith.constant 4 : i32
        %mul3A_134 = arith.muli %mul3A_133, %scan3A_30 : i32
        %add3A_135 = arith.constant 3 : i32
        %add3A_136 = arith.addi %mul3A_134, %add3A_135 : i32
        %get3A_137 = arith.index_cast %add3A_136 : i32 to index
        %get3A_138 = arith.constant 32 : index
        %get3A_139 = tpu.vector_load %arg6[%get3A_137, %get3A_138] {strides = array<i32>} : memref<256x128xf32, #tpu.memory_space<vmem>>, vector<1x16xf32>,
        %get3A_140 = vector.shape_cast %get3A_139 : vector<1x16xf32> to vector<16xf32>
        %max3A_141 = arith.maximumf %get3A_132, %get3A_140 : vector<16xf32>
        %max3A_142 = arith.maximumf %max3A_124, %max3A_141 : vector<16xf32>
        %max3A_143 = arith.constant 0.000000e+00 : f32
        %max3A_144 = vector.broadcast %max3A_143 : f32 to vector<16xf32>
        %max3A_145 = arith.maximumf %max3A_142, %max3A_144 : vector<16xf32>
        %swap3A_146 = arith.index_cast %scan3A_30 : i32 to index
        %swap3A_147 = arith.constant 32 : index
        %swap3A_148 = tpu.vector_load %arg7[%swap3A_146, %swap3A_147] {strides = array<i32>} : memref<64x128xf32, #tpu.memory_space<vmem>>, vector<1x16xf32>,
        %swap3A_149 = vector.shape_cast %swap3A_148 : vector<1x16xf32> to vector<16xf32>
        %swap3A_150 = vector.shape_cast %max3A_145 : vector<16xf32> to vector<1x16xf32>
        tpu.vector_store %arg7[%swap3A_146, %swap3A_147], %swap3A_150 {strides = array<i32>} : memref<64x128xf32, #tpu.memory_space<vmem>>, vector<1x16xf32>,
        %mul3A_151 = arith.constant 4 : i32
        %mul3A_152 = arith.muli %mul3A_151, %scan3A_30 : i32
        %get3A_153 = arith.index_cast %mul3A_152 : i32 to index
        %get3A_154 = arith.constant 48 : index
        %get3A_155 = tpu.vector_load %arg6[%get3A_153, %get3A_154] {strides = array<i32>} : memref<256x128xf32, #tpu.memory_space<vmem>>, vector<1x16xf32>,
        %get3A_156 = vector.shape_cast %get3A_155 : vector<1x16xf32> to vector<16xf32>
        %mul3A_157 = arith.constant 4 : i32
        %mul3A_158 = arith.muli %mul3A_157, %scan3A_30 : i32
        %add3A_159 = arith.constant 1 : i32
        %add3A_160 = arith.addi %mul3A_158, %add3A_159 : i32
        %get3A_161 = arith.index_cast %add3A_160 : i32 to index
        %get3A_162 = arith.constant 48 : index
        %get3A_163 = tpu.vector_load %arg6[%get3A_161, %get3A_162] {strides = array<i32>} : memref<256x128xf32, #tpu.memory_space<vmem>>, vector<1x16xf32>,
        %get3A_164 = vector.shape_cast %get3A_163 : vector<1x16xf32> to vector<16xf32>
        %max3A_165 = arith.maximumf %get3A_156, %get3A_164 : vector<16xf32>
        %mul3A_166 = arith.constant 4 : i32
        %mul3A_167 = arith.muli %mul3A_166, %scan3A_30 : i32
        %add3A_168 = arith.constant 2 : i32
        %add3A_169 = arith.addi %mul3A_167, %add3A_168 : i32
        %get3A_170 = arith.index_cast %add3A_169 : i32 to index
        %get3A_171 = arith.constant 48 : index
        %get3A_172 = tpu.vector_load %arg6[%get3A_170, %get3A_171] {strides = array<i32>} : memref<256x128xf32, #tpu.memory_space<vmem>>, vector<1x16xf32>,
        %get3A_173 = vector.shape_cast %get3A_172 : vector<1x16xf32> to vector<16xf32>
        %mul3A_174 = arith.constant 4 : i32
        %mul3A_175 = arith.muli %mul3A_174, %scan3A_30 : i32
        %add3A_176 = arith.constant 3 : i32
        %add3A_177 = arith.addi %mul3A_175, %add3A_176 : i32
        %get3A_178 = arith.index_cast %add3A_177 : i32 to index
        %get3A_179 = arith.constant 48 : index
        %get3A_180 = tpu.vector_load %arg6[%get3A_178, %get3A_179] {strides = array<i32>} : memref<256x128xf32, #tpu.memory_space<vmem>>, vector<1x16xf32>,
        %get3A_181 = vector.shape_cast %get3A_180 : vector<1x16xf32> to vector<16xf32>
        %max3A_182 = arith.maximumf %get3A_173, %get3A_181 : vector<16xf32>
        %max3A_183 = arith.maximumf %max3A_165, %max3A_182 : vector<16xf32>
        %max3A_184 = arith.constant 0.000000e+00 : f32
        %max3A_185 = vector.broadcast %max3A_184 : f32 to vector<16xf32>
        %max3A_186 = arith.maximumf %max3A_183, %max3A_185 : vector<16xf32>
        %swap3A_187 = arith.index_cast %scan3A_30 : i32 to index
        %swap3A_188 = arith.constant 48 : index
        %swap3A_189 = tpu.vector_load %arg7[%swap3A_187, %swap3A_188] {strides = array<i32>} : memref<64x128xf32, #tpu.memory_space<vmem>>, vector<1x16xf32>,
        %swap3A_190 = vector.shape_cast %swap3A_189 : vector<1x16xf32> to vector<16xf32>
        %swap3A_191 = vector.shape_cast %max3A_186 : vector<16xf32> to vector<1x16xf32>
        tpu.vector_store %arg7[%swap3A_187, %swap3A_188], %swap3A_191 {strides = array<i32>} : memref<64x128xf32, #tpu.memory_space<vmem>>, vector<1x16xf32>,
        %mul3A_192 = arith.constant 4 : i32
        %mul3A_193 = arith.muli %mul3A_192, %scan3A_30 : i32
        %get3A_194 = arith.index_cast %mul3A_193 : i32 to index
        %get3A_195 = arith.constant 64 : index
        %get3A_196 = tpu.vector_load %arg6[%get3A_194, %get3A_195] {strides = array<i32>} : memref<256x128xf32, #tpu.memory_space<vmem>>, vector<1x16xf32>,
        %get3A_197 = vector.shape_cast %get3A_196 : vector<1x16xf32> to vector<16xf32>
        %mul3A_198 = arith.constant 4 : i32
        %mul3A_199 = arith.muli %mul3A_198, %scan3A_30 : i32
        %add3A_200 = arith.constant 1 : i32
        %add3A_201 = arith.addi %mul3A_199, %add3A_200 : i32
        %get3A_202 = arith.index_cast %add3A_201 : i32 to index
        %get3A_203 = arith.constant 64 : index
        %get3A_204 = tpu.vector_load %arg6[%get3A_202, %get3A_203] {strides = array<i32>} : memref<256x128xf32, #tpu.memory_space<vmem>>, vector<1x16xf32>,
        %get3A_205 = vector.shape_cast %get3A_204 : vector<1x16xf32> to vector<16xf32>
        %max3A_206 = arith.maximumf %get3A_197, %get3A_205 : vector<16xf32>
        %mul3A_207 = arith.constant 4 : i32
        %mul3A_208 = arith.muli %mul3A_207, %scan3A_30 : i32
        %add3A_209 = arith.constant 2 : i32
        %add3A_210 = arith.addi %mul3A_208, %add3A_209 : i32
        %get3A_211 = arith.index_cast %add3A_210 : i32 to index
        %get3A_212 = arith.constant 64 : index
        %get3A_213 = tpu.vector_load %arg6[%get3A_211, %get3A_212] {strides = array<i32>} : memref<256x128xf32, #tpu.memory_space<vmem>>, vector<1x16xf32>,
        %get3A_214 = vector.shape_cast %get3A_213 : vector<1x16xf32> to vector<16xf32>
        %mul3A_215 = arith.constant 4 : i32
        %mul3A_216 = arith.muli %mul3A_215, %scan3A_30 : i32
        %add3A_217 = arith.constant 3 : i32
        %add3A_218 = arith.addi %mul3A_216, %add3A_217 : i32
        %get3A_219 = arith.index_cast %add3A_218 : i32 to index
        %get3A_220 = arith.constant 64 : index
        %get3A_221 = tpu.vector_load %arg6[%get3A_219, %get3A_220] {strides = array<i32>} : memref<256x128xf32, #tpu.memory_space<vmem>>, vector<1x16xf32>,
        %get3A_222 = vector.shape_cast %get3A_221 : vector<1x16xf32> to vector<16xf32>
        %max3A_223 = arith.maximumf %get3A_214, %get3A_222 : vector<16xf32>
        %max3A_224 = arith.maximumf %max3A_206, %max3A_223 : vector<16xf32>
        %max3A_225 = arith.constant 0.000000e+00 : f32
        %max3A_226 = vector.broadcast %max3A_225 : f32 to vector<16xf32>
        %max3A_227 = arith.maximumf %max3A_224, %max3A_226 : vector<16xf32>
        %swap3A_228 = arith.index_cast %scan3A_30 : i32 to index
        %swap3A_229 = arith.constant 64 : index
        %swap3A_230 = tpu.vector_load %arg7[%swap3A_228, %swap3A_229] {strides = array<i32>} : memref<64x128xf32, #tpu.memory_space<vmem>>, vector<1x16xf32>,
        %swap3A_231 = vector.shape_cast %swap3A_230 : vector<1x16xf32> to vector<16xf32>
        %swap3A_232 = vector.shape_cast %max3A_227 : vector<16xf32> to vector<1x16xf32>
        tpu.vector_store %arg7[%swap3A_228, %swap3A_229], %swap3A_232 {strides = array<i32>} : memref<64x128xf32, #tpu.memory_space<vmem>>, vector<1x16xf32>,
        %mul3A_233 = arith.constant 4 : i32
        %mul3A_234 = arith.muli %mul3A_233, %scan3A_30 : i32
        %get3A_235 = arith.index_cast %mul3A_234 : i32 to index
        %get3A_236 = arith.constant 80 : index
        %get3A_237 = tpu.vector_load %arg6[%get3A_235, %get3A_236] {strides = array<i32>} : memref<256x128xf32, #tpu.memory_space<vmem>>, vector<1x16xf32>,
        %get3A_238 = vector.shape_cast %get3A_237 : vector<1x16xf32> to vector<16xf32>
        %mul3A_239 = arith.constant 4 : i32
        %mul3A_240 = arith.muli %mul3A_239, %scan3A_30 : i32
        %add3A_241 = arith.constant 1 : i32
        %add3A_242 = arith.addi %mul3A_240, %add3A_241 : i32
        %get3A_243 = arith.index_cast %add3A_242 : i32 to index
        %get3A_244 = arith.constant 80 : index
        %get3A_245 = tpu.vector_load %arg6[%get3A_243, %get3A_244] {strides = array<i32>} : memref<256x128xf32, #tpu.memory_space<vmem>>, vector<1x16xf32>,
        %get3A_246 = vector.shape_cast %get3A_245 : vector<1x16xf32> to vector<16xf32>
        %max3A_247 = arith.maximumf %get3A_238, %get3A_246 : vector<16xf32>
        %mul3A_248 = arith.constant 4 : i32
        %mul3A_249 = arith.muli %mul3A_248, %scan3A_30 : i32
        %add3A_250 = arith.constant 2 : i32
        %add3A_251 = arith.addi %mul3A_249, %add3A_250 : i32
        %get3A_252 = arith.index_cast %add3A_251 : i32 to index
        %get3A_253 = arith.constant 80 : index
        %get3A_254 = tpu.vector_load %arg6[%get3A_252, %get3A_253] {strides = array<i32>} : memref<256x128xf32, #tpu.memory_space<vmem>>, vector<1x16xf32>,
        %get3A_255 = vector.shape_cast %get3A_254 : vector<1x16xf32> to vector<16xf32>
        %mul3A_256 = arith.constant 4 : i32
        %mul3A_257 = arith.muli %mul3A_256, %scan3A_30 : i32
        %add3A_258 = arith.constant 3 : i32
        %add3A_259 = arith.addi %mul3A_257, %add3A_258 : i32
        %get3A_260 = arith.index_cast %add3A_259 : i32 to index
        %get3A_261 = arith.constant 80 : index
        %get3A_262 = tpu.vector_load %arg6[%get3A_260, %get3A_261] {strides = array<i32>} : memref<256x128xf32, #tpu.memory_space<vmem>>, vector<1x16xf32>,
        %get3A_263 = vector.shape_cast %get3A_262 : vector<1x16xf32> to vector<16xf32>
        %max3A_264 = arith.maximumf %get3A_255, %get3A_263 : vector<16xf32>
        %max3A_265 = arith.maximumf %max3A_247, %max3A_264 : vector<16xf32>
        %max3A_266 = arith.constant 0.000000e+00 : f32
        %max3A_267 = vector.broadcast %max3A_266 : f32 to vector<16xf32>
        %max3A_268 = arith.maximumf %max3A_265, %max3A_267 : vector<16xf32>
        %swap3A_269 = arith.index_cast %scan3A_30 : i32 to index
        %swap3A_270 = arith.constant 80 : index
        %swap3A_271 = tpu.vector_load %arg7[%swap3A_269, %swap3A_270] {strides = array<i32>} : memref<64x128xf32, #tpu.memory_space<vmem>>, vector<1x16xf32>,
        %swap3A_272 = vector.shape_cast %swap3A_271 : vector<1x16xf32> to vector<16xf32>
        %swap3A_273 = vector.shape_cast %max3A_268 : vector<16xf32> to vector<1x16xf32>
        tpu.vector_store %arg7[%swap3A_269, %swap3A_270], %swap3A_273 {strides = array<i32>} : memref<64x128xf32, #tpu.memory_space<vmem>>, vector<1x16xf32>,
        %mul3A_274 = arith.constant 4 : i32
        %mul3A_275 = arith.muli %mul3A_274, %scan3A_30 : i32
        %get3A_276 = arith.index_cast %mul3A_275 : i32 to index
        %get3A_277 = arith.constant 96 : index
        %get3A_278 = tpu.vector_load %arg6[%get3A_276, %get3A_277] {strides = array<i32>} : memref<256x128xf32, #tpu.memory_space<vmem>>, vector<1x16xf32>,
        %get3A_279 = vector.shape_cast %get3A_278 : vector<1x16xf32> to vector<16xf32>
        %mul3A_280 = arith.constant 4 : i32
        %mul3A_281 = arith.muli %mul3A_280, %scan3A_30 : i32
        %add3A_282 = arith.constant 1 : i32
        %add3A_283 = arith.addi %mul3A_281, %add3A_282 : i32
        %get3A_284 = arith.index_cast %add3A_283 : i32 to index
        %get3A_285 = arith.constant 96 : index
        %get3A_286 = tpu.vector_load %arg6[%get3A_284, %get3A_285] {strides = array<i32>} : memref<256x128xf32, #tpu.memory_space<vmem>>, vector<1x16xf32>,
        %get3A_287 = vector.shape_cast %get3A_286 : vector<1x16xf32> to vector<16xf32>
        %max3A_288 = arith.maximumf %get3A_279, %get3A_287 : vector<16xf32>
        %mul3A_289 = arith.constant 4 : i32
        %mul3A_290 = arith.muli %mul3A_289, %scan3A_30 : i32
        %add3A_291 = arith.constant 2 : i32
        %add3A_292 = arith.addi %mul3A_290, %add3A_291 : i32
        %get3A_293 = arith.index_cast %add3A_292 : i32 to index
        %get3A_294 = arith.constant 96 : index
        %get3A_295 = tpu.vector_load %arg6[%get3A_293, %get3A_294] {strides = array<i32>} : memref<256x128xf32, #tpu.memory_space<vmem>>, vector<1x16xf32>,
        %get3A_296 = vector.shape_cast %get3A_295 : vector<1x16xf32> to vector<16xf32>
        %mul3A_297 = arith.constant 4 : i32
        %mul3A_298 = arith.muli %mul3A_297, %scan3A_30 : i32
        %add3A_299 = arith.constant 3 : i32
        %add3A_300 = arith.addi %mul3A_298, %add3A_299 : i32
        %get3A_301 = arith.index_cast %add3A_300 : i32 to index
        %get3A_302 = arith.constant 96 : index
        %get3A_303 = tpu.vector_load %arg6[%get3A_301, %get3A_302] {strides = array<i32>} : memref<256x128xf32, #tpu.memory_space<vmem>>, vector<1x16xf32>,
        %get3A_304 = vector.shape_cast %get3A_303 : vector<1x16xf32> to vector<16xf32>
        %max3A_305 = arith.maximumf %get3A_296, %get3A_304 : vector<16xf32>
        %max3A_306 = arith.maximumf %max3A_288, %max3A_305 : vector<16xf32>
        %max3A_307 = arith.constant 0.000000e+00 : f32
        %max3A_308 = vector.broadcast %max3A_307 : f32 to vector<16xf32>
        %max3A_309 = arith.maximumf %max3A_306, %max3A_308 : vector<16xf32>
        %swap3A_310 = arith.index_cast %scan3A_30 : i32 to index
        %swap3A_311 = arith.constant 96 : index
        %swap3A_312 = tpu.vector_load %arg7[%swap3A_310, %swap3A_311] {strides = array<i32>} : memref<64x128xf32, #tpu.memory_space<vmem>>, vector<1x16xf32>,
        %swap3A_313 = vector.shape_cast %swap3A_312 : vector<1x16xf32> to vector<16xf32>
        %swap3A_314 = vector.shape_cast %max3A_309 : vector<16xf32> to vector<1x16xf32>
        tpu.vector_store %arg7[%swap3A_310, %swap3A_311], %swap3A_314 {strides = array<i32>} : memref<64x128xf32, #tpu.memory_space<vmem>>, vector<1x16xf32>,
        %mul3A_315 = arith.constant 4 : i32
        %mul3A_316 = arith.muli %mul3A_315, %scan3A_30 : i32
        %get3A_317 = arith.index_cast %mul3A_316 : i32 to index
        %get3A_318 = arith.constant 112 : index
        %get3A_319 = tpu.vector_load %arg6[%get3A_317, %get3A_318] {strides = array<i32>} : memref<256x128xf32, #tpu.memory_space<vmem>>, vector<1x16xf32>,
        %get3A_320 = vector.shape_cast %get3A_319 : vector<1x16xf32> to vector<16xf32>
        %mul3A_321 = arith.constant 4 : i32
        %mul3A_322 = arith.muli %mul3A_321, %scan3A_30 : i32
        %add3A_323 = arith.constant 1 : i32
        %add3A_324 = arith.addi %mul3A_322, %add3A_323 : i32
        %get3A_325 = arith.index_cast %add3A_324 : i32 to index
        %get3A_326 = arith.constant 112 : index
        %get3A_327 = tpu.vector_load %arg6[%get3A_325, %get3A_326] {strides = array<i32>} : memref<256x128xf32, #tpu.memory_space<vmem>>, vector<1x16xf32>,
        %get3A_328 = vector.shape_cast %get3A_327 : vector<1x16xf32> to vector<16xf32>
        %max3A_329 = arith.maximumf %get3A_320, %get3A_328 : vector<16xf32>
        %mul3A_330 = arith.constant 4 : i32
        %mul3A_331 = arith.muli %mul3A_330, %scan3A_30 : i32
        %add3A_332 = arith.constant 2 : i32
        %add3A_333 = arith.addi %mul3A_331, %add3A_332 : i32
        %get3A_334 = arith.index_cast %add3A_333 : i32 to index
        %get3A_335 = arith.constant 112 : index
        %get3A_336 = tpu.vector_load %arg6[%get3A_334, %get3A_335] {strides = array<i32>} : memref<256x128xf32, #tpu.memory_space<vmem>>, vector<1x16xf32>,
        %get3A_337 = vector.shape_cast %get3A_336 : vector<1x16xf32> to vector<16xf32>
        %mul3A_338 = arith.constant 4 : i32
        %mul3A_339 = arith.muli %mul3A_338, %scan3A_30 : i32
        %add3A_340 = arith.constant 3 : i32
        %add3A_341 = arith.addi %mul3A_339, %add3A_340 : i32
        %get3A_342 = arith.index_cast %add3A_341 : i32 to index
        %get3A_343 = arith.constant 112 : index
        %get3A_344 = tpu.vector_load %arg6[%get3A_342, %get3A_343] {strides = array<i32>} : memref<256x128xf32, #tpu.memory_space<vmem>>, vector<1x16xf32>,
        %get3A_345 = vector.shape_cast %get3A_344 : vector<1x16xf32> to vector<16xf32>
        %max3A_346 = arith.maximumf %get3A_337, %get3A_345 : vector<16xf32>
        %max3A_347 = arith.maximumf %max3A_329, %max3A_346 : vector<16xf32>
        %max3A_348 = arith.constant 0.000000e+00 : f32
        %max3A_349 = vector.broadcast %max3A_348 : f32 to vector<16xf32>
        %max3A_350 = arith.maximumf %max3A_347, %max3A_349 : vector<16xf32>
        %swap3A_351 = arith.index_cast %scan3A_30 : i32 to index
        %swap3A_352 = arith.constant 112 : index
        %swap3A_353 = tpu.vector_load %arg7[%swap3A_351, %swap3A_352] {strides = array<i32>} : memref<64x128xf32, #tpu.memory_space<vmem>>, vector<1x16xf32>,
        %swap3A_354 = vector.shape_cast %swap3A_353 : vector<1x16xf32> to vector<16xf32>
        %swap3A_355 = vector.shape_cast %max3A_350 : vector<16xf32> to vector<1x16xf32>
        tpu.vector_store %arg7[%swap3A_351, %swap3A_352], %swap3A_355 {strides = array<i32>} : memref<64x128xf32, #tpu.memory_space<vmem>>, vector<1x16xf32>,
      }
      %scan3A_29 = arith.constant 64 : i32
      "tpu.region"() ({
        %run_scoped3A = tpu.sem_alloc : memref<!tpu.dma_semaphore, #tpu.memory_space<semaphore_mem>>
        %dma_start3A_30 = arith.constant 0 : i32
        %dma_start3A_31 = tpu.memref_slice %arg4[%add3A_11, %dma_start3A_30] : memref<16384x128xf32, #tpu.memory_space<hbm>> -> memref<64x128xf32, #tpu.memory_space<hbm>>
        %dma_start3A_32 = arith.constant 0 : i32
        %dma_start3A_33 = tpu.memref_slice %arg4[%add3A_11, %dma_start3A_32] : memref<16384x128xf32, #tpu.memory_space<hbm>> -> memref<64x128xf32, #tpu.memory_space<hbm>>
        tpu.enqueue_dma source(%arg7 : memref<64x128xf32, #tpu.memory_space<vmem>>) target(%dma_start3A_33 : memref<64x128xf32, #tpu.memory_space<hbm>>) target_semaphore(%run_scoped3A : memref<!tpu.dma_semaphore, #tpu.memory_space<semaphore_mem>>)
        %dma_wait3A_34 = arith.constant 0 : i32
        %dma_wait3A_35 = tpu.memref_slice %arg4[%add3A_11, %dma_wait3A_34] : memref<16384x128xf32, #tpu.memory_space<hbm>> -> memref<64x128xf32, #tpu.memory_space<hbm>>
        %dma_wait3A_36 = arith.constant 0 : i32
        %dma_wait3A_37 = tpu.memref_slice %arg4[%add3A_11, %dma_wait3A_36] : memref<16384x128xf32, #tpu.memory_space<hbm>> -> memref<64x128xf32, #tpu.memory_space<hbm>>
        tpu.wait_dma2 semaphore(%run_scoped3A : memref<!tpu.dma_semaphore, #tpu.memory_space<semaphore_mem>>) src(%arg7 : memref<64x128xf32, #tpu.memory_space<vmem>>) dst(%dma_wait3A_37 : memref<64x128xf32, #tpu.memory_space<hbm>>)
        tpu.yield
      }) : () -> ()
    }
    %scan3A_5 = arith.constant 8 : i32
    return
  }
}

module attributes {stable_mosaic.version = 14 : i64} {
  func.func @body(%arg0: i32, %arg1: memref<512x128xf32, #tpu.memory_space<vmem>>, %arg2: memref<128x1152xbf16, #tpu.memory_space<vmem>>, %arg3: memref<1x128xf32, #tpu.memory_space<vmem>>, %arg4: memref<9x512x128xf32, #tpu.memory_space<vmem>>) attributes {dimension_semantics = [#tpu.dimension_semantics<arbitrary>], iteration_bounds = array<i64: 98>, scalar_prefetch = 0 : i64, scratch_operands = 0 : i64, tpu.core_type = #tpu.core_type<tc>, window_params = [{transform_indices = @transform_0, window_bounds = array<i64: 512, 128>}, {pipeline_mode = #tpu.pipeline_mode<synchronous>, transform_indices = @transform_1, window_bounds = array<i64: 128, 1152>}, {pipeline_mode = #tpu.pipeline_mode<synchronous>, transform_indices = @transform_2, window_bounds = array<i64: 1, 128>}, {transform_indices = @transform_3, window_bounds = array<i64: 9, 512, 128>}]} {
    %get3A = arith.constant 0 : index
    %get3A_0 = arith.constant 0 : index
    %get3A_1 = vector.load %arg1[%get3A, %get3A_0] : memref<512x128xf32, #tpu.memory_space<vmem>>, vector<512x128xf32>
    %convert_element_type3A = arith.truncf %get3A_1 : vector<512x128xf32> to vector<512x128xbf16>
    %get3A_2 = arith.constant 0 : index
    %get3A_3 = arith.constant 0 : index
    %get3A_4 = vector.load %arg2[%get3A_2, %get3A_3] : memref<128x1152xbf16, #tpu.memory_space<vmem>>, vector<128x1152xbf16>
    %dot_general3A = arith.constant dense<0.000000e+00> : vector<512x1152xf32>
    %dot_general3A_5 = tpu.matmul %convert_element_type3A, %get3A_4, %dot_general3A {dimension_numbers = #tpu.dot_dimension_numbers<[1], [0], [0], [1], [0, 0, 1, 1], [], []>, transpose_lhs_hint = false} : vector<512x128xbf16>, vector<128x1152xbf16>, vector<512x1152xf32> -> vector<512x1152xf32>
    %slice3A = vector.extract_strided_slice %dot_general3A_5 {offsets = [0, 0], sizes = [512, 128], strides = [1, 1]} : vector<512x1152xf32> to vector<512x128xf32>
    %get3A_6 = arith.constant 0 : index
    %get3A_7 = arith.constant 0 : index
    %get3A_8 = vector.load %arg3[%get3A_6, %get3A_7] : memref<1x128xf32, #tpu.memory_space<vmem>>, vector<1x128xf32>
    %add3A = vector.broadcast %get3A_8 : vector<1x128xf32> to vector<512x128xf32>
    %add3A_9 = arith.addf %slice3A, %add3A : vector<512x128xf32>
    %swap3A = arith.constant 0 : index
    %swap3A_10 = arith.constant 0 : index
    %swap3A_11 = arith.constant 0 : index
    %swap3A_12 = vector.load %arg4[%swap3A, %swap3A_10, %swap3A_11] : memref<9x512x128xf32, #tpu.memory_space<vmem>>, vector<1x512x128xf32>
    %swap3A_13 = vector.shape_cast %swap3A_12 : vector<1x512x128xf32> to vector<512x128xf32>
    %swap3A_14 = vector.shape_cast %add3A_9 : vector<512x128xf32> to vector<1x512x128xf32>
    tpu.vector_store %arg4[%swap3A, %swap3A_10, %swap3A_11], %swap3A_14 {strides = array<i32>} : memref<9x512x128xf32, #tpu.memory_space<vmem>>, vector<1x512x128xf32>,
    %slice3A_15 = vector.extract_strided_slice %dot_general3A_5 {offsets = [0, 128], sizes = [512, 128], strides = [1, 1]} : vector<512x1152xf32> to vector<512x128xf32>
    %get3A_16 = arith.constant 0 : index
    %get3A_17 = arith.constant 0 : index
    %get3A_18 = vector.load %arg3[%get3A_16, %get3A_17] : memref<1x128xf32, #tpu.memory_space<vmem>>, vector<1x128xf32>
    %add3A_19 = vector.broadcast %get3A_18 : vector<1x128xf32> to vector<512x128xf32>
    %add3A_20 = arith.addf %slice3A_15, %add3A_19 : vector<512x128xf32>
    %swap3A_21 = arith.constant 1 : index
    %swap3A_22 = arith.constant 0 : index
    %swap3A_23 = arith.constant 0 : index
    %swap3A_24 = vector.load %arg4[%swap3A_21, %swap3A_22, %swap3A_23] : memref<9x512x128xf32, #tpu.memory_space<vmem>>, vector<1x512x128xf32>
    %swap3A_25 = vector.shape_cast %swap3A_24 : vector<1x512x128xf32> to vector<512x128xf32>
    %swap3A_26 = vector.shape_cast %add3A_20 : vector<512x128xf32> to vector<1x512x128xf32>
    tpu.vector_store %arg4[%swap3A_21, %swap3A_22, %swap3A_23], %swap3A_26 {strides = array<i32>} : memref<9x512x128xf32, #tpu.memory_space<vmem>>, vector<1x512x128xf32>,
    %slice3A_27 = vector.extract_strided_slice %dot_general3A_5 {offsets = [0, 256], sizes = [512, 128], strides = [1, 1]} : vector<512x1152xf32> to vector<512x128xf32>
    %get3A_28 = arith.constant 0 : index
    %get3A_29 = arith.constant 0 : index
    %get3A_30 = vector.load %arg3[%get3A_28, %get3A_29] : memref<1x128xf32, #tpu.memory_space<vmem>>, vector<1x128xf32>
    %add3A_31 = vector.broadcast %get3A_30 : vector<1x128xf32> to vector<512x128xf32>
    %add3A_32 = arith.addf %slice3A_27, %add3A_31 : vector<512x128xf32>
    %swap3A_33 = arith.constant 2 : index
    %swap3A_34 = arith.constant 0 : index
    %swap3A_35 = arith.constant 0 : index
    %swap3A_36 = vector.load %arg4[%swap3A_33, %swap3A_34, %swap3A_35] : memref<9x512x128xf32, #tpu.memory_space<vmem>>, vector<1x512x128xf32>
    %swap3A_37 = vector.shape_cast %swap3A_36 : vector<1x512x128xf32> to vector<512x128xf32>
    %swap3A_38 = vector.shape_cast %add3A_32 : vector<512x128xf32> to vector<1x512x128xf32>
    tpu.vector_store %arg4[%swap3A_33, %swap3A_34, %swap3A_35], %swap3A_38 {strides = array<i32>} : memref<9x512x128xf32, #tpu.memory_space<vmem>>, vector<1x512x128xf32>,
    %slice3A_39 = vector.extract_strided_slice %dot_general3A_5 {offsets = [0, 384], sizes = [512, 128], strides = [1, 1]} : vector<512x1152xf32> to vector<512x128xf32>
    %get3A_40 = arith.constant 0 : index
    %get3A_41 = arith.constant 0 : index
    %get3A_42 = vector.load %arg3[%get3A_40, %get3A_41] : memref<1x128xf32, #tpu.memory_space<vmem>>, vector<1x128xf32>
    %add3A_43 = vector.broadcast %get3A_42 : vector<1x128xf32> to vector<512x128xf32>
    %add3A_44 = arith.addf %slice3A_39, %add3A_43 : vector<512x128xf32>
    %swap3A_45 = arith.constant 3 : index
    %swap3A_46 = arith.constant 0 : index
    %swap3A_47 = arith.constant 0 : index
    %swap3A_48 = vector.load %arg4[%swap3A_45, %swap3A_46, %swap3A_47] : memref<9x512x128xf32, #tpu.memory_space<vmem>>, vector<1x512x128xf32>
    %swap3A_49 = vector.shape_cast %swap3A_48 : vector<1x512x128xf32> to vector<512x128xf32>
    %swap3A_50 = vector.shape_cast %add3A_44 : vector<512x128xf32> to vector<1x512x128xf32>
    tpu.vector_store %arg4[%swap3A_45, %swap3A_46, %swap3A_47], %swap3A_50 {strides = array<i32>} : memref<9x512x128xf32, #tpu.memory_space<vmem>>, vector<1x512x128xf32>,
    %slice3A_51 = vector.extract_strided_slice %dot_general3A_5 {offsets = [0, 512], sizes = [512, 128], strides = [1, 1]} : vector<512x1152xf32> to vector<512x128xf32>
    %get3A_52 = arith.constant 0 : index
    %get3A_53 = arith.constant 0 : index
    %get3A_54 = vector.load %arg3[%get3A_52, %get3A_53] : memref<1x128xf32, #tpu.memory_space<vmem>>, vector<1x128xf32>
    %add3A_55 = vector.broadcast %get3A_54 : vector<1x128xf32> to vector<512x128xf32>
    %add3A_56 = arith.addf %slice3A_51, %add3A_55 : vector<512x128xf32>
    %swap3A_57 = arith.constant 4 : index
    %swap3A_58 = arith.constant 0 : index
    %swap3A_59 = arith.constant 0 : index
    %swap3A_60 = vector.load %arg4[%swap3A_57, %swap3A_58, %swap3A_59] : memref<9x512x128xf32, #tpu.memory_space<vmem>>, vector<1x512x128xf32>
    %swap3A_61 = vector.shape_cast %swap3A_60 : vector<1x512x128xf32> to vector<512x128xf32>
    %swap3A_62 = vector.shape_cast %add3A_56 : vector<512x128xf32> to vector<1x512x128xf32>
    tpu.vector_store %arg4[%swap3A_57, %swap3A_58, %swap3A_59], %swap3A_62 {strides = array<i32>} : memref<9x512x128xf32, #tpu.memory_space<vmem>>, vector<1x512x128xf32>,
    %slice3A_63 = vector.extract_strided_slice %dot_general3A_5 {offsets = [0, 640], sizes = [512, 128], strides = [1, 1]} : vector<512x1152xf32> to vector<512x128xf32>
    %get3A_64 = arith.constant 0 : index
    %get3A_65 = arith.constant 0 : index
    %get3A_66 = vector.load %arg3[%get3A_64, %get3A_65] : memref<1x128xf32, #tpu.memory_space<vmem>>, vector<1x128xf32>
    %add3A_67 = vector.broadcast %get3A_66 : vector<1x128xf32> to vector<512x128xf32>
    %add3A_68 = arith.addf %slice3A_63, %add3A_67 : vector<512x128xf32>
    %swap3A_69 = arith.constant 5 : index
    %swap3A_70 = arith.constant 0 : index
    %swap3A_71 = arith.constant 0 : index
    %swap3A_72 = vector.load %arg4[%swap3A_69, %swap3A_70, %swap3A_71] : memref<9x512x128xf32, #tpu.memory_space<vmem>>, vector<1x512x128xf32>
    %swap3A_73 = vector.shape_cast %swap3A_72 : vector<1x512x128xf32> to vector<512x128xf32>
    %swap3A_74 = vector.shape_cast %add3A_68 : vector<512x128xf32> to vector<1x512x128xf32>
    tpu.vector_store %arg4[%swap3A_69, %swap3A_70, %swap3A_71], %swap3A_74 {strides = array<i32>} : memref<9x512x128xf32, #tpu.memory_space<vmem>>, vector<1x512x128xf32>,
    %slice3A_75 = vector.extract_strided_slice %dot_general3A_5 {offsets = [0, 768], sizes = [512, 128], strides = [1, 1]} : vector<512x1152xf32> to vector<512x128xf32>
    %get3A_76 = arith.constant 0 : index
    %get3A_77 = arith.constant 0 : index
    %get3A_78 = vector.load %arg3[%get3A_76, %get3A_77] : memref<1x128xf32, #tpu.memory_space<vmem>>, vector<1x128xf32>
    %add3A_79 = vector.broadcast %get3A_78 : vector<1x128xf32> to vector<512x128xf32>
    %add3A_80 = arith.addf %slice3A_75, %add3A_79 : vector<512x128xf32>
    %swap3A_81 = arith.constant 6 : index
    %swap3A_82 = arith.constant 0 : index
    %swap3A_83 = arith.constant 0 : index
    %swap3A_84 = vector.load %arg4[%swap3A_81, %swap3A_82, %swap3A_83] : memref<9x512x128xf32, #tpu.memory_space<vmem>>, vector<1x512x128xf32>
    %swap3A_85 = vector.shape_cast %swap3A_84 : vector<1x512x128xf32> to vector<512x128xf32>
    %swap3A_86 = vector.shape_cast %add3A_80 : vector<512x128xf32> to vector<1x512x128xf32>
    tpu.vector_store %arg4[%swap3A_81, %swap3A_82, %swap3A_83], %swap3A_86 {strides = array<i32>} : memref<9x512x128xf32, #tpu.memory_space<vmem>>, vector<1x512x128xf32>,
    %slice3A_87 = vector.extract_strided_slice %dot_general3A_5 {offsets = [0, 896], sizes = [512, 128], strides = [1, 1]} : vector<512x1152xf32> to vector<512x128xf32>
    %get3A_88 = arith.constant 0 : index
    %get3A_89 = arith.constant 0 : index
    %get3A_90 = vector.load %arg3[%get3A_88, %get3A_89] : memref<1x128xf32, #tpu.memory_space<vmem>>, vector<1x128xf32>
    %add3A_91 = vector.broadcast %get3A_90 : vector<1x128xf32> to vector<512x128xf32>
    %add3A_92 = arith.addf %slice3A_87, %add3A_91 : vector<512x128xf32>
    %swap3A_93 = arith.constant 7 : index
    %swap3A_94 = arith.constant 0 : index
    %swap3A_95 = arith.constant 0 : index
    %swap3A_96 = vector.load %arg4[%swap3A_93, %swap3A_94, %swap3A_95] : memref<9x512x128xf32, #tpu.memory_space<vmem>>, vector<1x512x128xf32>
    %swap3A_97 = vector.shape_cast %swap3A_96 : vector<1x512x128xf32> to vector<512x128xf32>
    %swap3A_98 = vector.shape_cast %add3A_92 : vector<512x128xf32> to vector<1x512x128xf32>
    tpu.vector_store %arg4[%swap3A_93, %swap3A_94, %swap3A_95], %swap3A_98 {strides = array<i32>} : memref<9x512x128xf32, #tpu.memory_space<vmem>>, vector<1x512x128xf32>,
    %slice3A_99 = vector.extract_strided_slice %dot_general3A_5 {offsets = [0, 1024], sizes = [512, 128], strides = [1, 1]} : vector<512x1152xf32> to vector<512x128xf32>
    %get3A_100 = arith.constant 0 : index
    %get3A_101 = arith.constant 0 : index
    %get3A_102 = vector.load %arg3[%get3A_100, %get3A_101] : memref<1x128xf32, #tpu.memory_space<vmem>>, vector<1x128xf32>
    %add3A_103 = vector.broadcast %get3A_102 : vector<1x128xf32> to vector<512x128xf32>
    %add3A_104 = arith.addf %slice3A_99, %add3A_103 : vector<512x128xf32>
    %swap3A_105 = arith.constant 8 : index
    %swap3A_106 = arith.constant 0 : index
    %swap3A_107 = arith.constant 0 : index
    %swap3A_108 = vector.load %arg4[%swap3A_105, %swap3A_106, %swap3A_107] : memref<9x512x128xf32, #tpu.memory_space<vmem>>, vector<1x512x128xf32>
    %swap3A_109 = vector.shape_cast %swap3A_108 : vector<1x512x128xf32> to vector<512x128xf32>
    %swap3A_110 = vector.shape_cast %add3A_104 : vector<512x128xf32> to vector<1x512x128xf32>
    tpu.vector_store %arg4[%swap3A_105, %swap3A_106, %swap3A_107], %swap3A_110 {strides = array<i32>} : memref<9x512x128xf32, #tpu.memory_space<vmem>>, vector<1x512x128xf32>,
    return
  }
  func.func @transform_0(%arg0: i32) -> (i32, i32) {
    %c0_i32 = arith.constant 0 : i32
    %c0_i32_0 = arith.constant 0 : i32
    return %arg0, %c0_i32 : i32, i32
  }
  func.func @transform_1(%arg0: i32) -> (i32, i32) {
    %c0_i32 = arith.constant 0 : i32
    %c0_i32_0 = arith.constant 0 : i32
    %c0_i32_1 = arith.constant 0 : i32
    return %c0_i32, %c0_i32_0 : i32, i32
  }
  func.func @transform_2(%arg0: i32) -> (i32, i32) {
    %c0_i32 = arith.constant 0 : i32
    %c0_i32_0 = arith.constant 0 : i32
    %c0_i32_1 = arith.constant 0 : i32
    return %c0_i32, %c0_i32_0 : i32, i32
  }
  func.func @transform_3(%arg0: i32) -> (i32, i32, i32) {
    %c0_i32 = arith.constant 0 : i32
    %c0_i32_0 = arith.constant 0 : i32
    %c0_i32_1 = arith.constant 0 : i32
    return %c0_i32, %arg0, %c0_i32_0 : i32, i32, i32
  }
}

module attributes {stable_mosaic.version = 14 : i64} {
  func.func @body(%arg0: i32, %arg1: memref<512x128xf32, #tpu.memory_space<vmem>>, %arg2: memref<128x1152xbf16, #tpu.memory_space<vmem>>, %arg3: memref<1x128xf32, #tpu.memory_space<vmem>>, %arg4: memref<9x512x128xf32, #tpu.memory_space<vmem>>) attributes {dimension_semantics = [#tpu.dimension_semantics<arbitrary>], iteration_bounds = array<i64: 98>, scalar_prefetch = 0 : i64, scratch_operands = 0 : i64, tpu.core_type = #tpu.core_type<tc>, window_params = [{transform_indices = @transform_0, window_bounds = array<i64: 512, 128>}, {pipeline_mode = #tpu.pipeline_mode<synchronous>, transform_indices = @transform_1, window_bounds = array<i64: 128, 1152>}, {pipeline_mode = #tpu.pipeline_mode<synchronous>, transform_indices = @transform_2, window_bounds = array<i64: 1, 128>}, {transform_indices = @transform_3, window_bounds = array<i64: 9, 512, 128>}]} {
    %get3A = arith.constant 0 : index
    %get3A_0 = arith.constant 0 : index
    %get3A_1 = vector.load %arg1[%get3A, %get3A_0] : memref<512x128xf32, #tpu.memory_space<vmem>>, vector<512x128xf32>
    %max3A = arith.constant 0.000000e+00 : f32
    %max3A_2 = vector.broadcast %max3A : f32 to vector<512x128xf32>
    %max3A_3 = arith.maximumf %get3A_1, %max3A_2 : vector<512x128xf32>
    %convert_element_type3A = arith.truncf %max3A_3 : vector<512x128xf32> to vector<512x128xbf16>
    %get3A_4 = arith.constant 0 : index
    %get3A_5 = arith.constant 0 : index
    %get3A_6 = vector.load %arg2[%get3A_4, %get3A_5] : memref<128x1152xbf16, #tpu.memory_space<vmem>>, vector<128x1152xbf16>
    %dot_general3A = arith.constant dense<0.000000e+00> : vector<512x1152xf32>
    %dot_general3A_7 = tpu.matmul %convert_element_type3A, %get3A_6, %dot_general3A {dimension_numbers = #tpu.dot_dimension_numbers<[1], [0], [0], [1], [0, 0, 1, 1], [], []>, transpose_lhs_hint = false} : vector<512x128xbf16>, vector<128x1152xbf16>, vector<512x1152xf32> -> vector<512x1152xf32>
    %slice3A = vector.extract_strided_slice %dot_general3A_7 {offsets = [0, 0], sizes = [512, 128], strides = [1, 1]} : vector<512x1152xf32> to vector<512x128xf32>
    %get3A_8 = arith.constant 0 : index
    %get3A_9 = arith.constant 0 : index
    %get3A_10 = vector.load %arg3[%get3A_8, %get3A_9] : memref<1x128xf32, #tpu.memory_space<vmem>>, vector<1x128xf32>
    %add3A = vector.broadcast %get3A_10 : vector<1x128xf32> to vector<512x128xf32>
    %add3A_11 = arith.addf %slice3A, %add3A : vector<512x128xf32>
    %swap3A = arith.constant 0 : index
    %swap3A_12 = arith.constant 0 : index
    %swap3A_13 = arith.constant 0 : index
    %swap3A_14 = vector.load %arg4[%swap3A, %swap3A_12, %swap3A_13] : memref<9x512x128xf32, #tpu.memory_space<vmem>>, vector<1x512x128xf32>
    %swap3A_15 = vector.shape_cast %swap3A_14 : vector<1x512x128xf32> to vector<512x128xf32>
    %swap3A_16 = vector.shape_cast %add3A_11 : vector<512x128xf32> to vector<1x512x128xf32>
    tpu.vector_store %arg4[%swap3A, %swap3A_12, %swap3A_13], %swap3A_16 {strides = array<i32>} : memref<9x512x128xf32, #tpu.memory_space<vmem>>, vector<1x512x128xf32>,
    %slice3A_17 = vector.extract_strided_slice %dot_general3A_7 {offsets = [0, 128], sizes = [512, 128], strides = [1, 1]} : vector<512x1152xf32> to vector<512x128xf32>
    %get3A_18 = arith.constant 0 : index
    %get3A_19 = arith.constant 0 : index
    %get3A_20 = vector.load %arg3[%get3A_18, %get3A_19] : memref<1x128xf32, #tpu.memory_space<vmem>>, vector<1x128xf32>
    %add3A_21 = vector.broadcast %get3A_20 : vector<1x128xf32> to vector<512x128xf32>
    %add3A_22 = arith.addf %slice3A_17, %add3A_21 : vector<512x128xf32>
    %swap3A_23 = arith.constant 1 : index
    %swap3A_24 = arith.constant 0 : index
    %swap3A_25 = arith.constant 0 : index
    %swap3A_26 = vector.load %arg4[%swap3A_23, %swap3A_24, %swap3A_25] : memref<9x512x128xf32, #tpu.memory_space<vmem>>, vector<1x512x128xf32>
    %swap3A_27 = vector.shape_cast %swap3A_26 : vector<1x512x128xf32> to vector<512x128xf32>
    %swap3A_28 = vector.shape_cast %add3A_22 : vector<512x128xf32> to vector<1x512x128xf32>
    tpu.vector_store %arg4[%swap3A_23, %swap3A_24, %swap3A_25], %swap3A_28 {strides = array<i32>} : memref<9x512x128xf32, #tpu.memory_space<vmem>>, vector<1x512x128xf32>,
    %slice3A_29 = vector.extract_strided_slice %dot_general3A_7 {offsets = [0, 256], sizes = [512, 128], strides = [1, 1]} : vector<512x1152xf32> to vector<512x128xf32>
    %get3A_30 = arith.constant 0 : index
    %get3A_31 = arith.constant 0 : index
    %get3A_32 = vector.load %arg3[%get3A_30, %get3A_31] : memref<1x128xf32, #tpu.memory_space<vmem>>, vector<1x128xf32>
    %add3A_33 = vector.broadcast %get3A_32 : vector<1x128xf32> to vector<512x128xf32>
    %add3A_34 = arith.addf %slice3A_29, %add3A_33 : vector<512x128xf32>
    %swap3A_35 = arith.constant 2 : index
    %swap3A_36 = arith.constant 0 : index
    %swap3A_37 = arith.constant 0 : index
    %swap3A_38 = vector.load %arg4[%swap3A_35, %swap3A_36, %swap3A_37] : memref<9x512x128xf32, #tpu.memory_space<vmem>>, vector<1x512x128xf32>
    %swap3A_39 = vector.shape_cast %swap3A_38 : vector<1x512x128xf32> to vector<512x128xf32>
    %swap3A_40 = vector.shape_cast %add3A_34 : vector<512x128xf32> to vector<1x512x128xf32>
    tpu.vector_store %arg4[%swap3A_35, %swap3A_36, %swap3A_37], %swap3A_40 {strides = array<i32>} : memref<9x512x128xf32, #tpu.memory_space<vmem>>, vector<1x512x128xf32>,
    %slice3A_41 = vector.extract_strided_slice %dot_general3A_7 {offsets = [0, 384], sizes = [512, 128], strides = [1, 1]} : vector<512x1152xf32> to vector<512x128xf32>
    %get3A_42 = arith.constant 0 : index
    %get3A_43 = arith.constant 0 : index
    %get3A_44 = vector.load %arg3[%get3A_42, %get3A_43] : memref<1x128xf32, #tpu.memory_space<vmem>>, vector<1x128xf32>
    %add3A_45 = vector.broadcast %get3A_44 : vector<1x128xf32> to vector<512x128xf32>
    %add3A_46 = arith.addf %slice3A_41, %add3A_45 : vector<512x128xf32>
    %swap3A_47 = arith.constant 3 : index
    %swap3A_48 = arith.constant 0 : index
    %swap3A_49 = arith.constant 0 : index
    %swap3A_50 = vector.load %arg4[%swap3A_47, %swap3A_48, %swap3A_49] : memref<9x512x128xf32, #tpu.memory_space<vmem>>, vector<1x512x128xf32>
    %swap3A_51 = vector.shape_cast %swap3A_50 : vector<1x512x128xf32> to vector<512x128xf32>
    %swap3A_52 = vector.shape_cast %add3A_46 : vector<512x128xf32> to vector<1x512x128xf32>
    tpu.vector_store %arg4[%swap3A_47, %swap3A_48, %swap3A_49], %swap3A_52 {strides = array<i32>} : memref<9x512x128xf32, #tpu.memory_space<vmem>>, vector<1x512x128xf32>,
    %slice3A_53 = vector.extract_strided_slice %dot_general3A_7 {offsets = [0, 512], sizes = [512, 128], strides = [1, 1]} : vector<512x1152xf32> to vector<512x128xf32>
    %get3A_54 = arith.constant 0 : index
    %get3A_55 = arith.constant 0 : index
    %get3A_56 = vector.load %arg3[%get3A_54, %get3A_55] : memref<1x128xf32, #tpu.memory_space<vmem>>, vector<1x128xf32>
    %add3A_57 = vector.broadcast %get3A_56 : vector<1x128xf32> to vector<512x128xf32>
    %add3A_58 = arith.addf %slice3A_53, %add3A_57 : vector<512x128xf32>
    %swap3A_59 = arith.constant 4 : index
    %swap3A_60 = arith.constant 0 : index
    %swap3A_61 = arith.constant 0 : index
    %swap3A_62 = vector.load %arg4[%swap3A_59, %swap3A_60, %swap3A_61] : memref<9x512x128xf32, #tpu.memory_space<vmem>>, vector<1x512x128xf32>
    %swap3A_63 = vector.shape_cast %swap3A_62 : vector<1x512x128xf32> to vector<512x128xf32>
    %swap3A_64 = vector.shape_cast %add3A_58 : vector<512x128xf32> to vector<1x512x128xf32>
    tpu.vector_store %arg4[%swap3A_59, %swap3A_60, %swap3A_61], %swap3A_64 {strides = array<i32>} : memref<9x512x128xf32, #tpu.memory_space<vmem>>, vector<1x512x128xf32>,
    %slice3A_65 = vector.extract_strided_slice %dot_general3A_7 {offsets = [0, 640], sizes = [512, 128], strides = [1, 1]} : vector<512x1152xf32> to vector<512x128xf32>
    %get3A_66 = arith.constant 0 : index
    %get3A_67 = arith.constant 0 : index
    %get3A_68 = vector.load %arg3[%get3A_66, %get3A_67] : memref<1x128xf32, #tpu.memory_space<vmem>>, vector<1x128xf32>
    %add3A_69 = vector.broadcast %get3A_68 : vector<1x128xf32> to vector<512x128xf32>
    %add3A_70 = arith.addf %slice3A_65, %add3A_69 : vector<512x128xf32>
    %swap3A_71 = arith.constant 5 : index
    %swap3A_72 = arith.constant 0 : index
    %swap3A_73 = arith.constant 0 : index
    %swap3A_74 = vector.load %arg4[%swap3A_71, %swap3A_72, %swap3A_73] : memref<9x512x128xf32, #tpu.memory_space<vmem>>, vector<1x512x128xf32>
    %swap3A_75 = vector.shape_cast %swap3A_74 : vector<1x512x128xf32> to vector<512x128xf32>
    %swap3A_76 = vector.shape_cast %add3A_70 : vector<512x128xf32> to vector<1x512x128xf32>
    tpu.vector_store %arg4[%swap3A_71, %swap3A_72, %swap3A_73], %swap3A_76 {strides = array<i32>} : memref<9x512x128xf32, #tpu.memory_space<vmem>>, vector<1x512x128xf32>,
    %slice3A_77 = vector.extract_strided_slice %dot_general3A_7 {offsets = [0, 768], sizes = [512, 128], strides = [1, 1]} : vector<512x1152xf32> to vector<512x128xf32>
    %get3A_78 = arith.constant 0 : index
    %get3A_79 = arith.constant 0 : index
    %get3A_80 = vector.load %arg3[%get3A_78, %get3A_79] : memref<1x128xf32, #tpu.memory_space<vmem>>, vector<1x128xf32>
    %add3A_81 = vector.broadcast %get3A_80 : vector<1x128xf32> to vector<512x128xf32>
    %add3A_82 = arith.addf %slice3A_77, %add3A_81 : vector<512x128xf32>
    %swap3A_83 = arith.constant 6 : index
    %swap3A_84 = arith.constant 0 : index
    %swap3A_85 = arith.constant 0 : index
    %swap3A_86 = vector.load %arg4[%swap3A_83, %swap3A_84, %swap3A_85] : memref<9x512x128xf32, #tpu.memory_space<vmem>>, vector<1x512x128xf32>
    %swap3A_87 = vector.shape_cast %swap3A_86 : vector<1x512x128xf32> to vector<512x128xf32>
    %swap3A_88 = vector.shape_cast %add3A_82 : vector<512x128xf32> to vector<1x512x128xf32>
    tpu.vector_store %arg4[%swap3A_83, %swap3A_84, %swap3A_85], %swap3A_88 {strides = array<i32>} : memref<9x512x128xf32, #tpu.memory_space<vmem>>, vector<1x512x128xf32>,
    %slice3A_89 = vector.extract_strided_slice %dot_general3A_7 {offsets = [0, 896], sizes = [512, 128], strides = [1, 1]} : vector<512x1152xf32> to vector<512x128xf32>
    %get3A_90 = arith.constant 0 : index
    %get3A_91 = arith.constant 0 : index
    %get3A_92 = vector.load %arg3[%get3A_90, %get3A_91] : memref<1x128xf32, #tpu.memory_space<vmem>>, vector<1x128xf32>
    %add3A_93 = vector.broadcast %get3A_92 : vector<1x128xf32> to vector<512x128xf32>
    %add3A_94 = arith.addf %slice3A_89, %add3A_93 : vector<512x128xf32>
    %swap3A_95 = arith.constant 7 : index
    %swap3A_96 = arith.constant 0 : index
    %swap3A_97 = arith.constant 0 : index
    %swap3A_98 = vector.load %arg4[%swap3A_95, %swap3A_96, %swap3A_97] : memref<9x512x128xf32, #tpu.memory_space<vmem>>, vector<1x512x128xf32>
    %swap3A_99 = vector.shape_cast %swap3A_98 : vector<1x512x128xf32> to vector<512x128xf32>
    %swap3A_100 = vector.shape_cast %add3A_94 : vector<512x128xf32> to vector<1x512x128xf32>
    tpu.vector_store %arg4[%swap3A_95, %swap3A_96, %swap3A_97], %swap3A_100 {strides = array<i32>} : memref<9x512x128xf32, #tpu.memory_space<vmem>>, vector<1x512x128xf32>,
    %slice3A_101 = vector.extract_strided_slice %dot_general3A_7 {offsets = [0, 1024], sizes = [512, 128], strides = [1, 1]} : vector<512x1152xf32> to vector<512x128xf32>
    %get3A_102 = arith.constant 0 : index
    %get3A_103 = arith.constant 0 : index
    %get3A_104 = vector.load %arg3[%get3A_102, %get3A_103] : memref<1x128xf32, #tpu.memory_space<vmem>>, vector<1x128xf32>
    %add3A_105 = vector.broadcast %get3A_104 : vector<1x128xf32> to vector<512x128xf32>
    %add3A_106 = arith.addf %slice3A_101, %add3A_105 : vector<512x128xf32>
    %swap3A_107 = arith.constant 8 : index
    %swap3A_108 = arith.constant 0 : index
    %swap3A_109 = arith.constant 0 : index
    %swap3A_110 = vector.load %arg4[%swap3A_107, %swap3A_108, %swap3A_109] : memref<9x512x128xf32, #tpu.memory_space<vmem>>, vector<1x512x128xf32>
    %swap3A_111 = vector.shape_cast %swap3A_110 : vector<1x512x128xf32> to vector<512x128xf32>
    %swap3A_112 = vector.shape_cast %add3A_106 : vector<512x128xf32> to vector<1x512x128xf32>
    tpu.vector_store %arg4[%swap3A_107, %swap3A_108, %swap3A_109], %swap3A_112 {strides = array<i32>} : memref<9x512x128xf32, #tpu.memory_space<vmem>>, vector<1x512x128xf32>,
    return
  }
  func.func @transform_0(%arg0: i32) -> (i32, i32) {
    %c0_i32 = arith.constant 0 : i32
    %c0_i32_0 = arith.constant 0 : i32
    return %arg0, %c0_i32 : i32, i32
  }
  func.func @transform_1(%arg0: i32) -> (i32, i32) {
    %c0_i32 = arith.constant 0 : i32
    %c0_i32_0 = arith.constant 0 : i32
    %c0_i32_1 = arith.constant 0 : i32
    return %c0_i32, %c0_i32_0 : i32, i32
  }
  func.func @transform_2(%arg0: i32) -> (i32, i32) {
    %c0_i32 = arith.constant 0 : i32
    %c0_i32_0 = arith.constant 0 : i32
    %c0_i32_1 = arith.constant 0 : i32
    return %c0_i32, %c0_i32_0 : i32, i32
  }
  func.func @transform_3(%arg0: i32) -> (i32, i32, i32) {
    %c0_i32 = arith.constant 0 : i32
    %c0_i32_0 = arith.constant 0 : i32
    %c0_i32_1 = arith.constant 0 : i32
    return %c0_i32, %arg0, %c0_i32_0 : i32, i32, i32
  }
}

</mosaic_0001>

<sc_bundles>
// kernel: kernel.10.cloned.1.call-start
scs
__scs_entry_jumppad:
0x0: {  	(pc) =	sbr.rel $0x88, $3  }
0x1: {  	(tag) =	ssettag $0x0;
	lr =	simm.s32 $0x1  }
0x2: {  	[smem:$0x3F9A] =	sst lr;
	_ =	strace $0xD0000000  }
0x3: {  	_ = 	snop  }
0x4: {  	_ = 	snop  }
0x5: {  	_ = 	snop  }
0x6: {  	_ = 	snop  }
0x7: {  	_ = 	snop  }
__scs_overlays_trampoline_lowered:
0x8: {  	[smem:$0x3FA9] =	sst s0  }
0x9: {  	[smem:$0x3FAA] =	sst s1  }
0xa: {  	[smem:$0x3FAB] =	sst s2  }
0xb: {  	[smem:$0x3FAC] =	sst s3  }
0xc: {  	[smem:$0x3FAD] =	sst s4  }
0xd: {  	[smem:$0x3FAE] =	sst s5  }
0xe: {  	[smem:$0x3FAF] =	sst s6  }
0xf: {  	[smem:$0x3FB0] =	sst s7  }
0x10: {  	[smem:$0x3FB1] =	sst s8  }
0x11: {  	[smem:$0x3FB2] =	sst s9;
	s0 =	simm.s32 @!p0 $0x0  }
0x12: {  	s1 =	sld [smem:$0x3F98];
	s0 =	simm.s32 @p0 $0x1  }
0x13: {  	[smem:$0x3FB3] =	sst s0;
	s0 =	simm.s32 @!p1 $0x0  }
0x14: {  	s2 =	sld [smem:$0x3F97];
	s0 =	simm.s32 @p1 $0x1  }
0x15: {  	[smem:$0x3FB4] =	sst s0;
	s0 =	simm.s32 @!p2 $0x0  }
0x16: {  	s3 =	sld [smem:$0x3FDB];
	s0 =	simm.s32 @p2 $0x1  }
0x17: {  	s4 =	simm.s32 $0x1BF5;
	[smem:$0x3FB6] =	sst s0  }
0x18: {  	s0 =	sld [smem:$0x3F99];
	_ =	swait.ge [sflag:s4], $0x0  }
0x19: {  	s7 =	sld [smem:$0x3F9A]  }
0x1a: {  	s8 =	sadd.s32 $0xFFFFE003, lr  }
0x1b: {  	s9 =	sadd.s32 $0xFFFFFEF7, lr;
	s5 =	simm.s32 $0xFFFFFFFF;
	p2 =	slt.u32 s8, $0xFFFFF086  }
0x1c: {  	p1 =	slt.u32 s9, $0xF7A;
	s5 =	simm.s32 @!p2 $0x0  }
0x1d: {  	s5 =	simm.s32 @p1 $0x1;
	p0 =	seq.s32 s7, s2  }
0x1e: {  	s7 =	smul.u32 @!p0 $0xF7A, s2;
	p2 =	seq.s32 @!p0 s5, $0x0  }
0x1f: {  	s9 =	smul.u32 $0xF7A, s1;
	s8 =	simm.s32 @!p0 $0x1BF5;
	p2 =	por !p2, p0  }
0x20: {  	[sflag:s8] =	ssyncset.s32 @!p0 $0xFFFFF086;
	s6 =	sadd.s32 @!p0 s3, s7;
	s7 =	simm.s32 @!p0 $0x108  }
0x21: {  	s3 =	sadd.s32 s3, s9;
	s6 =	sadd.s32 @!p0 $0x88, s6;
	s7 =	simm.s32 @p2 $0x1082  }
0x22: {  	[simem:s7], [sflag:s8] =	dma.local @!p0 [hbm:s6], $0xF7A  }
0x23: {  	s9 =	sor.u32 $0xD0000000, s2;
	s6 =	simm.s32 $0x108;
	_ =	swait.ge @!p0 [sflag:s8], $0x0  }
0x24: {  	s3 =	sadd.s32 $0x88, s3;
	s6 =	simm.s32 @!p1 $0x1082;
	[sflag:s4] =	ssyncset.s32 $0xFFFFF086  }
0x25: {  	[simem:s6], [sflag:s4] =	dma.local [hbm:s3], $0xF7A  }
0x26: {  	[smem:$0x3F9A] =	sst s1;
	(tag) =	ssettag s2;
	_ =	strace s9  }
0x27: {  	s1 =	sld [smem:$0x3FAA]  }
0x28: {  	s2 =	sld [smem:$0x3FAB]  }
0x29: {  	s4 =	sld [smem:$0x3FAD]  }
0x2a: {  	p0 =	seq.s32 s5, $0x0;
	s5 =	sld [smem:$0x3FAE]  }
0x2b: {  	s6 =	sld [smem:$0x3FAF]  }
0x2c: {  	s7 =	sld [smem:$0x3FB0]  }
0x2d: {  	s3 =	simm.s32 $0x108;
	s8 =	sld [smem:$0x3FB1]  }
0x2e: {  	s3 =	simm.s32 @!p0 $0x1082;
	s9 =	sld [smem:$0x3FB2]  }
0x2f: {  	lr =	sadd.s32 s0, s3;
	s0 =	sld [smem:$0x3FA9]  }
0x30: {  	s3 =	sld [smem:$0x3FAC]  }
0x31: {  	[smem:$0x3FB5] =	sst s10  }
0x32: {  	s10 =	sld [smem:$0x3FB3];
	_ =	sdelay $0x3  }
0x33: {  	p0 =	seq.s32 s10, $0x1;
	s10 =	sld [smem:$0x3FB5];
	_ =	sdelay $0x3  }
0x34: {  	[smem:$0x3FB5] =	sst s10  }
0x35: {  	s10 =	sld [smem:$0x3FB4];
	_ =	sdelay $0x3  }
0x36: {  	p1 =	seq.s32 s10, $0x1;
	s10 =	sld [smem:$0x3FB5];
	_ =	sdelay $0x3  }
0x37: {  	[smem:$0x3FB5] =	sst s10  }
0x38: {  	s10 =	sld [smem:$0x3FB6]  }
0x39: {  	_ = 	snop;
	(pc) =	sbr.ind lr, $3  }
0x3a: {  	_ = 	snop  }
0x3b: {  	_ = 	snop  }
0x3c: {  	p2 =	seq.s32 s10, $0x1;
	s10 =	sld [smem:$0x3FB5]  }
0x3d: {  	_ =	shalt  }
0x3e: {  	_ =	shalt  }
0x3f: {  	_ =	shalt  }
0x40: {  	_ =	shalt  }
0x41: {  	_ =	shalt  }
0x42: {  	_ =	shalt  }
0x43: {  	_ =	shalt  }
0x44: {  	_ =	shalt  }
0x45: {  	_ =	shalt  }
0x46: {  	_ =	shalt  }
0x47: {  	_ =	shalt  }
0x48: {  	_ =	shalt  }
0x49: {  	_ =	shalt  }
0x4a: {  	_ =	shalt  }
0x4b: {  	_ =	shalt  }
0x4c: {  	_ =	shalt  }
0x4d: {  	_ =	shalt  }
0x4e: {  	_ =	shalt  }
0x4f: {  	_ =	shalt  }
0x50: {  	_ =	shalt  }
0x51: {  	_ =	shalt  }
0x52: {  	_ =	shalt  }
0x53: {  	_ =	shalt  }
0x54: {  	_ =	shalt  }
0x55: {  	_ =	shalt  }
0x56: {  	_ =	shalt  }
0x57: {  	_ =	shalt  }
0x58: {  	_ =	shalt  }
0x59: {  	_ =	shalt  }
0x5a: {  	_ =	shalt  }
0x5b: {  	_ =	shalt  }
0x5c: {  	_ =	shalt  }
0x5d: {  	_ =	shalt  }
0x5e: {  	_ =	shalt  }
0x5f: {  	_ =	shalt  }
0x60: {  	_ =	shalt  }
0x61: {  	_ =	shalt  }
0x62: {  	_ =	shalt  }
0x63: {  	_ =	shalt  }
0x64: {  	_ =	shalt  }
0x65: {  	_ =	shalt  }
0x66: {  	_ =	shalt  }
0x67: {  	_ =	shalt  }
0x68: {  	_ =	shalt  }
0x69: {  	_ =	shalt  }
0x6a: {  	_ =	shalt  }
0x6b: {  	_ =	shalt  }
0x6c: {  	_ =	shalt  }
0x6d: {  	_ =	shalt  }
0x6e: {  	_ =	shalt  }
0x6f: {  	_ =	shalt  }
0x70: {  	_ =	shalt  }
0x71: {  	_ =	shalt  }
0x72: {  	_ =	shalt  }
0x73: {  	_ =	shalt  }
0x74: {  	_ =	shalt  }
0x75: {  	_ =	shalt  }
0x76: {  	_ =	shalt  }
0x77: {  	_ =	shalt  }
0x78: {  	_ =	shalt  }
0x79: {  	_ =	shalt  }
0x7a: {  	_ =	shalt  }
0x7b: {  	_ =	shalt  }
0x7c: {  	_ =	shalt  }
0x7d: {  	_ =	shalt  }
0x7e: {  	_ =	shalt  }
0x7f: {  	_ =	shalt  }
0x80: {  	_ =	shalt  }
0x81: {  	_ =	shalt  }
0x82: {  	_ =	shalt  }
0x83: {  	_ =	shalt  }
0x84: {  	_ =	shalt  }
0x85: {  	_ =	shalt  }
0x86: {  	_ =	shalt  }
0x87: {  	_ =	shalt  }
.Lfunc_end0:
.L_simem_size_0:
called_computation.1_lowered:
.L_overlay_start_0:
0x88: {  	s2 =	sld [smem:$0x3FD9]  }
0x89: {  	s3 =	sld [smem:$0x3FFE];
	_ =	sdelay $0x1  }
0x8a: {  	s1 =	srdreg.scid  }
0x8b: {  	s0 =	sand.u32 $0x1, s1  }
0x8c: {  	s17 =	sshll.u32 s0, $0xA;
	s2 =	sadd.s32 s3, s2  }
0x8d: {  	s2 =	sadd.s32 s2, s17  }
0x8e: {  	[smem:$0x3FC1] =	sst s2  }
0x8f: {  	_ = 	snop  }
0x90: {  	s2 =	sld [smem:$0x3FD0];
	(tm) =	ssettm $0x1  }
0x91: {  	s18 =	sld [smem:$0x3FFB];
	_ =	sdelay $0x3  }
0x92: {  	_ =	strace s18  }
0x93: {  	s3 =	sld [smem:$0x3FFC];
	_ =	sdelay $0x3  }
0x94: {  	_ =	strace s3  }
0x95: {  	s3 =	sld [smem:$0x3FFD];
	_ =	sdelay $0x3  }
0x96: {  	_ =	strace s3  }
0x97: {  	_ =	strace $0x8FFFFFFF  }
0x98: {  	s19 =	sld [smem:$0x3FDB];
	_ =	sdelay $0x1  }
0x99: {  	s4 =	simm.s32 $_scs_section_size  }
0x9a: {  	s5 =	simm.s32 $_size__tile_overlayer_lowered;
	s6 =	simm.s32 $_tile_overlayer_lowered  }
0x9b: {  	s22 =	simm.s32 $0x1BFF;
	s21 =	sshll.u32 s6, $0x1;
	s3 =	sadd.s32 s4, s19  }
0x9c: {  	s7 =	simm.s32 $0x0;
	s20 =	sshll.u32 s5, $0x1;
	s5 =	sadd.s32 s21, s3  }
0x9d: {  	[timem:s7], [sflag:s22] =	dma.local [hbm:s5], s20  }
0x9e: {  	_ =	swait.ge [sflag:s22], s20  }
0x9f: {  	s4 =	ssub.s32 $0x0, s20;
	[sflag:s22] =	ssyncset.done $0x0  }
0xa0: {  	[sflag:s22] =	ssyncadd.s32 s4;
	_ =	sdelay $0x1  }
0xa1: {  	s23 =	simm.s32 $0x1B8B  }
0xa2: {  	_ =	swait.ge [sflag:s23], $0x1  }
0xa3: {  	[sflag:s23] =	ssyncset.done $0x0  }
0xa4: {  	s25 =	simm.s32 $0x1B8E;
	s24 =	sld [smem:$0x3FFE];
	[sflag:s23] =	ssyncadd.s32 $0xFFFFFFFF  }
0xa5: {  	s26 =	simm.s32 $execute0_lowered;
	[smem:$0x3FD2] =	sst s25  }
0xa6: {  	s5 =	sshll.u32 s26, $0x1;
	_ =	strace $0x80000049;
	[dreg:$0x1] =	wrdreg $0xFFFFFFFF  }
0xa7: {  	s28 =	simm.s32 $_size_execute0_lowered;
	s3 =	sadd.s32 s3, s5;
	[dreg:$0x0] =	wrdreg $0x0  }
0xa8: {  	s5 =	sshll.u32 s28, $0x1;
	[dreg:$0x2] =	wrdreg s3  }
0xa9: {  	[dreg:$0x3] =	wrdreg s5  }
0xaa: {  	[dreg:$0x4] =	wrdreg $0xC0  }
0xab: {  	_ =	task [dreg:s7], $0x5FFFF  }
0xac: {  	[dreg:$0x1] =	wrdreg $0xFFFFFFFF  }
0xad: {  	[dreg:$0x0] =	wrdreg $0x60  }
0xae: {  	[dreg:$0x2] =	wrdreg s24  }
0xaf: {  	[dreg:$0x3] =	wrdreg s2  }
0xb0: {  	[dreg:$0x4] =	wrdreg $0x9  }
0xb1: {  	_ =	task.clear_ibuf [dreg:s7], $0x5FFFF;
	_ =	strace $0x90000049  }
0xb2: {  	s29 =	simm.s32 $0x9;
	_ =	strace $0x8000004B  }
0xb3: {  	_ =	swait.ge [sflag:s29], $0x1  }
0xb4: {  	[sflag:s29] =	ssyncadd.s32 $0xFFFFFFFF  }
0xb5: {  	_ =	strace $0x9000004B  }
0xb6: {  	_ =	sfence  }
0xb7: {  	s30 =	sld [smem:$0x0];
	_ =	sdelay $0x2  }
0xb8: {  	s31 =	sshll.u32 s1, $0xD;
	s1 =	sshrl.u32 s1, $0x2  }
0xb9: {  	s3 =	sand.u32 $0x4000, s31;
	s1 =	sadd.s32 s1, s30  }
0xba: {  	s0 =	sor.u32 s3, s0;
	s1 =	sshll.u32 s1, $0x11  }
0xbb: {  	s0 =	sor.u32 s1, s0  }
0xbc: {  	s0 =	sadd.s32 $0x8F2B, s0  }
0xbd: {  	[sflag:s0] =	ssyncadd.remote.s32 $0x1  }
0xbe: {  	_ =	sfence.sel $0xFFFF  }
0xbf: {  	[dreg:$0x0] =	wrdreg $0xFFFFFFFF;
	(pc) =	sbr.abs _section_cstart, $3  }
0xc0: {  	[dreg:$0x1] =	wrdreg $0xFFFFFFFF  }
0xc1: {  	_ =	task.clear_ibuf [dreg:s7], $0x2FFFF;
	_ =	strace $0x9FFFFFFF  }
0xc2: {  	(tm) =	ssettm $0x7FFFFFFF  }
0xc3: {  	_ =	shalt  }
tec
execute0_lowered:
.L_overlay_start_1:
0x0: {  	(tag) =	ssettag $0x1  }
0x1: {  	s3 =	rddreg [dreg:$0x0]  }
0x2: {  	s1 =	rddreg [dreg:$0x1]  }
0x3: {  	s4 =	srdreg.scid;
	s0 =	rddreg [dreg:$0x2];
	s2 =	simm.s32 $0x0  }
0x4: {  	s12 =	simm.s32 $0x2;
	s13 =	simm.s32 $0x188;
	s14 =	simm.s32 $0xE00  }
0x5: {  	s15 =	simm.s32 $0x310;
	s16 =	simm.s32 $0x498;
	s17 =	simm.s32 $0x620  }
0x6: {  	s18 =	simm.s32 $0x7A8;
	s19 =	simm.s32 $0x930;
	s20 =	simm.s32 $0xAB8  }
0x7: {  	s21 =	simm.s32 $0xC40;
	s22 =	simm.s32 $0x1;
	s23 =	simm.s32 $0x0  }
0x8: {  	s6 =	sand.u32 $0x1, s4;
	[smem:$0x7FF] =	sst s2;
	s4 =	sadd.s32 $0xC5400, s3  }
0x9: {  	s5 =	sadd.s32 $0x7A9400, s3;
	s3 =	stileid.u32;
	s7 =	ssub.s32 $0x2, s6  }
0xa: {  	_ =	strace $0x8000004A;
	p0 =	seq.s32 s6, $0x0;
	s31 =	smul.u32 $0x3, s3  }
0xb: {  	s6 =	sshll.u32 s6, $0x8;
	s10 =	sshll.u32 s3, $0x9;
	s8 =	sshrl.u32 s7, $0x1  }
0xc: {  	s11 =	sadd.s32 s6, s5;
	s6 =	simm.s32 $0x5;
	s9 =	ssub.s32 s7, s8  }
0xd: {  	s8 =	smul.u32 $0x5, s3;
	s7 =	sadd.s32 $0x50, s31;
	s10 =	sadd.s32 s10, s11  }
0xe: {  	s6 =	simm.s32 @!p0 $0x3;
	s11 =	simm.s32 $0x400;
	s9 =	smax.u32 s9, $0x1  }
0xf: {  	v0 =	vimm.f32 $0.0e+00;
	s7 =	smov.u32 @p0 s8;
	s8 =	sadd.s32 $0xC4000, s10;
	s10 =	simm.s32 $0x80  }
.LBB2_1:
0x10: {  	s24 =	simm.s32 $0x0  }
.LBB2_2:
0x11: {  	s25 =	sadd.s32 s7, s24  }
0x12: {  	s26 =	sshrl.u32 s25, $0x3  }
0x13: {  	s28 =	sshll.u32 s25, $0x7;
	s26 =	smul.u32 $0x7000, s26  }
0x14: {  	s28 =	sand.u32 $0x380, s28  }
0x15: {  	s26 =	sor.u32 s28, s26  }
0x16: {  	s26 =	sshrl.u32 s26, $0x3  }
0x17: {  	s28 =	simm.s32 $0x0;
	s26 =	sadd.s32 s1, s26  }
0x18: {  	[tilespmem:s28], [sflag:$0x2] =	stream.strided.gather [hbm4b:s26+s10], $0xE00, s11, s10, $0x38;
	[tilespmem:$0xD200] =	vst v63  }
0x19: {  	_ =	swait.ge [sflag:s12], $0xE00  }
0x1a: {  	[sflag:s12] =	ssyncset.done $0x0  }
0x1b: {  	s26 =	simm.s32 $0x0;
	s28 =	simm.s32 $0x200;
	[sflag:s12] =	ssyncadd.s32 $0xFFFFF200  }
.LBB2_3:
0x1c: {  	p0 =	sne.s32 s28, $0x30E00;
	[tilespmem:s26+$0xE70] =	vst v0  }
0x1d: {  	[tilespmem:s26+$0xE00] =	vst v0  }
0x1e: {  	[tilespmem:s26+$0xE10] =	vst v0  }
.Ltmp0:
0x1f: {  	[tilespmem:s26+$0xE20] =	vst v0;
	(pc) =	sbr.rel @p0 .LBB2_3-.Ltmp0, $4  }
0x20: {  	[tilespmem:s26+$0xE30] =	vst v0  }
0x21: {  	[tilespmem:s26+$0xE40] =	vst v0  }
0x22: {  	[tilespmem:s26+$0xE50] =	vst v0  }
0x23: {  	[tilespmem:s26+$0xE60] =	vst v0;
	s26 =	sshra.s32 s28, $0x2;
	s28 =	sadd.s32 $0x200, s28  }
0x24: {  	[tilespmem:s26+$0xE70] =	vst v0  }
0x25: {  	[tilespmem:s26+$0xE00] =	vst v0  }
0x26: {  	[tilespmem:s26+$0xE10] =	vst v0  }
0x27: {  	[tilespmem:s26+$0xE20] =	vst v0  }
0x28: {  	[tilespmem:s26+$0xE30] =	vst v0  }
0x29: {  	[tilespmem:s26+$0xE40] =	vst v0  }
0x2a: {  	[tilespmem:s26+$0xE50] =	vst v0  }
0x2b: {  	[tilespmem:s26+$0xE60] =	vst v0;
	s26 =	simm.s32 $0x0  }
0x2c: {  	[tilespmem:s14], [sflag:$0x1] =	stream.indirect.gather.add.f32 [hbm:s4], $0x80, s26, s13, $0xb8;
	[tilespmem:$0xD200] =	vst v63  }
0x2d: {  	_ = 	snop  }
0x2e: {  	[tilespmem:s14], [sflag:$0x1] =	stream.indirect.gather.add.f32 [hbm:s4], $0x80, s13, s13, $0xb8;
	[tilespmem:$0xD200] =	vst v63  }
0x2f: {  	_ = 	snop  }
0x30: {  	[tilespmem:s14], [sflag:$0x1] =	stream.indirect.gather.add.f32 [hbm:s4], $0x80, s15, s13, $0xb8;
	[tilespmem:$0xD200] =	vst v63  }
0x31: {  	_ = 	snop  }
0x32: {  	[tilespmem:s14], [sflag:$0x1] =	stream.indirect.gather.add.f32 [hbm:s4], $0x80, s16, s13, $0xb8;
	[tilespmem:$0xD200] =	vst v63  }
0x33: {  	_ = 	snop  }
0x34: {  	[tilespmem:s14], [sflag:$0x1] =	stream.indirect.gather.add.f32 [hbm:s4], $0x80, s17, s13, $0xb8;
	[tilespmem:$0xD200] =	vst v63  }
0x35: {  	_ = 	snop  }
0x36: {  	[tilespmem:s14], [sflag:$0x1] =	stream.indirect.gather.add.f32 [hbm:s4], $0x80, s18, s13, $0xb8;
	[tilespmem:$0xD200] =	vst v63  }
0x37: {  	_ = 	snop  }
0x38: {  	[tilespmem:s14], [sflag:$0x1] =	stream.indirect.gather.add.f32 [hbm:s4], $0x80, s19, s13, $0xb8;
	[tilespmem:$0xD200] =	vst v63  }
0x39: {  	_ = 	snop  }
0x3a: {  	[tilespmem:s14], [sflag:$0x1] =	stream.indirect.gather.add.f32 [hbm:s4], $0x80, s20, s13, $0xb8;
	[tilespmem:$0xD200] =	vst v63  }
0x3b: {  	_ = 	snop  }
0x3c: {  	[tilespmem:s14], [sflag:$0x1] =	stream.indirect.gather.add.f32 [hbm:s4], $0x80, s21, s13, $0xb8;
	[tilespmem:$0xD200] =	vst v63  }
0x3d: {  	_ =	swait.ge [sflag:s22], $0xC400  }
0x3e: {  	[sflag:s22] =	ssyncset.done $0x0  }
0x3f: {  	[sflag:s22] =	ssyncadd.s32 $0xFFFF3C00  }
0x40: {  	_ =	swait.ge [sflag:s22], $0xC400  }
0x41: {  	[sflag:s22] =	ssyncset.done $0x0  }
0x42: {  	[sflag:s22] =	ssyncadd.s32 $0xFFFF3C00  }
0x43: {  	_ =	swait.ge [sflag:s22], $0xC400  }
0x44: {  	[sflag:s22] =	ssyncset.done $0x0  }
0x45: {  	[sflag:s22] =	ssyncadd.s32 $0xFFFF3C00  }
0x46: {  	_ =	swait.ge [sflag:s22], $0xC400  }
0x47: {  	[sflag:s22] =	ssyncset.done $0x0  }
0x48: {  	[sflag:s22] =	ssyncadd.s32 $0xFFFF3C00  }
0x49: {  	_ =	swait.ge [sflag:s22], $0xC400  }
0x4a: {  	[sflag:s22] =	ssyncset.done $0x0  }
0x4b: {  	[sflag:s22] =	ssyncadd.s32 $0xFFFF3C00  }
0x4c: {  	_ =	swait.ge [sflag:s22], $0xC400  }
0x4d: {  	[sflag:s22] =	ssyncset.done $0x0  }
0x4e: {  	[sflag:s22] =	ssyncadd.s32 $0xFFFF3C00  }
0x4f: {  	_ =	swait.ge [sflag:s22], $0xC400  }
0x50: {  	[sflag:s22] =	ssyncset.done $0x0  }
0x51: {  	[sflag:s22] =	ssyncadd.s32 $0xFFFF3C00  }
0x52: {  	_ =	swait.ge [sflag:s22], $0xC400  }
0x53: {  	[sflag:s22] =	ssyncset.done $0x0  }
0x54: {  	[sflag:s22] =	ssyncadd.s32 $0xFFFF3C00  }
0x55: {  	s25 =	smul.u32 $0x1880, s25;
	s24 =	sadd.s32 $0x1, s24;
	_ =	swait.ge [sflag:s22], $0xC400  }
0x56: {  	p0 =	sne.s32 s24, s6;
	[sflag:s22] =	ssyncset.done $0x0  }
.Ltmp1:
0x57: {  	s25 =	sadd.s32 s5, s25;
	[sflag:s22] =	ssyncadd.s32 $0xFFFF3C00;
	(pc) =	sbr.rel @p0 .LBB2_2-.Ltmp1, $4  }
0x58: {  	[hbm4b:s25+s26] =	stream.linear.scatter [tilespmem:s14], [sflag:$0x2], $0xC400, $0x38;
	[tilespmem:$0xD200] =	vst v63  }
0x59: {  	_ =	swait.ge [sflag:s12], $0xC400  }
0x5a: {  	[sflag:s12] =	ssyncset.done $0x0  }
0x5b: {  	[sflag:s12] =	ssyncadd.s32 $0xFFFF3C00  }
0x5c: {  	s24 =	sshra.s32 s26, $0x2;
	s25 =	sadd.s32 $0x200, s26  }
.LBB2_6:
0x5d: {  	p0 =	sne.s32 s25, $0x1E00;
	[tilespmem:s24+$0xE70] =	vst v0  }
0x5e: {  	[tilespmem:s24+$0xE00] =	vst v0  }
0x5f: {  	[tilespmem:s24+$0xE10] =	vst v0  }
.Ltmp2:
0x60: {  	[tilespmem:s24+$0xE20] =	vst v0;
	(pc) =	sbr.rel @p0 .LBB2_6-.Ltmp2, $4  }
0x61: {  	[tilespmem:s24+$0xE30] =	vst v0  }
0x62: {  	[tilespmem:s24+$0xE40] =	vst v0  }
0x63: {  	[tilespmem:s24+$0xE50] =	vst v0  }
0x64: {  	[tilespmem:s24+$0xE60] =	vst v0;
	s24 =	sshra.s32 s25, $0x2;
	s25 =	sadd.s32 $0x200, s25  }
0x65: {  	[tilespmem:s24+$0xE70] =	vst v0  }
0x66: {  	[tilespmem:s24+$0xE00] =	vst v0  }
0x67: {  	[tilespmem:s24+$0xE10] =	vst v0  }
0x68: {  	[tilespmem:s24+$0xE20] =	vst v0  }
0x69: {  	[tilespmem:s24+$0xE30] =	vst v0  }
0x6a: {  	[tilespmem:s24+$0xE40] =	vst v0;
	s23 =	sadd.s32 $0x1, s23  }
0x6b: {  	[tilespmem:s24+$0xE50] =	vst v0;
	p0 =	sne.s32 s23, s9  }
.Ltmp3:
0x6c: {  	[tilespmem:s24+$0xE60] =	vst v0;
	(pc) =	sbr.rel @p0 .LBB2_1-.Ltmp3, $4  }
0x6d: {  	[hbm4b:s8+s2] =	stream.linear.scatter [tilespmem:s14], [sflag:$0x2], $0x800, $0x38;
	[tilespmem:$0xD200] =	vst v63  }
0x6e: {  	_ =	swait.ge [sflag:s12], $0x800  }
0x6f: {  	[sflag:s12] =	ssyncset.done $0x0  }
0x70: {  	[sflag:s12] =	ssyncadd.s32 $0xFFFFF800  }
0x71: {  	_ =	sfence.sel $0x180000  }
0x72: {  	[bflag:$0x0] =	sbarrier.arrive $0xFFFF  }
0x73: {  	p0 =	sne.s32 s3, $0x0;
	_ =	strace $0x9000004A  }
0x74: {  	s0 =	sadd.s32 @!p0 $0x100000, s0;
	[bflag:$0x2] =	sbarrier.arrive $0xFFFF  }
0x75: {  	[sflag:s0] =	ssyncadd.tile.s32 @!p0 $0x1;
	_ =	shalt  }
.Lfunc_end2:
_tile_overlayer_lowered:
.L_overlay_start_2:
0x76: {  	(tag) =	ssettag $0x2  }
0x77: {  	s0 =	rddreg [dreg:$0x0];
	s2 =	stileid.u32  }
0x78: {  	s1 =	rddreg [dreg:$0x1];
	p0 =	sne.s32 s2, $0x0  }
0x79: {  	s3 =	rddreg [dreg:$0x2];
	[bflag:$0x3] =	sbarrier.arrive $0xFFFF;
	s2 =	simm.s32 @!p0 $0x1C02  }
0x7a: {  	[timem:s3], [sflag:s2] =	dma.local @!p0 [hbm:s0], s1  }
0x7b: {  	s0 =	simm.s32 @!p0 $0x2  }
0x7c: {  	_ =	swait.ge @!p0 [sflag:s0], s1  }
0x7d: {  	s1 =	ssub.s32 @!p0 $0x0, s1;
	[sflag:s0] =	ssyncset.done @!p0 $0x0  }
0x7e: {  	[sflag:s0] =	ssyncadd.s32 @!p0 s1  }
0x7f: {  	[bflag:$0x3] =	sbarrier.arrive $0xFFFF  }
0x80: {  	_ =	shalt  }

// kernel: kernel.13.cloned.1.call-start
scs
__scs_entry_jumppad:
0x0: {  	(pc) =	sbr.rel $0x88, $3  }
0x1: {  	(tag) =	ssettag $0x0;
	lr =	simm.s32 $0x1  }
0x2: {  	[smem:$0x3F9A] =	sst lr;
	_ =	strace $0xD0000000  }
0x3: {  	_ = 	snop  }
0x4: {  	_ = 	snop  }
0x5: {  	_ = 	snop  }
0x6: {  	_ = 	snop  }
0x7: {  	_ = 	snop  }
__scs_overlays_trampoline_lowered:
0x8: {  	[smem:$0x3FA9] =	sst s0  }
0x9: {  	[smem:$0x3FAA] =	sst s1  }
0xa: {  	[smem:$0x3FAB] =	sst s2  }
0xb: {  	[smem:$0x3FAC] =	sst s3  }
0xc: {  	[smem:$0x3FAD] =	sst s4  }
0xd: {  	[smem:$0x3FAE] =	sst s5  }
0xe: {  	[smem:$0x3FAF] =	sst s6  }
0xf: {  	[smem:$0x3FB0] =	sst s7  }
0x10: {  	[smem:$0x3FB1] =	sst s8  }
0x11: {  	[smem:$0x3FB2] =	sst s9;
	s0 =	simm.s32 @!p0 $0x0  }
0x12: {  	s1 =	sld [smem:$0x3F98];
	s0 =	simm.s32 @p0 $0x1  }
0x13: {  	[smem:$0x3FB3] =	sst s0;
	s0 =	simm.s32 @!p1 $0x0  }
0x14: {  	s2 =	sld [smem:$0x3F97];
	s0 =	simm.s32 @p1 $0x1  }
0x15: {  	[smem:$0x3FB4] =	sst s0;
	s0 =	simm.s32 @!p2 $0x0  }
0x16: {  	s3 =	sld [smem:$0x3FDB];
	s0 =	simm.s32 @p2 $0x1  }
0x17: {  	s4 =	simm.s32 $0x1BF5;
	[smem:$0x3FB6] =	sst s0  }
0x18: {  	s0 =	sld [smem:$0x3F99];
	_ =	swait.ge [sflag:s4], $0x0  }
0x19: {  	s7 =	sld [smem:$0x3F9A]  }
0x1a: {  	s8 =	sadd.s32 $0xFFFFE003, lr  }
0x1b: {  	s9 =	sadd.s32 $0xFFFFFEF7, lr;
	s5 =	simm.s32 $0xFFFFFFFF;
	p2 =	slt.u32 s8, $0xFFFFF086  }
0x1c: {  	p1 =	slt.u32 s9, $0xF7A;
	s5 =	simm.s32 @!p2 $0x0  }
0x1d: {  	s5 =	simm.s32 @p1 $0x1;
	p0 =	seq.s32 s7, s2  }
0x1e: {  	s7 =	smul.u32 @!p0 $0xF7A, s2;
	p2 =	seq.s32 @!p0 s5, $0x0  }
0x1f: {  	s9 =	smul.u32 $0xF7A, s1;
	s8 =	simm.s32 @!p0 $0x1BF5;
	p2 =	por !p2, p0  }
0x20: {  	[sflag:s8] =	ssyncset.s32 @!p0 $0xFFFFF086;
	s6 =	sadd.s32 @!p0 s3, s7;
	s7 =	simm.s32 @!p0 $0x108  }
0x21: {  	s3 =	sadd.s32 s3, s9;
	s6 =	sadd.s32 @!p0 $0x88, s6;
	s7 =	simm.s32 @p2 $0x1082  }
0x22: {  	[simem:s7], [sflag:s8] =	dma.local @!p0 [hbm:s6], $0xF7A  }
0x23: {  	s9 =	sor.u32 $0xD0000000, s2;
	s6 =	simm.s32 $0x108;
	_ =	swait.ge @!p0 [sflag:s8], $0x0  }
0x24: {  	s3 =	sadd.s32 $0x88, s3;
	s6 =	simm.s32 @!p1 $0x1082;
	[sflag:s4] =	ssyncset.s32 $0xFFFFF086  }
0x25: {  	[simem:s6], [sflag:s4] =	dma.local [hbm:s3], $0xF7A  }
0x26: {  	[smem:$0x3F9A] =	sst s1;
	(tag) =	ssettag s2;
	_ =	strace s9  }
0x27: {  	s1 =	sld [smem:$0x3FAA]  }
0x28: {  	s2 =	sld [smem:$0x3FAB]  }
0x29: {  	s4 =	sld [smem:$0x3FAD]  }
0x2a: {  	p0 =	seq.s32 s5, $0x0;
	s5 =	sld [smem:$0x3FAE]  }
0x2b: {  	s6 =	sld [smem:$0x3FAF]  }
0x2c: {  	s7 =	sld [smem:$0x3FB0]  }
0x2d: {  	s3 =	simm.s32 $0x108;
	s8 =	sld [smem:$0x3FB1]  }
0x2e: {  	s3 =	simm.s32 @!p0 $0x1082;
	s9 =	sld [smem:$0x3FB2]  }
0x2f: {  	lr =	sadd.s32 s0, s3;
	s0 =	sld [smem:$0x3FA9]  }
0x30: {  	s3 =	sld [smem:$0x3FAC]  }
0x31: {  	[smem:$0x3FB5] =	sst s10  }
0x32: {  	s10 =	sld [smem:$0x3FB3];
	_ =	sdelay $0x3  }
0x33: {  	p0 =	seq.s32 s10, $0x1;
	s10 =	sld [smem:$0x3FB5];
	_ =	sdelay $0x3  }
0x34: {  	[smem:$0x3FB5] =	sst s10  }
0x35: {  	s10 =	sld [smem:$0x3FB4];
	_ =	sdelay $0x3  }
0x36: {  	p1 =	seq.s32 s10, $0x1;
	s10 =	sld [smem:$0x3FB5];
	_ =	sdelay $0x3  }
0x37: {  	[smem:$0x3FB5] =	sst s10  }
0x38: {  	s10 =	sld [smem:$0x3FB6]  }
0x39: {  	_ = 	snop;
	(pc) =	sbr.ind lr, $3  }
0x3a: {  	_ = 	snop  }
0x3b: {  	_ = 	snop  }
0x3c: {  	p2 =	seq.s32 s10, $0x1;
	s10 =	sld [smem:$0x3FB5]  }
0x3d: {  	_ =	shalt  }
0x3e: {  	_ =	shalt  }
0x3f: {  	_ =	shalt  }
0x40: {  	_ =	shalt  }
0x41: {  	_ =	shalt  }
0x42: {  	_ =	shalt  }
0x43: {  	_ =	shalt  }
0x44: {  	_ =	shalt  }
0x45: {  	_ =	shalt  }
0x46: {  	_ =	shalt  }
0x47: {  	_ =	shalt  }
0x48: {  	_ =	shalt  }
0x49: {  	_ =	shalt  }
0x4a: {  	_ =	shalt  }
0x4b: {  	_ =	shalt  }
0x4c: {  	_ =	shalt  }
0x4d: {  	_ =	shalt  }
0x4e: {  	_ =	shalt  }
0x4f: {  	_ =	shalt  }
0x50: {  	_ =	shalt  }
0x51: {  	_ =	shalt  }
0x52: {  	_ =	shalt  }
0x53: {  	_ =	shalt  }
0x54: {  	_ =	shalt  }
0x55: {  	_ =	shalt  }
0x56: {  	_ =	shalt  }
0x57: {  	_ =	shalt  }
0x58: {  	_ =	shalt  }
0x59: {  	_ =	shalt  }
0x5a: {  	_ =	shalt  }
0x5b: {  	_ =	shalt  }
0x5c: {  	_ =	shalt  }
0x5d: {  	_ =	shalt  }
0x5e: {  	_ =	shalt  }
0x5f: {  	_ =	shalt  }
0x60: {  	_ =	shalt  }
0x61: {  	_ =	shalt  }
0x62: {  	_ =	shalt  }
0x63: {  	_ =	shalt  }
0x64: {  	_ =	shalt  }
0x65: {  	_ =	shalt  }
0x66: {  	_ =	shalt  }
0x67: {  	_ =	shalt  }
0x68: {  	_ =	shalt  }
0x69: {  	_ =	shalt  }
0x6a: {  	_ =	shalt  }
0x6b: {  	_ =	shalt  }
0x6c: {  	_ =	shalt  }
0x6d: {  	_ =	shalt  }
0x6e: {  	_ =	shalt  }
0x6f: {  	_ =	shalt  }
0x70: {  	_ =	shalt  }
0x71: {  	_ =	shalt  }
0x72: {  	_ =	shalt  }
0x73: {  	_ =	shalt  }
0x74: {  	_ =	shalt  }
0x75: {  	_ =	shalt  }
0x76: {  	_ =	shalt  }
0x77: {  	_ =	shalt  }
0x78: {  	_ =	shalt  }
0x79: {  	_ =	shalt  }
0x7a: {  	_ =	shalt  }
0x7b: {  	_ =	shalt  }
0x7c: {  	_ =	shalt  }
0x7d: {  	_ =	shalt  }
0x7e: {  	_ =	shalt  }
0x7f: {  	_ =	shalt  }
0x80: {  	_ =	shalt  }
0x81: {  	_ =	shalt  }
0x82: {  	_ =	shalt  }
0x83: {  	_ =	shalt  }
0x84: {  	_ =	shalt  }
0x85: {  	_ =	shalt  }
0x86: {  	_ =	shalt  }
0x87: {  	_ =	shalt  }
.Lfunc_end0:
.L_simem_size_0:
called_computation.2_lowered:
.L_overlay_start_0:
0x88: {  	s2 =	sld [smem:$0x3FD9]  }
0x89: {  	s3 =	sld [smem:$0x3FFE];
	_ =	sdelay $0x1  }
0x8a: {  	s1 =	srdreg.scid  }
0x8b: {  	s0 =	sand.u32 $0x1, s1  }
0x8c: {  	s17 =	sshll.u32 s0, $0xA;
	s2 =	sadd.s32 s3, s2  }
0x8d: {  	s2 =	sadd.s32 s2, s17  }
0x8e: {  	[smem:$0x3FC1] =	sst s2  }
0x8f: {  	_ = 	snop  }
0x90: {  	s2 =	sld [smem:$0x3FC7]  }
0x91: {  	s18 =	sld [smem:$0x3FD0];
	(tm) =	ssettm $0x1  }
0x92: {  	s4 =	sld [smem:$0x3FFB];
	_ =	sdelay $0x3  }
0x93: {  	_ =	strace s4  }
0x94: {  	s4 =	sld [smem:$0x3FFC];
	_ =	sdelay $0x3  }
0x95: {  	_ =	strace s4  }
0x96: {  	s4 =	sld [smem:$0x3FFD];
	_ =	sdelay $0x3  }
0x97: {  	_ =	strace s4  }
0x98: {  	_ =	strace $0x8FFFFFFF  }
0x99: {  	s19 =	sld [smem:$0x3FDB];
	_ =	sdelay $0x1  }
0x9a: {  	s5 =	simm.s32 $_scs_section_size  }
0x9b: {  	s6 =	simm.s32 $_size__tile_overlayer_lowered;
	s7 =	simm.s32 $_tile_overlayer_lowered  }
0x9c: {  	s22 =	simm.s32 $0x1BFF;
	s21 =	sshll.u32 s7, $0x1;
	s4 =	sadd.s32 s5, s19  }
0x9d: {  	s8 =	simm.s32 $0x0;
	s20 =	sshll.u32 s6, $0x1;
	s6 =	sadd.s32 s21, s4  }
0x9e: {  	[timem:s8], [sflag:s22] =	dma.local [hbm:s6], s20  }
0x9f: {  	_ =	swait.ge [sflag:s22], s20  }
0xa0: {  	s5 =	ssub.s32 $0x0, s20;
	[sflag:s22] =	ssyncset.done $0x0  }
0xa1: {  	[sflag:s22] =	ssyncadd.s32 s5;
	_ =	sdelay $0x1  }
0xa2: {  	s23 =	simm.s32 $0x1B8B  }
0xa3: {  	_ =	swait.ge [sflag:s23], $0x1  }
0xa4: {  	[sflag:s23] =	ssyncset.done $0x0  }
0xa5: {  	s25 =	simm.s32 $0x1B8E;
	s24 =	sld [smem:$0x3FFE];
	[sflag:s23] =	ssyncadd.s32 $0xFFFFFFFF  }
0xa6: {  	s26 =	simm.s32 $execute0_lowered;
	[smem:$0x3FD2] =	sst s25  }
0xa7: {  	s6 =	sshll.u32 s26, $0x1;
	_ =	strace $0x8000004C;
	[dreg:$0x1] =	wrdreg $0xFFFFFFFF  }
0xa8: {  	s28 =	simm.s32 $_size_execute0_lowered;
	s4 =	sadd.s32 s4, s6;
	[dreg:$0x0] =	wrdreg $0x0  }
0xa9: {  	s6 =	sshll.u32 s28, $0x1;
	[dreg:$0x2] =	wrdreg s4  }
0xaa: {  	[dreg:$0x3] =	wrdreg s6  }
0xab: {  	[dreg:$0x4] =	wrdreg $0xC0  }
0xac: {  	_ =	task [dreg:s8], $0x5FFFF  }
0xad: {  	[dreg:$0x1] =	wrdreg $0xFFFFFFFF  }
0xae: {  	[dreg:$0x0] =	wrdreg $0x60  }
0xaf: {  	[dreg:$0x2] =	wrdreg s24  }
0xb0: {  	[dreg:$0x3] =	wrdreg s2  }
0xb1: {  	[dreg:$0x4] =	wrdreg s18  }
0xb2: {  	[dreg:$0x5] =	wrdreg $0x9  }
0xb3: {  	_ =	task.clear_ibuf [dreg:s8], $0x6FFFF;
	_ =	strace $0x9000004C  }
0xb4: {  	s29 =	simm.s32 $0x9;
	_ =	strace $0x8000004E  }
0xb5: {  	_ =	swait.ge [sflag:s29], $0x1  }
0xb6: {  	[sflag:s29] =	ssyncadd.s32 $0xFFFFFFFF  }
0xb7: {  	_ =	strace $0x9000004E  }
0xb8: {  	_ =	sfence  }
0xb9: {  	s30 =	sld [smem:$0x0];
	_ =	sdelay $0x2  }
0xba: {  	s31 =	sshll.u32 s1, $0xD;
	s1 =	sshrl.u32 s1, $0x2  }
0xbb: {  	s3 =	sand.u32 $0x4000, s31;
	s1 =	sadd.s32 s1, s30  }
0xbc: {  	s0 =	sor.u32 s3, s0;
	s1 =	sshll.u32 s1, $0x11  }
0xbd: {  	s0 =	sor.u32 s1, s0  }
0xbe: {  	s0 =	sadd.s32 $0x8F2B, s0  }
0xbf: {  	[sflag:s0] =	ssyncadd.remote.s32 $0x1  }
0xc0: {  	_ =	sfence.sel $0xFFFF  }
0xc1: {  	[dreg:$0x0] =	wrdreg $0xFFFFFFFF;
	(pc) =	sbr.abs _section_cstart, $3  }
0xc2: {  	[dreg:$0x1] =	wrdreg $0xFFFFFFFF  }
0xc3: {  	_ =	task.clear_ibuf [dreg:s8], $0x2FFFF;
	_ =	strace $0x9FFFFFFF  }
0xc4: {  	(tm) =	ssettm $0x7FFFFFFF  }
0xc5: {  	_ =	shalt  }
tec
execute0_lowered:
.L_overlay_start_1:
0x0: {  	(tag) =	ssettag $0x1  }
0x1: {  	s5 =	rddreg [dreg:$0x0]  }
0x2: {  	s1 =	rddreg [dreg:$0x1]  }
0x3: {  	s2 =	rddreg [dreg:$0x2]  }
0x4: {  	s0 =	rddreg [dreg:$0x3];
	s3 =	simm.s32 $0x0  }
0x5: {  	s4 =	srdreg.scid;
	s10 =	simm.s32 $0x1;
	s11 =	simm.s32 $0x8100  }
0x6: {  	s12 =	simm.s32 $0x0;
	[smem:$0x7FF] =	sst s3;
	s6 =	sand.u32 $0x1, s4  }
0x7: {  	s4 =	stileid.u32;
	s5 =	sadd.s32 $0x7A9400, s5;
	s7 =	ssub.s32 $0x2, s6  }
0x8: {  	s9 =	sshll.u32 s4, $0xA;
	s6 =	sshll.u32 s6, $0x9;
	s8 =	sshrl.u32 s7, $0x1  }
0x9: {  	v0 =	vlaneseq.u32;
	_ =	strace $0x8000004D;
	s6 =	sor.u32 s6, s9;
	s7 =	ssub.s32 s7, s8  }
0xa: {  	v0 =	vor.u32 $0xC400, v0;
	s9 =	simm.s32 $0x100;
	s8 =	simm.s32 $0x2;
	s7 =	smax.u32 s7, $0x1  }
.LBB2_1:
0xb: {  	s13 =	simm.s32 $0x0  }
.LBB2_2:
0xc: {  	s14 =	sshll.u32 s13, $0x6  }
0xd: {  	s14 =	sadd.s32 s6, s14  }
0xe: {  	s15 =	sshrl.u32 s14, $0x1  }
0xf: {  	s16 =	sadd.s32 s1, s15;
	s15 =	simm.s32 $0x0  }
0x10: {  	[tilespmem:s15], [sflag:$0x2] =	stream.linear.gather [hbm4b:s16+s15], $0x100, $0x38;
	[tilespmem:$0xA100] =	vst v63  }
0x11: {  	_ =	swait.ge [sflag:s8], $0x100  }
0x12: {  	[sflag:s8] =	ssyncset.done $0x0  }
0x13: {  	[sflag:s8] =	ssyncadd.s32 $0xFFFFFF00  }
0x14: {  	s17 =	simm.s32 $0x10;
	s16 =	simm.s32 $0x0;
	v1 =	vld [tilespmem:s15+$0x0]  }
.LBB2_3:
0x15: {  	p0 =	sne.s32 s17, $0xF0;
	_ =	sdelay $0x2  }
.Ltmp0:
0x16: {  	(pc) =	sbr.rel @p0 .LBB2_3-.Ltmp0, $4  }
0x17: {  	v2 =	vor.u32 s15, v0;
	s15 =	smov.u32 s17;
	vm0 =	vlt.s32 v1, $0xC350  }
0x18: {  	v1 =	vsel vm0, v1, v2  }
0x19: {  	[tilespmem:s16+$0x0] =	vst v1;
	s16 =	sadd.s32 $0x10, s16  }
0x1a: {  	s17 =	sadd.s32 $0x10, s17;
	v1 =	vld [tilespmem:s16+$0x0]  }
0x1b: {  	_ =	sdelay $0x3  }
0x1c: {  	v2 =	vor.u32 s15, v0;
	vm0 =	vlt.s32 v1, $0xC350  }
0x1d: {  	v1 =	vsel vm0, v1, v2  }
0x1e: {  	s31 =	simm.s32 $0x0;
	[tilespmem:s16+$0x0] =	vst v1  }
0x1f: {  	[tilespmem:s9], [sflag:$0x1] =	stream.indirect.gather [hbm4b:s5+s9], $0x80, s31, s9, $0xb8;
	[tilespmem:$0xA100] =	vst v63  }
0x20: {  	_ =	swait.ge [sflag:s10], $0x8000  }
0x21: {  	[sflag:s10] =	ssyncset.done $0x0  }
0x22: {  	s15 =	simm.s32 $0x200;
	[sflag:s10] =	ssyncadd.s32 $0xFFFF8000  }
0x23: {  	v1 =	vld [tilespmem:s15+$0xFFFFFF00]  }
0x24: {  	v2 =	vld [tilespmem:s15+$0x80]  }
0x25: {  	v3 =	vld [tilespmem:s15+$0x0]  }
0x26: {  	v4 =	vld [tilespmem:s15+$0xFFFFFF80];
	_ =	sdelay $0x4  }
0x27: {  	v2 =	vmax.f32 v3, v2;
	v1 =	vmax.f32 v1, v4  }
0x28: {  	v1 =	vmax.f32 v1, v2  }
0x29: {  	s16 =	simm.s32 $0x0;
	v1 =	vmax.f32 v1, $0.0e+00  }
0x2a: {  	[tilespmem:s16+$0x8100] =	vst v1  }
0x2b: {  	v1 =	vld [tilespmem:s15+$0x10]  }
0x2c: {  	v2 =	vld [tilespmem:s15+$0xFFFFFF90]  }
0x2d: {  	v3 =	vld [tilespmem:s15+$0x90]  }
0x2e: {  	v59 =	vld [tilespmem:s15+$0xFFFFFF10];
	_ =	sdelay $0x4  }
0x2f: {  	v1 =	vmax.f32 v1, v3;
	v2 =	vmax.f32 v59, v2  }
0x30: {  	v1 =	vmax.f32 v2, v1  }
0x31: {  	v1 =	vmax.f32 v1, $0.0e+00  }
0x32: {  	[tilespmem:s16+$0x8110] =	vst v1  }
0x33: {  	v1 =	vld [tilespmem:s15+$0x20]  }
0x34: {  	v2 =	vld [tilespmem:s15+$0xFFFFFFA0]  }
0x35: {  	v3 =	vld [tilespmem:s15+$0xFFFFFF20]  }
0x36: {  	v60 =	vld [tilespmem:s15+$0xA0];
	_ =	sdelay $0x4  }
0x37: {  	v2 =	vmax.f32 v3, v2;
	v1 =	vmax.f32 v1, v60  }
0x38: {  	v1 =	vmax.f32 v2, v1  }
0x39: {  	v1 =	vmax.f32 v1, $0.0e+00  }
0x3a: {  	[tilespmem:s16+$0x8120] =	vst v1  }
0x3b: {  	v1 =	vld [tilespmem:s15+$0xB0]  }
0x3c: {  	v2 =	vld [tilespmem:s15+$0xFFFFFFB0]  }
0x3d: {  	v3 =	vld [tilespmem:s15+$0xFFFFFF30]  }
0x3e: {  	v61 =	vld [tilespmem:s15+$0x30];
	_ =	sdelay $0x4  }
0x3f: {  	v2 =	vmax.f32 v3, v2;
	v1 =	vmax.f32 v61, v1  }
0x40: {  	v1 =	vmax.f32 v2, v1  }
0x41: {  	v1 =	vmax.f32 v1, $0.0e+00  }
0x42: {  	[tilespmem:s16+$0x8130] =	vst v1  }
0x43: {  	v1 =	vld [tilespmem:s15+$0x40]  }
0x44: {  	v2 =	vld [tilespmem:s15+$0xFFFFFFC0]  }
0x45: {  	v3 =	vld [tilespmem:s15+$0xFFFFFF40]  }
0x46: {  	v62 =	vld [tilespmem:s15+$0xC0];
	_ =	sdelay $0x4  }
0x47: {  	v2 =	vmax.f32 v3, v2;
	v1 =	vmax.f32 v1, v62  }
0x48: {  	v1 =	vmax.f32 v2, v1  }
0x49: {  	v1 =	vmax.f32 v1, $0.0e+00  }
0x4a: {  	[tilespmem:s16+$0x8140] =	vst v1  }
0x4b: {  	v1 =	vld [tilespmem:s15+$0xFFFFFFD0]  }
0x4c: {  	v2 =	vld [tilespmem:s15+$0x50]  }
0x4d: {  	v3 =	vld [tilespmem:s15+$0xFFFFFF50]  }
0x4e: {  	v63 =	vld [tilespmem:s15+$0xD0];
	_ =	sdelay $0x4  }
0x4f: {  	v1 =	vmax.f32 v3, v1;
	v2 =	vmax.f32 v2, v63  }
0x50: {  	v1 =	vmax.f32 v1, v2  }
0x51: {  	v1 =	vmax.f32 v1, $0.0e+00  }
0x52: {  	[tilespmem:s16+$0x8150] =	vst v1  }
0x53: {  	v1 =	vld [tilespmem:s15+$0xE0]  }
0x54: {  	s17 =	simm.s32 $0x200;
	s18 =	simm.s32 $0x200;
	v2 =	vld [tilespmem:s15+$0xFFFFFFE0]  }
.LBB2_5:
0x55: {  	p0 =	sne.s32 s17, $0x7E00  }
0x56: {  	v3 =	vld [tilespmem:s15+$0xFFFFFF60];
	s18 =	sadd.s32 $0x200, s18;
	s19 =	smov.u32 s17;
	s17 =	sadd.s32 $0x200, s17  }
0x57: {  	v4 =	vld [tilespmem:s15+$0x60];
	_ =	sdelay $0x3  }
0x58: {  	v2 =	vmax.f32 v3, v2  }
0x59: {  	v1 =	vmax.f32 v4, v1  }
0x5a: {  	v1 =	vmax.f32 v2, v1  }
0x5b: {  	v1 =	vmax.f32 v1, $0.0e+00  }
0x5c: {  	[tilespmem:s16+$0x8160] =	vst v1  }
0x5d: {  	v1 =	vld [tilespmem:s15+$0xFFFFFF70]  }
0x5e: {  	v2 =	vld [tilespmem:s15+$0xF0]  }
0x5f: {  	v3 =	vld [tilespmem:s15+$0xFFFFFFF0]  }
0x60: {  	v4 =	vld [tilespmem:s15+$0x70];
	s15 =	smov.u32 s18;
	_ =	sdelay $0x3  }
0x61: {  	v1 =	vmax.f32 v1, v3  }
0x62: {  	v2 =	vmax.f32 v4, v2  }
0x63: {  	v1 =	vmax.f32 v1, v2  }
0x64: {  	v1 =	vmax.f32 v1, $0.0e+00  }
0x65: {  	[tilespmem:s16+$0x8170] =	vst v1  }
0x66: {  	v1 =	vld [tilespmem:s18+$0xFFFFFF00]  }
0x67: {  	v2 =	vld [tilespmem:s18+$0x80]  }
0x68: {  	v3 =	vld [tilespmem:s18+$0x0]  }
0x69: {  	v4 =	vld [tilespmem:s18+$0xFFFFFF80];
	_ =	sdelay $0x3  }
0x6a: {  	v2 =	vmax.f32 v3, v2  }
0x6b: {  	v1 =	vmax.f32 v1, v4  }
0x6c: {  	v1 =	vmax.f32 v1, v2  }
0x6d: {  	s16 =	sshra.s32 s19, $0x2;
	v1 =	vmax.f32 v1, $0.0e+00  }
0x6e: {  	[tilespmem:s16+$0x8100] =	vst v1  }
0x6f: {  	v1 =	vld [tilespmem:s18+$0x10]  }
0x70: {  	v2 =	vld [tilespmem:s18+$0xFFFFFF90]  }
0x71: {  	v3 =	vld [tilespmem:s18+$0x90]  }
0x72: {  	v4 =	vld [tilespmem:s18+$0xFFFFFF10];
	_ =	sdelay $0x3  }
0x73: {  	v1 =	vmax.f32 v1, v3  }
0x74: {  	v2 =	vmax.f32 v4, v2  }
0x75: {  	v1 =	vmax.f32 v2, v1  }
0x76: {  	v1 =	vmax.f32 v1, $0.0e+00  }
0x77: {  	[tilespmem:s16+$0x8110] =	vst v1  }
0x78: {  	v1 =	vld [tilespmem:s18+$0x20]  }
0x79: {  	v2 =	vld [tilespmem:s18+$0xFFFFFFA0]  }
0x7a: {  	v3 =	vld [tilespmem:s18+$0xFFFFFF20]  }
0x7b: {  	v4 =	vld [tilespmem:s18+$0xA0];
	_ =	sdelay $0x3  }
0x7c: {  	v2 =	vmax.f32 v3, v2  }
0x7d: {  	v1 =	vmax.f32 v1, v4  }
0x7e: {  	v1 =	vmax.f32 v2, v1  }
0x7f: {  	v1 =	vmax.f32 v1, $0.0e+00  }
0x80: {  	[tilespmem:s16+$0x8120] =	vst v1  }
0x81: {  	v1 =	vld [tilespmem:s18+$0xB0]  }
0x82: {  	v2 =	vld [tilespmem:s18+$0xFFFFFFB0]  }
0x83: {  	v3 =	vld [tilespmem:s18+$0xFFFFFF30]  }
0x84: {  	v4 =	vld [tilespmem:s18+$0x30];
	_ =	sdelay $0x3  }
0x85: {  	v2 =	vmax.f32 v3, v2  }
0x86: {  	v1 =	vmax.f32 v4, v1  }
0x87: {  	v1 =	vmax.f32 v2, v1  }
0x88: {  	v1 =	vmax.f32 v1, $0.0e+00  }
0x89: {  	[tilespmem:s16+$0x8130] =	vst v1  }
0x8a: {  	v1 =	vld [tilespmem:s18+$0x40]  }
0x8b: {  	v2 =	vld [tilespmem:s18+$0xFFFFFFC0]  }
0x8c: {  	v3 =	vld [tilespmem:s18+$0xFFFFFF40]  }
0x8d: {  	v4 =	vld [tilespmem:s18+$0xC0];
	_ =	sdelay $0x3  }
0x8e: {  	v2 =	vmax.f32 v3, v2  }
0x8f: {  	v1 =	vmax.f32 v1, v4  }
0x90: {  	v1 =	vmax.f32 v2, v1  }
0x91: {  	v1 =	vmax.f32 v1, $0.0e+00  }
0x92: {  	[tilespmem:s16+$0x8140] =	vst v1  }
0x93: {  	v1 =	vld [tilespmem:s18+$0xFFFFFFD0]  }
0x94: {  	v2 =	vld [tilespmem:s18+$0x50]  }
0x95: {  	v3 =	vld [tilespmem:s18+$0xFFFFFF50]  }
0x96: {  	v4 =	vld [tilespmem:s18+$0xD0];
	_ =	sdelay $0x3  }
0x97: {  	v1 =	vmax.f32 v3, v1  }
0x98: {  	v2 =	vmax.f32 v2, v4  }
.Ltmp1:
0x99: {  	v1 =	vmax.f32 v1, v2;
	(pc) =	sbr.rel @p0 .LBB2_5-.Ltmp1, $4  }
0x9a: {  	v1 =	vmax.f32 v1, $0.0e+00  }
0x9b: {  	[tilespmem:s16+$0x8150] =	vst v1  }
0x9c: {  	v1 =	vld [tilespmem:s18+$0xE0]  }
0x9d: {  	v2 =	vld [tilespmem:s18+$0xFFFFFFE0]  }
0x9e: {  	v3 =	vld [tilespmem:s15+$0xFFFFFF60]  }
0x9f: {  	v4 =	vld [tilespmem:s15+$0x60];
	_ =	sdelay $0x4  }
0xa0: {  	v2 =	vmax.f32 v3, v2;
	v1 =	vmax.f32 v4, v1  }
0xa1: {  	v1 =	vmax.f32 v2, v1  }
0xa2: {  	v1 =	vmax.f32 v1, $0.0e+00  }
0xa3: {  	[tilespmem:s16+$0x8160] =	vst v1  }
0xa4: {  	v1 =	vld [tilespmem:s15+$0xFFFFFF70]  }
0xa5: {  	v2 =	vld [tilespmem:s15+$0xF0]  }
0xa6: {  	v3 =	vld [tilespmem:s15+$0xFFFFFFF0]  }
0xa7: {  	v63 =	vld [tilespmem:s15+$0x70];
	_ =	sdelay $0x4  }
0xa8: {  	v1 =	vmax.f32 v1, v3;
	v2 =	vmax.f32 v63, v2  }
0xa9: {  	s13 =	sadd.s32 $0x1, s13;
	v1 =	vmax.f32 v1, v2  }
0xaa: {  	s14 =	sshll.u32 s14, $0x4;
	p0 =	sne.s32 s13, $0x8;
	v1 =	vmax.f32 v1, $0.0e+00  }
.Ltmp2:
0xab: {  	s14 =	sadd.s32 s2, s14;
	[tilespmem:s16+$0x8170] =	vst v1;
	(pc) =	sbr.rel @p0 .LBB2_2-.Ltmp2, $4  }
0xac: {  	[hbm4b:s14+s3] =	stream.linear.scatter [tilespmem:s11], [sflag:$0x2], $0x2000, $0x38;
	[tilespmem:$0xA100] =	vst v63  }
0xad: {  	_ =	swait.ge [sflag:s8], $0x2000  }
0xae: {  	[sflag:s8] =	ssyncset.done $0x0  }
0xaf: {  	[sflag:s8] =	ssyncadd.s32 $0xFFFFE000  }
0xb0: {  	s12 =	sadd.s32 $0x1, s12  }
0xb1: {  	p0 =	sne.s32 s12, s7  }
.Ltmp3:
0xb2: {  	_ = 	snop;
	(pc) =	sbr.rel @p0 .LBB2_1-.Ltmp3, $1  }
0xb3: {  	_ =	sdelay $0x3  }
0xb4: {  	_ =	sfence.sel $0x180000  }
0xb5: {  	[bflag:$0x0] =	sbarrier.arrive $0xFFFF  }
0xb6: {  	p0 =	sne.s32 s4, $0x0;
	_ =	strace $0x9000004D  }
0xb7: {  	s0 =	sadd.s32 @!p0 $0x100000, s0;
	[bflag:$0x2] =	sbarrier.arrive $0xFFFF  }
0xb8: {  	[sflag:s0] =	ssyncadd.tile.s32 @!p0 $0x1;
	_ =	shalt  }
.Lfunc_end2:
_tile_overlayer_lowered:
.L_overlay_start_2:
0xb9: {  	(tag) =	ssettag $0x2  }
0xba: {  	s0 =	rddreg [dreg:$0x0];
	s2 =	stileid.u32  }
0xbb: {  	s1 =	rddreg [dreg:$0x1];
	p0 =	sne.s32 s2, $0x0  }
0xbc: {  	s3 =	rddreg [dreg:$0x2];
	[bflag:$0x3] =	sbarrier.arrive $0xFFFF;
	s2 =	simm.s32 @!p0 $0x1C02  }
0xbd: {  	[timem:s3], [sflag:s2] =	dma.local @!p0 [hbm:s0], s1  }
0xbe: {  	s0 =	simm.s32 @!p0 $0x2  }
0xbf: {  	_ =	swait.ge @!p0 [sflag:s0], s1  }
0xc0: {  	s1 =	ssub.s32 @!p0 $0x0, s1;
	[sflag:s0] =	ssyncset.done @!p0 $0x0  }
0xc1: {  	[sflag:s0] =	ssyncadd.s32 @!p0 s1  }
0xc2: {  	[bflag:$0x3] =	sbarrier.arrive $0xFFFF  }
0xc3: {  	_ =	shalt  }

// kernel: kernel.7.cloned.1.call-start
scs
__scs_entry_jumppad:
0x0: {  	(pc) =	sbr.rel $0x88, $3  }
0x1: {  	(tag) =	ssettag $0x0;
	lr =	simm.s32 $0x1  }
0x2: {  	[smem:$0x3F9A] =	sst lr;
	_ =	strace $0xD0000000  }
0x3: {  	_ = 	snop  }
0x4: {  	_ = 	snop  }
0x5: {  	_ = 	snop  }
0x6: {  	_ = 	snop  }
0x7: {  	_ = 	snop  }
__scs_overlays_trampoline_lowered:
0x8: {  	[smem:$0x3FA9] =	sst s0  }
0x9: {  	[smem:$0x3FAA] =	sst s1  }
0xa: {  	[smem:$0x3FAB] =	sst s2  }
0xb: {  	[smem:$0x3FAC] =	sst s3  }
0xc: {  	[smem:$0x3FAD] =	sst s4  }
0xd: {  	[smem:$0x3FAE] =	sst s5  }
0xe: {  	[smem:$0x3FAF] =	sst s6  }
0xf: {  	[smem:$0x3FB0] =	sst s7  }
0x10: {  	[smem:$0x3FB1] =	sst s8  }
0x11: {  	[smem:$0x3FB2] =	sst s9;
	s0 =	simm.s32 @!p0 $0x0  }
0x12: {  	s1 =	sld [smem:$0x3F98];
	s0 =	simm.s32 @p0 $0x1  }
0x13: {  	[smem:$0x3FB3] =	sst s0;
	s0 =	simm.s32 @!p1 $0x0  }
0x14: {  	s2 =	sld [smem:$0x3F97];
	s0 =	simm.s32 @p1 $0x1  }
0x15: {  	[smem:$0x3FB4] =	sst s0;
	s0 =	simm.s32 @!p2 $0x0  }
0x16: {  	s3 =	sld [smem:$0x3FDB];
	s0 =	simm.s32 @p2 $0x1  }
0x17: {  	s4 =	simm.s32 $0x1BF5;
	[smem:$0x3FB6] =	sst s0  }
0x18: {  	s0 =	sld [smem:$0x3F99];
	_ =	swait.ge [sflag:s4], $0x0  }
0x19: {  	s7 =	sld [smem:$0x3F9A]  }
0x1a: {  	s8 =	sadd.s32 $0xFFFFE003, lr  }
0x1b: {  	s9 =	sadd.s32 $0xFFFFFEF7, lr;
	s5 =	simm.s32 $0xFFFFFFFF;
	p2 =	slt.u32 s8, $0xFFFFF086  }
0x1c: {  	p1 =	slt.u32 s9, $0xF7A;
	s5 =	simm.s32 @!p2 $0x0  }
0x1d: {  	s5 =	simm.s32 @p1 $0x1;
	p0 =	seq.s32 s7, s2  }
0x1e: {  	s7 =	smul.u32 @!p0 $0xF7A, s2;
	p2 =	seq.s32 @!p0 s5, $0x0  }
0x1f: {  	s9 =	smul.u32 $0xF7A, s1;
	s8 =	simm.s32 @!p0 $0x1BF5;
	p2 =	por !p2, p0  }
0x20: {  	[sflag:s8] =	ssyncset.s32 @!p0 $0xFFFFF086;
	s6 =	sadd.s32 @!p0 s3, s7;
	s7 =	simm.s32 @!p0 $0x108  }
0x21: {  	s3 =	sadd.s32 s3, s9;
	s6 =	sadd.s32 @!p0 $0x88, s6;
	s7 =	simm.s32 @p2 $0x1082  }
0x22: {  	[simem:s7], [sflag:s8] =	dma.local @!p0 [hbm:s6], $0xF7A  }
0x23: {  	s9 =	sor.u32 $0xD0000000, s2;
	s6 =	simm.s32 $0x108;
	_ =	swait.ge @!p0 [sflag:s8], $0x0  }
0x24: {  	s3 =	sadd.s32 $0x88, s3;
	s6 =	simm.s32 @!p1 $0x1082;
	[sflag:s4] =	ssyncset.s32 $0xFFFFF086  }
0x25: {  	[simem:s6], [sflag:s4] =	dma.local [hbm:s3], $0xF7A  }
0x26: {  	[smem:$0x3F9A] =	sst s1;
	(tag) =	ssettag s2;
	_ =	strace s9  }
0x27: {  	s1 =	sld [smem:$0x3FAA]  }
0x28: {  	s2 =	sld [smem:$0x3FAB]  }
0x29: {  	s4 =	sld [smem:$0x3FAD]  }
0x2a: {  	p0 =	seq.s32 s5, $0x0;
	s5 =	sld [smem:$0x3FAE]  }
0x2b: {  	s6 =	sld [smem:$0x3FAF]  }
0x2c: {  	s7 =	sld [smem:$0x3FB0]  }
0x2d: {  	s3 =	simm.s32 $0x108;
	s8 =	sld [smem:$0x3FB1]  }
0x2e: {  	s3 =	simm.s32 @!p0 $0x1082;
	s9 =	sld [smem:$0x3FB2]  }
0x2f: {  	lr =	sadd.s32 s0, s3;
	s0 =	sld [smem:$0x3FA9]  }
0x30: {  	s3 =	sld [smem:$0x3FAC]  }
0x31: {  	[smem:$0x3FB5] =	sst s10  }
0x32: {  	s10 =	sld [smem:$0x3FB3];
	_ =	sdelay $0x3  }
0x33: {  	p0 =	seq.s32 s10, $0x1;
	s10 =	sld [smem:$0x3FB5];
	_ =	sdelay $0x3  }
0x34: {  	[smem:$0x3FB5] =	sst s10  }
0x35: {  	s10 =	sld [smem:$0x3FB4];
	_ =	sdelay $0x3  }
0x36: {  	p1 =	seq.s32 s10, $0x1;
	s10 =	sld [smem:$0x3FB5];
	_ =	sdelay $0x3  }
0x37: {  	[smem:$0x3FB5] =	sst s10  }
0x38: {  	s10 =	sld [smem:$0x3FB6]  }
0x39: {  	_ = 	snop;
	(pc) =	sbr.ind lr, $3  }
0x3a: {  	_ = 	snop  }
0x3b: {  	_ = 	snop  }
0x3c: {  	p2 =	seq.s32 s10, $0x1;
	s10 =	sld [smem:$0x3FB5]  }
0x3d: {  	_ =	shalt  }
0x3e: {  	_ =	shalt  }
0x3f: {  	_ =	shalt  }
0x40: {  	_ =	shalt  }
0x41: {  	_ =	shalt  }
0x42: {  	_ =	shalt  }
0x43: {  	_ =	shalt  }
0x44: {  	_ =	shalt  }
0x45: {  	_ =	shalt  }
0x46: {  	_ =	shalt  }
0x47: {  	_ =	shalt  }
0x48: {  	_ =	shalt  }
0x49: {  	_ =	shalt  }
0x4a: {  	_ =	shalt  }
0x4b: {  	_ =	shalt  }
0x4c: {  	_ =	shalt  }
0x4d: {  	_ =	shalt  }
0x4e: {  	_ =	shalt  }
0x4f: {  	_ =	shalt  }
0x50: {  	_ =	shalt  }
0x51: {  	_ =	shalt  }
0x52: {  	_ =	shalt  }
0x53: {  	_ =	shalt  }
0x54: {  	_ =	shalt  }
0x55: {  	_ =	shalt  }
0x56: {  	_ =	shalt  }
0x57: {  	_ =	shalt  }
0x58: {  	_ =	shalt  }
0x59: {  	_ =	shalt  }
0x5a: {  	_ =	shalt  }
0x5b: {  	_ =	shalt  }
0x5c: {  	_ =	shalt  }
0x5d: {  	_ =	shalt  }
0x5e: {  	_ =	shalt  }
0x5f: {  	_ =	shalt  }
0x60: {  	_ =	shalt  }
0x61: {  	_ =	shalt  }
0x62: {  	_ =	shalt  }
0x63: {  	_ =	shalt  }
0x64: {  	_ =	shalt  }
0x65: {  	_ =	shalt  }
0x66: {  	_ =	shalt  }
0x67: {  	_ =	shalt  }
0x68: {  	_ =	shalt  }
0x69: {  	_ =	shalt  }
0x6a: {  	_ =	shalt  }
0x6b: {  	_ =	shalt  }
0x6c: {  	_ =	shalt  }
0x6d: {  	_ =	shalt  }
0x6e: {  	_ =	shalt  }
0x6f: {  	_ =	shalt  }
0x70: {  	_ =	shalt  }
0x71: {  	_ =	shalt  }
0x72: {  	_ =	shalt  }
0x73: {  	_ =	shalt  }
0x74: {  	_ =	shalt  }
0x75: {  	_ =	shalt  }
0x76: {  	_ =	shalt  }
0x77: {  	_ =	shalt  }
0x78: {  	_ =	shalt  }
0x79: {  	_ =	shalt  }
0x7a: {  	_ =	shalt  }
0x7b: {  	_ =	shalt  }
0x7c: {  	_ =	shalt  }
0x7d: {  	_ =	shalt  }
0x7e: {  	_ =	shalt  }
0x7f: {  	_ =	shalt  }
0x80: {  	_ =	shalt  }
0x81: {  	_ =	shalt  }
0x82: {  	_ =	shalt  }
0x83: {  	_ =	shalt  }
0x84: {  	_ =	shalt  }
0x85: {  	_ =	shalt  }
0x86: {  	_ =	shalt  }
0x87: {  	_ =	shalt  }
.Lfunc_end0:
.L_simem_size_0:
called_computation_lowered:
.L_overlay_start_0:
0x88: {  	s2 =	sld [smem:$0x3FD9]  }
0x89: {  	s3 =	sld [smem:$0x3FFE];
	_ =	sdelay $0x1  }
0x8a: {  	s1 =	srdreg.scid  }
0x8b: {  	s0 =	sand.u32 $0x1, s1  }
0x8c: {  	s17 =	sshll.u32 s0, $0xA;
	s2 =	sadd.s32 s3, s2  }
0x8d: {  	s2 =	sadd.s32 s2, s17  }
0x8e: {  	[smem:$0x3FC1] =	sst s2  }
0x8f: {  	_ = 	snop  }
0x90: {  	s2 =	sld [smem:$0x3FD0];
	(tm) =	ssettm $0x1  }
0x91: {  	s18 =	sld [smem:$0x3FFB];
	_ =	sdelay $0x3  }
0x92: {  	_ =	strace s18  }
0x93: {  	s3 =	sld [smem:$0x3FFC];
	_ =	sdelay $0x3  }
0x94: {  	_ =	strace s3  }
0x95: {  	s3 =	sld [smem:$0x3FFD];
	_ =	sdelay $0x3  }
0x96: {  	_ =	strace s3  }
0x97: {  	_ =	strace $0x8FFFFFFF  }
0x98: {  	s19 =	sld [smem:$0x3FDB];
	_ =	sdelay $0x1  }
0x99: {  	s4 =	simm.s32 $_scs_section_size  }
0x9a: {  	s5 =	simm.s32 $_size__tile_overlayer_lowered;
	s6 =	simm.s32 $_tile_overlayer_lowered  }
0x9b: {  	s22 =	simm.s32 $0x1BFF;
	s21 =	sshll.u32 s6, $0x1;
	s3 =	sadd.s32 s4, s19  }
0x9c: {  	s7 =	simm.s32 $0x0;
	s20 =	sshll.u32 s5, $0x1;
	s5 =	sadd.s32 s21, s3  }
0x9d: {  	[timem:s7], [sflag:s22] =	dma.local [hbm:s5], s20  }
0x9e: {  	_ =	swait.ge [sflag:s22], s20  }
0x9f: {  	s4 =	ssub.s32 $0x0, s20;
	[sflag:s22] =	ssyncset.done $0x0  }
0xa0: {  	[sflag:s22] =	ssyncadd.s32 s4;
	_ =	sdelay $0x1  }
0xa1: {  	s23 =	simm.s32 $0x1B8B  }
0xa2: {  	_ =	swait.ge [sflag:s23], $0x1  }
0xa3: {  	[sflag:s23] =	ssyncset.done $0x0  }
0xa4: {  	s25 =	simm.s32 $0x1B8E;
	s24 =	sld [smem:$0x3FFE];
	[sflag:s23] =	ssyncadd.s32 $0xFFFFFFFF  }
0xa5: {  	s26 =	simm.s32 $execute0_lowered;
	[smem:$0x3FD2] =	sst s25  }
0xa6: {  	s5 =	sshll.u32 s26, $0x1;
	_ =	strace $0x80000046;
	[dreg:$0x1] =	wrdreg $0xFFFFFFFF  }
0xa7: {  	s28 =	simm.s32 $_size_execute0_lowered;
	s3 =	sadd.s32 s3, s5;
	[dreg:$0x0] =	wrdreg $0x0  }
0xa8: {  	s5 =	sshll.u32 s28, $0x1;
	[dreg:$0x2] =	wrdreg s3  }
0xa9: {  	[dreg:$0x3] =	wrdreg s5  }
0xaa: {  	[dreg:$0x4] =	wrdreg $0xC0  }
0xab: {  	_ =	task [dreg:s7], $0x5FFFF  }
0xac: {  	[dreg:$0x1] =	wrdreg $0xFFFFFFFF  }
0xad: {  	[dreg:$0x0] =	wrdreg $0x60  }
0xae: {  	[dreg:$0x2] =	wrdreg s24  }
0xaf: {  	[dreg:$0x3] =	wrdreg s2  }
0xb0: {  	[dreg:$0x4] =	wrdreg $0x9  }
0xb1: {  	_ =	task.clear_ibuf [dreg:s7], $0x5FFFF;
	_ =	strace $0x90000046  }
0xb2: {  	s29 =	simm.s32 $0x9;
	_ =	strace $0x80000048  }
0xb3: {  	_ =	swait.ge [sflag:s29], $0x1  }
0xb4: {  	[sflag:s29] =	ssyncadd.s32 $0xFFFFFFFF  }
0xb5: {  	_ =	strace $0x90000048  }
0xb6: {  	_ =	sfence  }
0xb7: {  	s30 =	sld [smem:$0x0];
	_ =	sdelay $0x2  }
0xb8: {  	s31 =	sshll.u32 s1, $0xD;
	s1 =	sshrl.u32 s1, $0x2  }
0xb9: {  	s3 =	sand.u32 $0x4000, s31;
	s1 =	sadd.s32 s1, s30  }
0xba: {  	s0 =	sor.u32 s3, s0;
	s1 =	sshll.u32 s1, $0x11  }
0xbb: {  	s0 =	sor.u32 s1, s0  }
0xbc: {  	s0 =	sadd.s32 $0x8F2B, s0  }
0xbd: {  	[sflag:s0] =	ssyncadd.remote.s32 $0x1  }
0xbe: {  	_ =	sfence.sel $0xFFFF  }
0xbf: {  	[dreg:$0x0] =	wrdreg $0xFFFFFFFF;
	(pc) =	sbr.abs _section_cstart, $3  }
0xc0: {  	[dreg:$0x1] =	wrdreg $0xFFFFFFFF  }
0xc1: {  	_ =	task.clear_ibuf [dreg:s7], $0x2FFFF;
	_ =	strace $0x9FFFFFFF  }
0xc2: {  	(tm) =	ssettm $0x7FFFFFFF  }
0xc3: {  	_ =	shalt  }
tec
execute0_lowered:
.L_overlay_start_1:
0x0: {  	(tag) =	ssettag $0x1  }
0x1: {  	s5 =	rddreg [dreg:$0x0]  }
0x2: {  	s1 =	rddreg [dreg:$0x1]  }
0x3: {  	s0 =	rddreg [dreg:$0x2]  }
0x4: {  	s3 =	simm.s32 $0x0;
	s4 =	srdreg.scid;
	s2 =	stileid.u32  }
0x5: {  	s11 =	simm.s32 $0x2;
	s12 =	simm.s32 $0x188;
	s13 =	simm.s32 $0xE00  }
0x6: {  	s14 =	simm.s32 $0x310;
	s15 =	simm.s32 $0x498;
	s16 =	simm.s32 $0x620  }
0x7: {  	s17 =	simm.s32 $0x7A8;
	s18 =	simm.s32 $0x930;
	s19 =	simm.s32 $0xAB8  }
0x8: {  	s20 =	simm.s32 $0xC40;
	s21 =	simm.s32 $0x1;
	s22 =	simm.s32 $0x0  }
0x9: {  	[smem:$0x7FF] =	sst s3;
	s6 =	sand.u32 $0x1, s4;
	s7 =	smul.u32 $0x3, s2  }
0xa: {  	s4 =	sadd.s32 $0xC5400, s5;
	s5 =	sadd.s32 $0x1400, s5;
	s10 =	smul.u32 $0x5, s2  }
0xb: {  	_ =	strace $0x80000047;
	s8 =	ssub.s32 $0x2, s6;
	p0 =	seq.s32 s6, $0x0  }
0xc: {  	s6 =	simm.s32 $0x5;
	s9 =	sshrl.u32 s8, $0x1;
	s7 =	sadd.s32 $0x50, s7  }
0xd: {  	s6 =	simm.s32 @!p0 $0x3;
	s8 =	ssub.s32 s8, s9;
	s7 =	smov.u32 @p0 s10  }
0xe: {  	v0 =	vimm.f32 $0.0e+00;
	s9 =	simm.s32 $0x80;
	s10 =	simm.s32 $0x400;
	s8 =	smax.u32 s8, $0x1  }
.LBB2_1:
0xf: {  	s23 =	simm.s32 $0x0  }
.LBB2_2:
0x10: {  	s24 =	sadd.s32 s7, s23  }
0x11: {  	s25 =	sshrl.u32 s24, $0x3  }
0x12: {  	s26 =	sshll.u32 s24, $0x7;
	s25 =	smul.u32 $0x7000, s25  }
0x13: {  	s26 =	sand.u32 $0x380, s26  }
0x14: {  	s25 =	sor.u32 s26, s25  }
0x15: {  	s25 =	sshrl.u32 s25, $0x3  }
0x16: {  	s31 =	simm.s32 $0x0;
	s25 =	sadd.s32 s1, s25  }
0x17: {  	[tilespmem:s31], [sflag:$0x2] =	stream.strided.gather [hbm4b:s25+s9], $0xE00, s10, s9, $0x38;
	[tilespmem:$0xD200] =	vst v63  }
0x18: {  	_ =	swait.ge [sflag:s11], $0xE00  }
0x19: {  	[sflag:s11] =	ssyncset.done $0x0  }
0x1a: {  	s26 =	simm.s32 $0x200;
	s25 =	simm.s32 $0x0;
	[sflag:s11] =	ssyncadd.s32 $0xFFFFF200  }
.LBB2_3:
0x1b: {  	p0 =	sne.s32 s26, $0x30E00;
	[tilespmem:s25+$0xE70] =	vst v0  }
0x1c: {  	[tilespmem:s25+$0xE00] =	vst v0  }
0x1d: {  	[tilespmem:s25+$0xE10] =	vst v0  }
.Ltmp0:
0x1e: {  	[tilespmem:s25+$0xE20] =	vst v0;
	(pc) =	sbr.rel @p0 .LBB2_3-.Ltmp0, $4  }
0x1f: {  	[tilespmem:s25+$0xE30] =	vst v0  }
0x20: {  	[tilespmem:s25+$0xE40] =	vst v0  }
0x21: {  	[tilespmem:s25+$0xE50] =	vst v0  }
0x22: {  	[tilespmem:s25+$0xE60] =	vst v0;
	s25 =	sshra.s32 s26, $0x2;
	s26 =	sadd.s32 $0x200, s26  }
0x23: {  	[tilespmem:s25+$0xE70] =	vst v0  }
0x24: {  	[tilespmem:s25+$0xE00] =	vst v0  }
0x25: {  	[tilespmem:s25+$0xE10] =	vst v0  }
0x26: {  	[tilespmem:s25+$0xE20] =	vst v0  }
0x27: {  	[tilespmem:s25+$0xE30] =	vst v0  }
0x28: {  	[tilespmem:s25+$0xE40] =	vst v0  }
0x29: {  	[tilespmem:s25+$0xE50] =	vst v0  }
0x2a: {  	[tilespmem:s25+$0xE60] =	vst v0  }
0x2b: {  	[tilespmem:s13], [sflag:$0x1] =	stream.indirect.gather.add.f32 [hbm:s4], $0x80, s3, s12, $0xb8;
	[tilespmem:$0xD200] =	vst v63  }
0x2c: {  	_ = 	snop  }
0x2d: {  	[tilespmem:s13], [sflag:$0x1] =	stream.indirect.gather.add.f32 [hbm:s4], $0x80, s12, s12, $0xb8;
	[tilespmem:$0xD200] =	vst v63  }
0x2e: {  	_ = 	snop  }
0x2f: {  	[tilespmem:s13], [sflag:$0x1] =	stream.indirect.gather.add.f32 [hbm:s4], $0x80, s14, s12, $0xb8;
	[tilespmem:$0xD200] =	vst v63  }
0x30: {  	_ = 	snop  }
0x31: {  	[tilespmem:s13], [sflag:$0x1] =	stream.indirect.gather.add.f32 [hbm:s4], $0x80, s15, s12, $0xb8;
	[tilespmem:$0xD200] =	vst v63  }
0x32: {  	_ = 	snop  }
0x33: {  	[tilespmem:s13], [sflag:$0x1] =	stream.indirect.gather.add.f32 [hbm:s4], $0x80, s16, s12, $0xb8;
	[tilespmem:$0xD200] =	vst v63  }
0x34: {  	_ = 	snop  }
0x35: {  	[tilespmem:s13], [sflag:$0x1] =	stream.indirect.gather.add.f32 [hbm:s4], $0x80, s17, s12, $0xb8;
	[tilespmem:$0xD200] =	vst v63  }
0x36: {  	_ = 	snop  }
0x37: {  	[tilespmem:s13], [sflag:$0x1] =	stream.indirect.gather.add.f32 [hbm:s4], $0x80, s18, s12, $0xb8;
	[tilespmem:$0xD200] =	vst v63  }
0x38: {  	_ = 	snop  }
0x39: {  	[tilespmem:s13], [sflag:$0x1] =	stream.indirect.gather.add.f32 [hbm:s4], $0x80, s19, s12, $0xb8;
	[tilespmem:$0xD200] =	vst v63  }
0x3a: {  	_ = 	snop  }
0x3b: {  	[tilespmem:s13], [sflag:$0x1] =	stream.indirect.gather.add.f32 [hbm:s4], $0x80, s20, s12, $0xb8;
	[tilespmem:$0xD200] =	vst v63  }
0x3c: {  	_ =	swait.ge [sflag:s21], $0xC400  }
0x3d: {  	[sflag:s21] =	ssyncset.done $0x0  }
0x3e: {  	[sflag:s21] =	ssyncadd.s32 $0xFFFF3C00  }
0x3f: {  	_ =	swait.ge [sflag:s21], $0xC400  }
0x40: {  	[sflag:s21] =	ssyncset.done $0x0  }
0x41: {  	[sflag:s21] =	ssyncadd.s32 $0xFFFF3C00  }
0x42: {  	_ =	swait.ge [sflag:s21], $0xC400  }
0x43: {  	[sflag:s21] =	ssyncset.done $0x0  }
0x44: {  	[sflag:s21] =	ssyncadd.s32 $0xFFFF3C00  }
0x45: {  	_ =	swait.ge [sflag:s21], $0xC400  }
0x46: {  	[sflag:s21] =	ssyncset.done $0x0  }
0x47: {  	[sflag:s21] =	ssyncadd.s32 $0xFFFF3C00  }
0x48: {  	_ =	swait.ge [sflag:s21], $0xC400  }
0x49: {  	[sflag:s21] =	ssyncset.done $0x0  }
0x4a: {  	[sflag:s21] =	ssyncadd.s32 $0xFFFF3C00  }
0x4b: {  	_ =	swait.ge [sflag:s21], $0xC400  }
0x4c: {  	[sflag:s21] =	ssyncset.done $0x0  }
0x4d: {  	[sflag:s21] =	ssyncadd.s32 $0xFFFF3C00  }
0x4e: {  	_ =	swait.ge [sflag:s21], $0xC400  }
0x4f: {  	[sflag:s21] =	ssyncset.done $0x0  }
0x50: {  	[sflag:s21] =	ssyncadd.s32 $0xFFFF3C00  }
0x51: {  	_ =	swait.ge [sflag:s21], $0xC400  }
0x52: {  	[sflag:s21] =	ssyncset.done $0x0  }
0x53: {  	[sflag:s21] =	ssyncadd.s32 $0xFFFF3C00  }
0x54: {  	s24 =	smul.u32 $0x1880, s24;
	s23 =	sadd.s32 $0x1, s23;
	_ =	swait.ge [sflag:s21], $0xC400  }
0x55: {  	p0 =	sne.s32 s23, s6;
	[sflag:s21] =	ssyncset.done $0x0  }
.Ltmp1:
0x56: {  	s24 =	sadd.s32 s5, s24;
	[sflag:s21] =	ssyncadd.s32 $0xFFFF3C00;
	(pc) =	sbr.rel @p0 .LBB2_2-.Ltmp1, $4  }
0x57: {  	[hbm4b:s24+s3] =	stream.linear.scatter [tilespmem:s13], [sflag:$0x2], $0xC400, $0x38;
	[tilespmem:$0xD200] =	vst v63  }
0x58: {  	_ =	swait.ge [sflag:s11], $0xC400  }
0x59: {  	[sflag:s11] =	ssyncset.done $0x0  }
0x5a: {  	[sflag:s11] =	ssyncadd.s32 $0xFFFF3C00  }
0x5b: {  	s22 =	sadd.s32 $0x1, s22  }
0x5c: {  	p0 =	sne.s32 s22, s8  }
.Ltmp2:
0x5d: {  	_ = 	snop;
	(pc) =	sbr.rel @p0 .LBB2_1-.Ltmp2, $1  }
0x5e: {  	_ =	sdelay $0x3  }
0x5f: {  	_ =	sfence.sel $0x180000  }
0x60: {  	[bflag:$0x0] =	sbarrier.arrive $0xFFFF  }
0x61: {  	p0 =	sne.s32 s2, $0x0;
	_ =	strace $0x90000047  }
0x62: {  	s0 =	sadd.s32 @!p0 $0x100000, s0;
	[bflag:$0x2] =	sbarrier.arrive $0xFFFF  }
0x63: {  	[sflag:s0] =	ssyncadd.tile.s32 @!p0 $0x1;
	_ =	shalt  }
.Lfunc_end2:
_tile_overlayer_lowered:
.L_overlay_start_2:
0x64: {  	(tag) =	ssettag $0x2  }
0x65: {  	s0 =	rddreg [dreg:$0x0];
	s2 =	stileid.u32  }
0x66: {  	s1 =	rddreg [dreg:$0x1];
	p0 =	sne.s32 s2, $0x0  }
0x67: {  	s3 =	rddreg [dreg:$0x2];
	[bflag:$0x3] =	sbarrier.arrive $0xFFFF;
	s2 =	simm.s32 @!p0 $0x1C02  }
0x68: {  	[timem:s3], [sflag:s2] =	dma.local @!p0 [hbm:s0], s1  }
0x69: {  	s0 =	simm.s32 @!p0 $0x2  }
0x6a: {  	_ =	swait.ge @!p0 [sflag:s0], s1  }
0x6b: {  	s1 =	ssub.s32 @!p0 $0x0, s1;
	[sflag:s0] =	ssyncset.done @!p0 $0x0  }
0x6c: {  	[sflag:s0] =	ssyncadd.s32 @!p0 s1  }
0x6d: {  	[bflag:$0x3] =	sbarrier.arrive $0xFFFF  }
0x6e: {  	_ =	shalt  }

</sc_bundles>
